<compile_context>
chip_gen: v7x
topology: tpu7x:2x2x1
jax: 0.10.2.dev20260603
libtpu: 0.0.44.dev20260713+nightly
codegen_flags: <defaults>
</compile_context>

<pallas_src>
import functools

import jax
import jax.numpy as jnp
from jax import lax
from jax.experimental import pallas as pl
from jax.experimental.pallas import tpu as pltpu
from jax.experimental.pallas import tpu_sc as plsc

N = 50000
E = 800000
DIN = 640
H = 128
G = 64
NC, NS, L = 2, 16, 16
EPAD = 819200
ROWS = EPAD // 128
PAD = EPAD - E
NCHUNK = 4
CW = H // NCHUNK
ACC_ROWS = N + 16
RB = 1000
NBLK = N // RB
DEGN = 51200


def _mesh():
    return plsc.VectorSubcoreMesh(
        core_axis_name="c", subcore_axis_name="s", num_cores=NC,
        num_subcores=NS)


def _deg(dstr):
    @functools.partial(
        pl.kernel,
        out_type=jax.ShapeDtypeStruct((NC, DEGN), jnp.float32),
        mesh=_mesh(),
        scratch_types=[
            pltpu.VMEM_SHARED((DEGN,), jnp.float32),
            pltpu.VMEM((3200,), jnp.float32),
            pltpu.VMEM((128,), jnp.float32),
            pltpu.VMEM((8, 128), jnp.int32),
        ],
        compiler_params=pltpu.CompilerParams(use_tc_tiling_on_sc=False),
    )
    def deg_kernel(dst_hbm, degp_hbm, degacc, zb, ob, db):
        c = lax.axis_index("c")
        s = lax.axis_index("s")

        def fill(j, _):
            zb[pl.ds(j * L, L)] = jnp.zeros((L,), jnp.float32)
            return 0
        lax.fori_loop(0, 3200 // L, fill, 0)

        def fill1(j, _):
            ob[pl.ds(j * L, L)] = jnp.ones((L,), jnp.float32)
            return 0
        lax.fori_loop(0, 128 // L, fill1, 0)

        pltpu.sync_copy(zb, degacc.at[pl.ds(s * 3200, 3200)])
        plsc.subcore_barrier()

        base = c * (ROWS // NC) + s * 200

        def grp(g, _):
            r0 = base + g * 8
            pltpu.sync_copy(dst_hbm.at[pl.ds(r0, 8), :], db)
            for j in range(8):
                pltpu.sync_copy(ob, degacc.at[db.at[j]], add=True)
            return 0
        lax.fori_loop(0, 25, grp, 0)

        plsc.subcore_barrier()
        pltpu.sync_copy(degacc.at[pl.ds(s * 3200, 3200)],
                        degp_hbm.at[c, pl.ds(s * 3200, 3200)])

    return deg_kernel(dstr)


GR = 1
GE = GR * 128
NG = (ROWS // NS) // GR
NSLOT = 6
DG = 4
DS = 5
PF = 3
NIDX = 10


def _agg(ypflat, src4f, dstr, zeros):
    @functools.partial(
        pl.kernel,
        out_type=jax.ShapeDtypeStruct((N, NCHUNK, CW), jnp.float32),
        mesh=_mesh(),
        scratch_types=[
            pltpu.VMEM_SHARED((ACC_ROWS, CW), jnp.float32),
            pltpu.VMEM((NIDX * GE,), jnp.int32),
            pltpu.VMEM((NIDX, GR, 128), jnp.int32),
            pltpu.VMEM((NSLOT * GE, CW), jnp.float32),
            pltpu.SemaphoreType.DMA,
            pltpu.SemaphoreType.DMA,
            pltpu.SemaphoreType.DMA,
        ],
        compiler_params=pltpu.CompilerParams(use_tc_tiling_on_sc=False),
    )
    def agg_kernel(yp_hbm, src_hbm, dst_hbm, zero_hbm, out_hbm,
                   acc, sb, db, gb, sem_i, sem_g, sem_s):
        c = lax.axis_index("c")
        s = lax.axis_index("s")

        def idx_load(chunk, g, slot):
            e0 = (s * (ROWS // NS) + g * GR) * 128
            pltpu.async_copy(src_hbm.at[chunk, pl.ds(e0, GE)],
                             sb.at[pl.ds(slot * GE, GE)], sem_i)
            pltpu.async_copy(
                dst_hbm.at[pl.ds(s * (ROWS // NS) + g * GR, GR), :],
                db.at[slot], sem_i)

        def idx_wait():
            pltpu.make_async_copy(src_hbm.at[0, pl.ds(0, GE)],
                                  sb.at[pl.ds(0, GE)], sem_i).wait()
            pltpu.make_async_copy(dst_hbm.at[pl.ds(0, GR), :],
                                  db.at[0], sem_i).wait()

        def gather_issue(islot, bslot):
            pltpu.async_copy(yp_hbm.at[sb.at[pl.ds(islot * GE, GE)]],
                             gb.at[pl.ds(bslot * GE, GE), :], sem_g)

        def gather_wait():
            pltpu.make_async_copy(yp_hbm.at[sb.at[pl.ds(0, GE)]],
                                  gb.at[pl.ds(0, GE), :], sem_g).wait()

        def scatter_issue(islot, bslot):
            for j in range(GR):
                pltpu.async_copy(gb.at[pl.ds(bslot * GE + j * 128, 128), :],
                                 acc.at[db.at[islot, j]], sem_s, add=True)

        def scatter_wait():
            for j in range(GR):
                pltpu.make_async_copy(gb.at[pl.ds(j * 128, 128), :],
                                      acc.at[db.at[0, 0]], sem_s).wait()

        def per_chunk(k, _):
            chunk = c * 2 + k
            @pl.when(s < NS - 1)
            def _():
                pltpu.sync_copy(zero_hbm,
                                acc.at[pl.ds(s * 3200, 3200), :])
            @pl.when(s == NS - 1)
            def _():
                pltpu.sync_copy(zero_hbm.at[pl.ds(0, 2016), :],
                                acc.at[pl.ds(48000, 2016), :])
            plsc.subcore_barrier()

            for p in range(PF):
                idx_load(chunk, p, p)

            def grp(g, _):
                @pl.when(g >= DS)
                def _():
                    scatter_wait()

                @pl.when(g < NG - PF)
                def _():
                    idx_load(chunk, g + PF, lax.rem(g + PF, NIDX))

                idx_wait()
                gather_issue(lax.rem(g, NIDX), lax.rem(g, NSLOT))

                @pl.when(g >= DG)
                def _():
                    gather_wait()
                    scatter_issue(lax.rem(g - DG, NIDX), lax.rem(g - DG, NSLOT))
                return 0
            lax.fori_loop(0, NG, grp, 0, unroll=False)

            for r in range(DG):
                gather_wait()
                scatter_issue(lax.rem(NG - DG + r, NIDX),
                              lax.rem(NG - DG + r, NSLOT))
            for r in range(DS):
                scatter_wait()

            plsc.subcore_barrier()
            @pl.when(s < NS - 1)
            def _():
                pltpu.sync_copy(acc.at[pl.ds(s * 3200, 3200), :],
                                out_hbm.at[pl.ds(s * 3200, 3200), chunk, :])
            @pl.when(s == NS - 1)
            def _():
                pltpu.sync_copy(acc.at[pl.ds(48000, 2000), :],
                                out_hbm.at[pl.ds(48000, 2000), chunk, :])
            plsc.subcore_barrier()
            return 0
        lax.fori_loop(0, 2, per_chunk, 0)

    return agg_kernel(ypflat, src4f, dstr, zeros)


def _dis_of(degp_ref):
    deg = degp_ref[:, 0] + degp_ref[:, 1] + 1.0
    return lax.rsqrt(deg)


def _mm1(emb, degp, W1):
    def body(emb_ref, degp_ref, w_ref, o_ref):
        dis = _dis_of(degp_ref)
        acc = jnp.dot(emb_ref[...], w_ref[...],
                      preferred_element_type=jnp.float32)
        o_ref[...] = acc * dis[:, None]

    return pl.pallas_call(
        body,
        grid=(NBLK,),
        in_specs=[
            pl.BlockSpec((RB, DIN), lambda i: (i, 0)),
            pl.BlockSpec((RB, NC), lambda i: (i, 0)),
            pl.BlockSpec((DIN, H), lambda i: (0, 0)),
        ],
        out_specs=pl.BlockSpec((RB, H), lambda i: (i, 0)),
        out_shape=jax.ShapeDtypeStruct((N, H), jnp.float32),
    )(emb, degp, W1)


def _mm2(S1, yp, degp, W3, b1r):
    def body(s_ref, yp_ref, degp_ref, w_ref, b_ref, o_ref):
        dis = _dis_of(degp_ref)
        h = jnp.maximum((s_ref[...] + yp_ref[...]) * dis[:, None] + b_ref[...],
                        0.0)
        acc = jnp.dot(h, w_ref[...], preferred_element_type=jnp.float32)
        o_ref[...] = acc * dis[:, None]

    return pl.pallas_call(
        body,
        grid=(NBLK,),
        in_specs=[
            pl.BlockSpec((RB, H), lambda i: (i, 0)),
            pl.BlockSpec((RB, H), lambda i: (i, 0)),
            pl.BlockSpec((RB, NC), lambda i: (i, 0)),
            pl.BlockSpec((H, H), lambda i: (0, 0)),
            pl.BlockSpec((1, H), lambda i: (0, 0)),
        ],
        out_specs=pl.BlockSpec((RB, H), lambda i: (i, 0)),
        out_shape=jax.ShapeDtypeStruct((N, H), jnp.float32),
    )(S1, yp, degp, W3, b1r)


def _pool(S2, zp, degp, b3r, batch2d):
    def body(s_ref, zp_ref, degp_ref, b_ref, bat_ref, o_ref, acc, cnt):
        i = pl.program_id(0)

        @pl.when(i == 0)
        def _():
            acc[...] = jnp.zeros_like(acc)
            cnt[...] = jnp.zeros_like(cnt)

        dis = _dis_of(degp_ref)
        x2 = (s_ref[...] + zp_ref[...]) * dis[:, None] + b_ref[...]
        gi = lax.broadcasted_iota(jnp.int32, (RB, G), 1)
        oh_t = (bat_ref[...] == gi).astype(jnp.float32)
        dn = (((0,), (0,)), ((), ()))
        acc[...] += lax.dot_general(oh_t, x2, dn,
                                    preferred_element_type=jnp.float32)
        cnt[...] += lax.dot_general(oh_t, jnp.ones_like(x2), dn,
                                    preferred_element_type=jnp.float32)

        @pl.when(i == NBLK - 1)
        def _():
            o_ref[...] = acc[...] / jnp.maximum(cnt[...], 1.0)

    return pl.pallas_call(
        body,
        grid=(NBLK,),
        in_specs=[
            pl.BlockSpec((RB, H), lambda i: (i, 0)),
            pl.BlockSpec((RB, H), lambda i: (i, 0)),
            pl.BlockSpec((RB, NC), lambda i: (i, 0)),
            pl.BlockSpec((1, H), lambda i: (0, 0)),
            pl.BlockSpec((RB, 1), lambda i: (i, 0)),
        ],
        out_specs=pl.BlockSpec((G, H), lambda i: (0, 0)),
        out_shape=jax.ShapeDtypeStruct((G, H), jnp.float32),
        scratch_shapes=[
            pltpu.VMEM((G, H), jnp.float32),
            pltpu.VMEM((G, H), jnp.float32),
        ],
    )(S2, zp, degp, b3r, batch2d)


def kernel(emb, edge_index, batch, W1, b1, W3, b3):
    src = edge_index[0].astype(jnp.int32)
    dst = edge_index[1].astype(jnp.int32)
    ar = jnp.arange(PAD, dtype=jnp.int32)
    srcp = jnp.concatenate([src, (ar * 13) % N])
    dstp = jnp.concatenate([dst, N + (ar % 16)])
    src4 = (srcp[None, :] * NCHUNK
            + jnp.arange(NCHUNK, dtype=jnp.int32)[:, None]
            ).reshape(NCHUNK, ROWS, 128)
    dstr = dstp.reshape(ROWS, 128)

    zeros = jnp.zeros((3200, CW), jnp.float32)
    degp = _deg(dstr).T
    yp = _mm1(emb, degp, W1)
    src4f = src4.reshape(NCHUNK, EPAD)
    S1 = _agg(yp.reshape(NCHUNK * N, CW), src4f, dstr, zeros).reshape(N, H)
    zp = _mm2(S1, yp, degp, W3, b1.reshape(1, H))
    S2 = _agg(zp.reshape(NCHUNK * N, CW), src4f, dstr, zeros).reshape(N, H)
    return _pool(S2, zp, degp, b3.reshape(1, H),
                 batch.astype(jnp.int32).reshape(N, 1))

# --- scband reference (transcript-rebuilt; emitter-appended) ---
"""Pipeline reference for scband-gcn-mi-rna-85341000171598 (READ-ONLY COPY).

The authoritative reference and input builder live on the scoring server;
editing this copy changes nothing except your own understanding.
"""

import jax, jax.numpy as jnp
import numpy as np

N_NODES = 50000
N_EDGES = 800000
IN_DIM = 640
HID = 128
N_GRAPHS = 64


def setup_inputs(seed: int = 0) -> dict:
    key = jax.random.key(seed)
    k1, k2, k3, k4, k5, k6, k7 = jax.random.split(key, 7)
    emb = jax.random.normal(k1, (N_NODES, IN_DIM), dtype=jnp.float32)
    edge_index = jax.random.randint(k2, (2, N_EDGES), 0, N_NODES, dtype=jnp.int64)
    batch = jnp.sort(jax.random.randint(k3, (N_NODES,), 0, N_GRAPHS, dtype=jnp.int64))
    # GCNConv params (PyG: lin weight [out,in] no bias + separate bias). Stored here as [in,out].
    W1 = jax.random.normal(k4, (IN_DIM, HID), dtype=jnp.float32) / np.sqrt(IN_DIM)
    b1 = jnp.zeros((HID,), dtype=jnp.float32)
    W3 = jax.random.normal(k5, (HID, HID), dtype=jnp.float32) / np.sqrt(HID)
    b3 = jnp.zeros((HID,), dtype=jnp.float32)
    return {"emb": emb, "edge_index": edge_index, "batch": batch,
            "W1": W1, "b1": b1, "W3": W3, "b3": b3}


def _gcn_conv(x, edge_index, W, b, n_nodes):
    # PyG GCNConv: add self-loops, symmetric normalization, x @ W, propagate, + bias
    loop = jnp.arange(n_nodes, dtype=edge_index.dtype)
    src = jnp.concatenate([edge_index[0], loop])
    dst = jnp.concatenate([edge_index[1], loop])
    x = x @ W
    ones = jnp.ones(src.shape[0], dtype=x.dtype)
    deg = jax.ops.segment_sum(ones, dst, num_segments=n_nodes)
    deg_inv_sqrt = jnp.where(deg > 0, 1.0 / jnp.sqrt(deg), 0.0)
    norm = deg_inv_sqrt[src] * deg_inv_sqrt[dst]
    msg = x[src] * norm[:, None]
    out = jax.ops.segment_sum(msg, dst, num_segments=n_nodes)
    return out + b


def reference(emb, edge_index, batch, W1, b1, W3, b3):
    n_nodes = emb.shape[0]
    # dropout in eval mode = identity
    x1 = jax.nn.relu(_gcn_conv(emb, edge_index, W1, b1, n_nodes))
    x1 = _gcn_conv(x1, edge_index, W3, b3, n_nodes)
    # global_mean_pool over graph ids
    sums = jax.ops.segment_sum(x1, batch, num_segments=N_GRAPHS)
    cnts = jax.ops.segment_sum(jnp.ones((n_nodes,), dtype=x1.dtype), batch, num_segments=N_GRAPHS)
    out = sums / jnp.clip(cnts, 1.0)[:, None]
    return out

if __name__ == "__main__":
    import jax
    _d = setup_inputs()
    print(jax.jit(kernel)(*tuple(_d.values())))

</pallas_src>

<mosaic_0001>
#map = affine_map<(d0, d1) -> (0, 0)>
#map1 = affine_map<(d0, d1) -> (0, 0, 0)>
module attributes {stable_mosaic.version = 14 : i64} {
  func.func @agg_kernel(%arg0: i32, %arg1: i32, %arg2: memref<200000x32xf32, #tpu.memory_space<hbm>>, %arg3: memref<4x819200xi32, #tpu.memory_space<hbm>>, %arg4: memref<6400x128xi32, #tpu.memory_space<hbm>>, %arg5: memref<3200x32xf32, #tpu.memory_space<hbm>>, %arg6: memref<50000x4x32xf32, #tpu.memory_space<hbm>>, %arg7: memref<50016x32xf32, #tpu.memory_space<vmem_shared>>, %arg8: memref<1280xi32, #tpu.memory_space<vmem>>, %arg9: memref<10x1x128xi32, #tpu.memory_space<vmem>>, %arg10: memref<768x32xf32, #tpu.memory_space<vmem>>, %arg11: memref<!tpu.dma_semaphore, #tpu.memory_space<semaphore_mem>>, %arg12: memref<!tpu.dma_semaphore, #tpu.memory_space<semaphore_mem>>, %arg13: memref<!tpu.dma_semaphore, #tpu.memory_space<semaphore_mem>>) attributes {dimension_semantics = [#tpu.dimension_semantics<core_parallel>, #tpu.dimension_semantics<subcore_parallel>], iteration_bounds = array<i64: 2, 16>, scalar_prefetch = 0 : i64, scratch_operands = 7 : i64, tpu.core_type = #tpu.core_type<sc_vector_subcore>, window_params = [{transform_indices = #map}, {transform_indices = #map}, {transform_indices = #map}, {transform_indices = #map}, {transform_indices = #map1}]} {
    %scan3A = arith.constant 0 : i32
    %scan3A_0 = arith.constant 0 : i32
    %scan3A_1 = arith.constant 2 : i32
    %scan3A_2 = arith.addi %scan3A_0, %scan3A_1 : i32
    %scan3A_3 = arith.constant 1 : i32
    %scan3A_4 = scf.for %scan3A_6 = %scan3A_0 to %scan3A_2 step %scan3A_3 iter_args(%scan3A_7 = %scan3A) -> (i32)  : i32 {
      %mul3A = arith.constant 2 : i32
      %mul3A_8 = arith.muli %arg0, %mul3A : i32
      %add3A = arith.addi %mul3A_8, %scan3A_6 : i32
      %lt3A = arith.constant 15 : i32
      %lt3A_9 = arith.cmpi slt, %arg1, %lt3A : i32
      %convert_element_type3A = arith.extui %lt3A_9 : i1 to i32
      %cond3A = arith.constant 0 : i32
      %cond3A_10 = arith.cmpi ne, %convert_element_type3A, %cond3A : i32
      scf.if %cond3A_10 {
        %mul3A_288 = arith.constant 3200 : i32
        %mul3A_289 = arith.muli %arg1, %mul3A_288 : i32
        "tpu.region"() ({
          %run_scoped3A = tpu.sem_alloc : memref<!tpu.dma_semaphore, #tpu.memory_space<semaphore_mem>>
          %dma_start3A_290 = arith.constant 0 : i32
          %dma_start3A_291 = tpu.memref_slice %arg7[%mul3A_289, %dma_start3A_290] : memref<50016x32xf32, #tpu.memory_space<vmem_shared>> -> memref<3200x32xf32, #tpu.memory_space<vmem_shared>>
          tpu.enqueue_dma source(%arg5 : memref<3200x32xf32, #tpu.memory_space<hbm>>) target(%dma_start3A_291 : memref<3200x32xf32, #tpu.memory_space<vmem_shared>>) target_semaphore(%run_scoped3A : memref<!tpu.dma_semaphore, #tpu.memory_space<semaphore_mem>>)
          %dma_wait3A_292 = arith.constant 0 : i32
          %dma_wait3A_293 = tpu.memref_slice %arg7[%mul3A_289, %dma_wait3A_292] : memref<50016x32xf32, #tpu.memory_space<vmem_shared>> -> memref<3200x32xf32, #tpu.memory_space<vmem_shared>>
          tpu.wait_dma2 semaphore(%run_scoped3A : memref<!tpu.dma_semaphore, #tpu.memory_space<semaphore_mem>>) src(%arg5 : memref<3200x32xf32, #tpu.memory_space<hbm>>) dst(%dma_wait3A_293 : memref<3200x32xf32, #tpu.memory_space<vmem_shared>>)
          tpu.yield
        }) : () -> ()
      } else {
      }
      %eq3A = arith.constant 15 : i32
      %eq3A_11 = arith.cmpi eq, %arg1, %eq3A : i32
      %convert_element_type3A_12 = arith.extui %eq3A_11 : i1 to i32
      %cond3A_13 = arith.constant 0 : i32
      %cond3A_14 = arith.cmpi ne, %convert_element_type3A_12, %cond3A_13 : i32
      scf.if %cond3A_14 {
        "tpu.region"() ({
          %run_scoped3A = tpu.sem_alloc : memref<!tpu.dma_semaphore, #tpu.memory_space<semaphore_mem>>
          %dma_start3A_288 = arith.constant 48000 : i32
          %dma_start3A_289 = arith.constant 0 : i32
          %dma_start3A_290 = tpu.memref_slice %arg7[%dma_start3A_288, %dma_start3A_289] : memref<50016x32xf32, #tpu.memory_space<vmem_shared>> -> memref<2016x32xf32, #tpu.memory_space<vmem_shared>>
          %dma_start3A_291 = arith.constant 0 : i32
          %dma_start3A_292 = arith.constant 0 : i32
          %dma_start3A_293 = tpu.memref_slice %arg5[%dma_start3A_291, %dma_start3A_292] : memref<3200x32xf32, #tpu.memory_space<hbm>> -> memref<2016x32xf32, #tpu.memory_space<hbm>>
          tpu.enqueue_dma source(%dma_start3A_293 : memref<2016x32xf32, #tpu.memory_space<hbm>>) target(%dma_start3A_290 : memref<2016x32xf32, #tpu.memory_space<vmem_shared>>) target_semaphore(%run_scoped3A : memref<!tpu.dma_semaphore, #tpu.memory_space<semaphore_mem>>)
          %dma_wait3A_294 = arith.constant 48000 : i32
          %dma_wait3A_295 = arith.constant 0 : i32
          %dma_wait3A_296 = tpu.memref_slice %arg7[%dma_wait3A_294, %dma_wait3A_295] : memref<50016x32xf32, #tpu.memory_space<vmem_shared>> -> memref<2016x32xf32, #tpu.memory_space<vmem_shared>>
          %dma_wait3A_297 = arith.constant 0 : i32
          %dma_wait3A_298 = arith.constant 0 : i32
          %dma_wait3A_299 = tpu.memref_slice %arg5[%dma_wait3A_297, %dma_wait3A_298] : memref<3200x32xf32, #tpu.memory_space<hbm>> -> memref<2016x32xf32, #tpu.memory_space<hbm>>
          tpu.wait_dma2 semaphore(%run_scoped3A : memref<!tpu.dma_semaphore, #tpu.memory_space<semaphore_mem>>) src(%dma_wait3A_299 : memref<2016x32xf32, #tpu.memory_space<hbm>>) dst(%dma_wait3A_296 : memref<2016x32xf32, #tpu.memory_space<vmem_shared>>)
          tpu.yield
        }) : () -> ()
      } else {
      }
      %barrier3A = arith.constant 0 : index
      tpu.barrier barrier_id(%barrier3A)
      %mul3A_15 = arith.constant 400 : i32
      %mul3A_16 = arith.muli %arg1, %mul3A_15 : i32
      %add3A_17 = arith.constant 0 : i32
      %add3A_18 = arith.addi %mul3A_16, %add3A_17 : i32
      %mul3A_19 = arith.constant 128 : i32
      %mul3A_20 = arith.muli %add3A_18, %mul3A_19 : i32
      %dma_start3A = arith.constant 0 : i32
      %dma_start3A_21 = tpu.memref_slice %arg8[%dma_start3A] : memref<1280xi32, #tpu.memory_space<vmem>> -> memref<128xi32, #tpu.memory_space<vmem>>
      %dma_start3A_22 = tpu.memref_slice %arg3[%add3A, %mul3A_20] : memref<4x819200xi32, #tpu.memory_space<hbm>> -> memref<1x128xi32, #tpu.memory_space<hbm>>
      %dma_start3A_23 = tpu.memref_squeeze %dma_start3A_22 : memref<1x128xi32, #tpu.memory_space<hbm>> -> memref<128xi32, #tpu.memory_space<hbm>>
      %dma_start3A_24 = arith.constant 0 : i32
      %dma_start3A_25 = tpu.memref_slice %arg8[%dma_start3A_24] : memref<1280xi32, #tpu.memory_space<vmem>> -> memref<128xi32, #tpu.memory_space<vmem>>
      %dma_start3A_26 = tpu.memref_slice %arg3[%add3A, %mul3A_20] : memref<4x819200xi32, #tpu.memory_space<hbm>> -> memref<1x128xi32, #tpu.memory_space<hbm>>
      %dma_start3A_27 = tpu.memref_squeeze %dma_start3A_26 : memref<1x128xi32, #tpu.memory_space<hbm>> -> memref<128xi32, #tpu.memory_space<hbm>>
      tpu.enqueue_dma source(%dma_start3A_27 : memref<128xi32, #tpu.memory_space<hbm>>) target(%dma_start3A_25 : memref<128xi32, #tpu.memory_space<vmem>>) target_semaphore(%arg11 : memref<!tpu.dma_semaphore, #tpu.memory_space<semaphore_mem>>)
      %mul3A_28 = arith.constant 400 : i32
      %mul3A_29 = arith.muli %arg1, %mul3A_28 : i32
      %add3A_30 = arith.constant 0 : i32
      %add3A_31 = arith.addi %mul3A_29, %add3A_30 : i32
      %dma_start3A_32 = arith.constant 0 : i32
      %dma_start3A_33 = arith.constant 0 : i32
      %dma_start3A_34 = arith.constant 0 : i32
      %dma_start3A_35 = tpu.memref_slice %arg9[%dma_start3A_32, %dma_start3A_33, %dma_start3A_34] : memref<10x1x128xi32, #tpu.memory_space<vmem>> -> memref<1x1x128xi32, #tpu.memory_space<vmem>>
      %dma_start3A_36 = tpu.memref_squeeze %dma_start3A_35 : memref<1x1x128xi32, #tpu.memory_space<vmem>> -> memref<1x128xi32, #tpu.memory_space<vmem>>
      %dma_start3A_37 = arith.constant 0 : i32
      %dma_start3A_38 = tpu.memref_slice %arg4[%add3A_31, %dma_start3A_37] : memref<6400x128xi32, #tpu.memory_space<hbm>> -> memref<1x128xi32, #tpu.memory_space<hbm>>
      %dma_start3A_39 = arith.constant 0 : i32
      %dma_start3A_40 = arith.constant 0 : i32
      %dma_start3A_41 = tpu.memref_slice %arg9[%dma_start3A_32, %dma_start3A_39, %dma_start3A_40] : memref<10x1x128xi32, #tpu.memory_space<vmem>> -> memref<1x1x128xi32, #tpu.memory_space<vmem>>
      %dma_start3A_42 = tpu.memref_squeeze %dma_start3A_41 : memref<1x1x128xi32, #tpu.memory_space<vmem>> -> memref<1x128xi32, #tpu.memory_space<vmem>>
      %dma_start3A_43 = arith.constant 0 : i32
      %dma_start3A_44 = tpu.memref_slice %arg4[%add3A_31, %dma_start3A_43] : memref<6400x128xi32, #tpu.memory_space<hbm>> -> memref<1x128xi32, #tpu.memory_space<hbm>>
      tpu.enqueue_dma source(%dma_start3A_44 : memref<1x128xi32, #tpu.memory_space<hbm>>) target(%dma_start3A_42 : memref<1x128xi32, #tpu.memory_space<vmem>>) target_semaphore(%arg11 : memref<!tpu.dma_semaphore, #tpu.memory_space<semaphore_mem>>)
      %mul3A_45 = arith.constant 400 : i32
      %mul3A_46 = arith.muli %arg1, %mul3A_45 : i32
      %add3A_47 = arith.constant 1 : i32
      %add3A_48 = arith.addi %mul3A_46, %add3A_47 : i32
      %mul3A_49 = arith.constant 128 : i32
      %mul3A_50 = arith.muli %add3A_48, %mul3A_49 : i32
      %dma_start3A_51 = arith.constant 128 : i32
      %dma_start3A_52 = tpu.memref_slice %arg8[%dma_start3A_51] : memref<1280xi32, #tpu.memory_space<vmem>> -> memref<128xi32, #tpu.memory_space<vmem>>
      %dma_start3A_53 = tpu.memref_slice %arg3[%add3A, %mul3A_50] : memref<4x819200xi32, #tpu.memory_space<hbm>> -> memref<1x128xi32, #tpu.memory_space<hbm>>
      %dma_start3A_54 = tpu.memref_squeeze %dma_start3A_53 : memref<1x128xi32, #tpu.memory_space<hbm>> -> memref<128xi32, #tpu.memory_space<hbm>>
      %dma_start3A_55 = arith.constant 128 : i32
      %dma_start3A_56 = tpu.memref_slice %arg8[%dma_start3A_55] : memref<1280xi32, #tpu.memory_space<vmem>> -> memref<128xi32, #tpu.memory_space<vmem>>
      %dma_start3A_57 = tpu.memref_slice %arg3[%add3A, %mul3A_50] : memref<4x819200xi32, #tpu.memory_space<hbm>> -> memref<1x128xi32, #tpu.memory_space<hbm>>
      %dma_start3A_58 = tpu.memref_squeeze %dma_start3A_57 : memref<1x128xi32, #tpu.memory_space<hbm>> -> memref<128xi32, #tpu.memory_space<hbm>>
      tpu.enqueue_dma source(%dma_start3A_58 : memref<128xi32, #tpu.memory_space<hbm>>) target(%dma_start3A_56 : memref<128xi32, #tpu.memory_space<vmem>>) target_semaphore(%arg11 : memref<!tpu.dma_semaphore, #tpu.memory_space<semaphore_mem>>)
      %mul3A_59 = arith.constant 400 : i32
      %mul3A_60 = arith.muli %arg1, %mul3A_59 : i32
      %add3A_61 = arith.constant 1 : i32
      %add3A_62 = arith.addi %mul3A_60, %add3A_61 : i32
      %dma_start3A_63 = arith.constant 1 : i32
      %dma_start3A_64 = arith.constant 0 : i32
      %dma_start3A_65 = arith.constant 0 : i32
      %dma_start3A_66 = tpu.memref_slice %arg9[%dma_start3A_63, %dma_start3A_64, %dma_start3A_65] : memref<10x1x128xi32, #tpu.memory_space<vmem>> -> memref<1x1x128xi32, #tpu.memory_space<vmem>>
      %dma_start3A_67 = tpu.memref_squeeze %dma_start3A_66 : memref<1x1x128xi32, #tpu.memory_space<vmem>> -> memref<1x128xi32, #tpu.memory_space<vmem>>
      %dma_start3A_68 = arith.constant 0 : i32
      %dma_start3A_69 = tpu.memref_slice %arg4[%add3A_62, %dma_start3A_68] : memref<6400x128xi32, #tpu.memory_space<hbm>> -> memref<1x128xi32, #tpu.memory_space<hbm>>
      %dma_start3A_70 = arith.constant 0 : i32
      %dma_start3A_71 = arith.constant 0 : i32
      %dma_start3A_72 = tpu.memref_slice %arg9[%dma_start3A_63, %dma_start3A_70, %dma_start3A_71] : memref<10x1x128xi32, #tpu.memory_space<vmem>> -> memref<1x1x128xi32, #tpu.memory_space<vmem>>
      %dma_start3A_73 = tpu.memref_squeeze %dma_start3A_72 : memref<1x1x128xi32, #tpu.memory_space<vmem>> -> memref<1x128xi32, #tpu.memory_space<vmem>>
      %dma_start3A_74 = arith.constant 0 : i32
      %dma_start3A_75 = tpu.memref_slice %arg4[%add3A_62, %dma_start3A_74] : memref<6400x128xi32, #tpu.memory_space<hbm>> -> memref<1x128xi32, #tpu.memory_space<hbm>>
      tpu.enqueue_dma source(%dma_start3A_75 : memref<1x128xi32, #tpu.memory_space<hbm>>) target(%dma_start3A_73 : memref<1x128xi32, #tpu.memory_space<vmem>>) target_semaphore(%arg11 : memref<!tpu.dma_semaphore, #tpu.memory_space<semaphore_mem>>)
      %mul3A_76 = arith.constant 400 : i32
      %mul3A_77 = arith.muli %arg1, %mul3A_76 : i32
      %add3A_78 = arith.constant 2 : i32
      %add3A_79 = arith.addi %mul3A_77, %add3A_78 : i32
      %mul3A_80 = arith.constant 128 : i32
      %mul3A_81 = arith.muli %add3A_79, %mul3A_80 : i32
      %dma_start3A_82 = arith.constant 256 : i32
      %dma_start3A_83 = tpu.memref_slice %arg8[%dma_start3A_82] : memref<1280xi32, #tpu.memory_space<vmem>> -> memref<128xi32, #tpu.memory_space<vmem>>
      %dma_start3A_84 = tpu.memref_slice %arg3[%add3A, %mul3A_81] : memref<4x819200xi32, #tpu.memory_space<hbm>> -> memref<1x128xi32, #tpu.memory_space<hbm>>
      %dma_start3A_85 = tpu.memref_squeeze %dma_start3A_84 : memref<1x128xi32, #tpu.memory_space<hbm>> -> memref<128xi32, #tpu.memory_space<hbm>>
      %dma_start3A_86 = arith.constant 256 : i32
      %dma_start3A_87 = tpu.memref_slice %arg8[%dma_start3A_86] : memref<1280xi32, #tpu.memory_space<vmem>> -> memref<128xi32, #tpu.memory_space<vmem>>
      %dma_start3A_88 = tpu.memref_slice %arg3[%add3A, %mul3A_81] : memref<4x819200xi32, #tpu.memory_space<hbm>> -> memref<1x128xi32, #tpu.memory_space<hbm>>
      %dma_start3A_89 = tpu.memref_squeeze %dma_start3A_88 : memref<1x128xi32, #tpu.memory_space<hbm>> -> memref<128xi32, #tpu.memory_space<hbm>>
      tpu.enqueue_dma source(%dma_start3A_89 : memref<128xi32, #tpu.memory_space<hbm>>) target(%dma_start3A_87 : memref<128xi32, #tpu.memory_space<vmem>>) target_semaphore(%arg11 : memref<!tpu.dma_semaphore, #tpu.memory_space<semaphore_mem>>)
      %mul3A_90 = arith.constant 400 : i32
      %mul3A_91 = arith.muli %arg1, %mul3A_90 : i32
      %add3A_92 = arith.constant 2 : i32
      %add3A_93 = arith.addi %mul3A_91, %add3A_92 : i32
      %dma_start3A_94 = arith.constant 2 : i32
      %dma_start3A_95 = arith.constant 0 : i32
      %dma_start3A_96 = arith.constant 0 : i32
      %dma_start3A_97 = tpu.memref_slice %arg9[%dma_start3A_94, %dma_start3A_95, %dma_start3A_96] : memref<10x1x128xi32, #tpu.memory_space<vmem>> -> memref<1x1x128xi32, #tpu.memory_space<vmem>>
      %dma_start3A_98 = tpu.memref_squeeze %dma_start3A_97 : memref<1x1x128xi32, #tpu.memory_space<vmem>> -> memref<1x128xi32, #tpu.memory_space<vmem>>
      %dma_start3A_99 = arith.constant 0 : i32
      %dma_start3A_100 = tpu.memref_slice %arg4[%add3A_93, %dma_start3A_99] : memref<6400x128xi32, #tpu.memory_space<hbm>> -> memref<1x128xi32, #tpu.memory_space<hbm>>
      %dma_start3A_101 = arith.constant 0 : i32
      %dma_start3A_102 = arith.constant 0 : i32
      %dma_start3A_103 = tpu.memref_slice %arg9[%dma_start3A_94, %dma_start3A_101, %dma_start3A_102] : memref<10x1x128xi32, #tpu.memory_space<vmem>> -> memref<1x1x128xi32, #tpu.memory_space<vmem>>
      %dma_start3A_104 = tpu.memref_squeeze %dma_start3A_103 : memref<1x1x128xi32, #tpu.memory_space<vmem>> -> memref<1x128xi32, #tpu.memory_space<vmem>>
      %dma_start3A_105 = arith.constant 0 : i32
      %dma_start3A_106 = tpu.memref_slice %arg4[%add3A_93, %dma_start3A_105] : memref<6400x128xi32, #tpu.memory_space<hbm>> -> memref<1x128xi32, #tpu.memory_space<hbm>>
      tpu.enqueue_dma source(%dma_start3A_106 : memref<1x128xi32, #tpu.memory_space<hbm>>) target(%dma_start3A_104 : memref<1x128xi32, #tpu.memory_space<vmem>>) target_semaphore(%arg11 : memref<!tpu.dma_semaphore, #tpu.memory_space<semaphore_mem>>)
      %scan3A_107 = arith.constant 0 : i32
      %scan3A_108 = arith.constant 0 : i32
      %scan3A_109 = arith.constant 400 : i32
      %scan3A_110 = arith.addi %scan3A_108, %scan3A_109 : i32
      %scan3A_111 = arith.constant 1 : i32
      %scan3A_112 = scf.for %scan3A_288 = %scan3A_108 to %scan3A_110 step %scan3A_111 iter_args(%scan3A_289 = %scan3A_107) -> (i32)  : i32 {
        %ge3A = arith.constant 5 : i32
        %ge3A_290 = arith.cmpi sge, %scan3A_288, %ge3A : i32
        %convert_element_type3A_291 = arith.extui %ge3A_290 : i1 to i32
        %cond3A_292 = arith.constant 0 : i32
        %cond3A_293 = arith.cmpi ne, %convert_element_type3A_291, %cond3A_292 : i32
        scf.if %cond3A_293 {
          %dma_wait3A_345 = arith.constant 0 : i32
          %dma_wait3A_346 = arith.constant 0 : i32
          %dma_wait3A_347 = arith.constant 0 : i32
          %dma_wait3A_348 = arith.constant 0 : i32
          %dma_wait3A_349 = tpu.memref_slice %arg10[%dma_wait3A_347, %dma_wait3A_348] : memref<768x32xf32, #tpu.memory_space<vmem>> -> memref<128x32xf32, #tpu.memory_space<vmem>>
          %dma_wait3A_350 = arith.constant 0 : i32
          %dma_wait3A_351 = tpu.memref_slice %arg9[%dma_wait3A_345, %dma_wait3A_346, %dma_wait3A_350] : memref<10x1x128xi32, #tpu.memory_space<vmem>> -> memref<1x1x128xi32, #tpu.memory_space<vmem>>
          %dma_wait3A_352 = tpu.memref_squeeze %dma_wait3A_351 : memref<1x1x128xi32, #tpu.memory_space<vmem>> -> memref<128xi32, #tpu.memory_space<vmem>>
          %dma_wait3A_353 = arith.constant 0 : i32
          %dma_wait3A_354 = arith.constant 0 : i32
          %dma_wait3A_355 = tpu.memref_slice %arg7[%dma_wait3A_353, %dma_wait3A_354] : memref<50016x32xf32, #tpu.memory_space<vmem_shared>> -> memref<50016x32xf32, #tpu.memory_space<vmem_shared>>
          tpu.wait_indirect_dma semaphore(%arg13 : memref<!tpu.dma_semaphore, #tpu.memory_space<semaphore_mem>>) src(%dma_wait3A_349 : memref<128x32xf32, #tpu.memory_space<vmem>>) dst(%dma_wait3A_355 : memref<50016x32xf32, #tpu.memory_space<vmem_shared>>)
        } else {
        }
        %lt3A_294 = arith.constant 397 : i32
        %lt3A_295 = arith.cmpi slt, %scan3A_288, %lt3A_294 : i32
        %convert_element_type3A_296 = arith.extui %lt3A_295 : i1 to i32
        %cond3A_297 = arith.constant 0 : i32
        %cond3A_298 = arith.cmpi ne, %convert_element_type3A_296, %cond3A_297 : i32
        scf.if %cond3A_298 {
          %add3A_345 = arith.constant 3 : i32
          %add3A_346 = arith.addi %scan3A_288, %add3A_345 : i32
          %add3A_347 = arith.constant 3 : i32
          %add3A_348 = arith.addi %scan3A_288, %add3A_347 : i32
          %rem3A_349 = arith.constant 10 : i32
          %rem3A_350 = arith.remsi %add3A_348, %rem3A_349 : i32
          %mul3A_351 = arith.constant 400 : i32
          %mul3A_352 = arith.muli %arg1, %mul3A_351 : i32
          %mul3A_353 = arith.constant 1 : i32
          %mul3A_354 = arith.muli %add3A_346, %mul3A_353 : i32
          %add3A_355 = arith.addi %mul3A_352, %mul3A_354 : i32
          %mul3A_356 = arith.constant 128 : i32
          %mul3A_357 = arith.muli %add3A_355, %mul3A_356 : i32
          %mul3A_358 = arith.constant 128 : i32
          %mul3A_359 = arith.muli %rem3A_350, %mul3A_358 : i32
          %dma_start3A_360 = tpu.memref_slice %arg8[%mul3A_359] : memref<1280xi32, #tpu.memory_space<vmem>> -> memref<128xi32, #tpu.memory_space<vmem>>
          %dma_start3A_361 = tpu.memref_slice %arg3[%add3A, %mul3A_357] : memref<4x819200xi32, #tpu.memory_space<hbm>> -> memref<1x128xi32, #tpu.memory_space<hbm>>
          %dma_start3A_362 = tpu.memref_squeeze %dma_start3A_361 : memref<1x128xi32, #tpu.memory_space<hbm>> -> memref<128xi32, #tpu.memory_space<hbm>>
          %dma_start3A_363 = tpu.memref_slice %arg8[%mul3A_359] : memref<1280xi32, #tpu.memory_space<vmem>> -> memref<128xi32, #tpu.memory_space<vmem>>
          %dma_start3A_364 = tpu.memref_slice %arg3[%add3A, %mul3A_357] : memref<4x819200xi32, #tpu.memory_space<hbm>> -> memref<1x128xi32, #tpu.memory_space<hbm>>
          %dma_start3A_365 = tpu.memref_squeeze %dma_start3A_364 : memref<1x128xi32, #tpu.memory_space<hbm>> -> memref<128xi32, #tpu.memory_space<hbm>>
          tpu.enqueue_dma source(%dma_start3A_365 : memref<128xi32, #tpu.memory_space<hbm>>) target(%dma_start3A_363 : memref<128xi32, #tpu.memory_space<vmem>>) target_semaphore(%arg11 : memref<!tpu.dma_semaphore, #tpu.memory_space<semaphore_mem>>)
          %mul3A_366 = arith.constant 400 : i32
          %mul3A_367 = arith.muli %arg1, %mul3A_366 : i32
          %mul3A_368 = arith.constant 1 : i32
          %mul3A_369 = arith.muli %add3A_346, %mul3A_368 : i32
          %add3A_370 = arith.addi %mul3A_367, %mul3A_369 : i32
          %dma_start3A_371 = arith.constant 0 : i32
          %dma_start3A_372 = arith.constant 0 : i32
          %dma_start3A_373 = tpu.memref_slice %arg9[%rem3A_350, %dma_start3A_371, %dma_start3A_372] : memref<10x1x128xi32, #tpu.memory_space<vmem>> -> memref<1x1x128xi32, #tpu.memory_space<vmem>>
          %dma_start3A_374 = tpu.memref_squeeze %dma_start3A_373 : memref<1x1x128xi32, #tpu.memory_space<vmem>> -> memref<1x128xi32, #tpu.memory_space<vmem>>
          %dma_start3A_375 = arith.constant 0 : i32
          %dma_start3A_376 = tpu.memref_slice %arg4[%add3A_370, %dma_start3A_375] : memref<6400x128xi32, #tpu.memory_space<hbm>> -> memref<1x128xi32, #tpu.memory_space<hbm>>
          %dma_start3A_377 = arith.constant 0 : i32
          %dma_start3A_378 = arith.constant 0 : i32
          %dma_start3A_379 = tpu.memref_slice %arg9[%rem3A_350, %dma_start3A_377, %dma_start3A_378] : memref<10x1x128xi32, #tpu.memory_space<vmem>> -> memref<1x1x128xi32, #tpu.memory_space<vmem>>
          %dma_start3A_380 = tpu.memref_squeeze %dma_start3A_379 : memref<1x1x128xi32, #tpu.memory_space<vmem>> -> memref<1x128xi32, #tpu.memory_space<vmem>>
          %dma_start3A_381 = arith.constant 0 : i32
          %dma_start3A_382 = tpu.memref_slice %arg4[%add3A_370, %dma_start3A_381] : memref<6400x128xi32, #tpu.memory_space<hbm>> -> memref<1x128xi32, #tpu.memory_space<hbm>>
          tpu.enqueue_dma source(%dma_start3A_382 : memref<1x128xi32, #tpu.memory_space<hbm>>) target(%dma_start3A_380 : memref<1x128xi32, #tpu.memory_space<vmem>>) target_semaphore(%arg11 : memref<!tpu.dma_semaphore, #tpu.memory_space<semaphore_mem>>)
        } else {
        }
        %dma_wait3A_299 = arith.constant 0 : i32
        %dma_wait3A_300 = arith.constant 0 : i32
        %dma_wait3A_301 = tpu.memref_slice %arg8[%dma_wait3A_300] : memref<1280xi32, #tpu.memory_space<vmem>> -> memref<128xi32, #tpu.memory_space<vmem>>
        %dma_wait3A_302 = arith.constant 0 : i32
        %dma_wait3A_303 = tpu.memref_slice %arg3[%dma_wait3A_299, %dma_wait3A_302] : memref<4x819200xi32, #tpu.memory_space<hbm>> -> memref<1x128xi32, #tpu.memory_space<hbm>>
        %dma_wait3A_304 = tpu.memref_squeeze %dma_wait3A_303 : memref<1x128xi32, #tpu.memory_space<hbm>> -> memref<128xi32, #tpu.memory_space<hbm>>
        %dma_wait3A_305 = arith.constant 0 : i32
        %dma_wait3A_306 = tpu.memref_slice %arg8[%dma_wait3A_305] : memref<1280xi32, #tpu.memory_space<vmem>> -> memref<128xi32, #tpu.memory_space<vmem>>
        %dma_wait3A_307 = arith.constant 0 : i32
        %dma_wait3A_308 = tpu.memref_slice %arg3[%dma_wait3A_299, %dma_wait3A_307] : memref<4x819200xi32, #tpu.memory_space<hbm>> -> memref<1x128xi32, #tpu.memory_space<hbm>>
        %dma_wait3A_309 = tpu.memref_squeeze %dma_wait3A_308 : memref<1x128xi32, #tpu.memory_space<hbm>> -> memref<128xi32, #tpu.memory_space<hbm>>
        tpu.wait_dma2 semaphore(%arg11 : memref<!tpu.dma_semaphore, #tpu.memory_space<semaphore_mem>>) src(%dma_wait3A_309 : memref<128xi32, #tpu.memory_space<hbm>>) dst(%dma_wait3A_306 : memref<128xi32, #tpu.memory_space<vmem>>)
        %dma_wait3A_310 = arith.constant 0 : i32
        %dma_wait3A_311 = arith.constant 0 : i32
        %dma_wait3A_312 = arith.constant 0 : i32
        %dma_wait3A_313 = tpu.memref_slice %arg9[%dma_wait3A_310, %dma_wait3A_311, %dma_wait3A_312] : memref<10x1x128xi32, #tpu.memory_space<vmem>> -> memref<1x1x128xi32, #tpu.memory_space<vmem>>
        %dma_wait3A_314 = tpu.memref_squeeze %dma_wait3A_313 : memref<1x1x128xi32, #tpu.memory_space<vmem>> -> memref<1x128xi32, #tpu.memory_space<vmem>>
        %dma_wait3A_315 = arith.constant 0 : i32
        %dma_wait3A_316 = arith.constant 0 : i32
        %dma_wait3A_317 = tpu.memref_slice %arg4[%dma_wait3A_315, %dma_wait3A_316] : memref<6400x128xi32, #tpu.memory_space<hbm>> -> memref<1x128xi32, #tpu.memory_space<hbm>>
        %dma_wait3A_318 = arith.constant 0 : i32
        %dma_wait3A_319 = arith.constant 0 : i32
        %dma_wait3A_320 = tpu.memref_slice %arg9[%dma_wait3A_310, %dma_wait3A_318, %dma_wait3A_319] : memref<10x1x128xi32, #tpu.memory_space<vmem>> -> memref<1x1x128xi32, #tpu.memory_space<vmem>>
        %dma_wait3A_321 = tpu.memref_squeeze %dma_wait3A_320 : memref<1x1x128xi32, #tpu.memory_space<vmem>> -> memref<1x128xi32, #tpu.memory_space<vmem>>
        %dma_wait3A_322 = arith.constant 0 : i32
        %dma_wait3A_323 = arith.constant 0 : i32
        %dma_wait3A_324 = tpu.memref_slice %arg4[%dma_wait3A_322, %dma_wait3A_323] : memref<6400x128xi32, #tpu.memory_space<hbm>> -> memref<1x128xi32, #tpu.memory_space<hbm>>
        tpu.wait_dma2 semaphore(%arg11 : memref<!tpu.dma_semaphore, #tpu.memory_space<semaphore_mem>>) src(%dma_wait3A_324 : memref<1x128xi32, #tpu.memory_space<hbm>>) dst(%dma_wait3A_321 : memref<1x128xi32, #tpu.memory_space<vmem>>)
        %rem3A_325 = arith.constant 10 : i32
        %rem3A_326 = arith.remsi %scan3A_288, %rem3A_325 : i32
        %rem3A_327 = arith.constant 6 : i32
        %rem3A_328 = arith.remsi %scan3A_288, %rem3A_327 : i32
        %mul3A_329 = arith.constant 128 : i32
        %mul3A_330 = arith.muli %rem3A_326, %mul3A_329 : i32
        %mul3A_331 = arith.constant 128 : i32
        %mul3A_332 = arith.muli %rem3A_328, %mul3A_331 : i32
        %dma_start3A_333 = arith.constant 0 : i32
        %dma_start3A_334 = tpu.memref_slice %arg10[%mul3A_332, %dma_start3A_333] : memref<768x32xf32, #tpu.memory_space<vmem>> -> memref<128x32xf32, #tpu.memory_space<vmem>>
        %dma_start3A_335 = tpu.memref_slice %arg8[%mul3A_330] : memref<1280xi32, #tpu.memory_space<vmem>> -> memref<128xi32, #tpu.memory_space<vmem>>
        %dma_start3A_336 = arith.constant 0 : i32
        %dma_start3A_337 = arith.constant 0 : i32
        %dma_start3A_338 = tpu.memref_slice %arg2[%dma_start3A_336, %dma_start3A_337] : memref<200000x32xf32, #tpu.memory_space<hbm>> -> memref<200000x32xf32, #tpu.memory_space<hbm>>
        tpu.enqueue_indirect_dma source(%dma_start3A_338 : memref<200000x32xf32, #tpu.memory_space<hbm>>) target(%dma_start3A_334 : memref<128x32xf32, #tpu.memory_space<vmem>>) offsets(%dma_start3A_335 : memref<128xi32, #tpu.memory_space<vmem>>) semaphore(%arg12 : memref<!tpu.dma_semaphore, #tpu.memory_space<semaphore_mem>>)
        %ge3A_339 = arith.constant 4 : i32
        %ge3A_340 = arith.cmpi sge, %scan3A_288, %ge3A_339 : i32
        %convert_element_type3A_341 = arith.extui %ge3A_340 : i1 to i32
        %cond3A_342 = arith.constant 0 : i32
        %cond3A_343 = arith.cmpi ne, %convert_element_type3A_341, %cond3A_342 : i32
        scf.if %cond3A_343 {
          %dma_wait3A_345 = arith.constant 0 : i32
          %dma_wait3A_346 = arith.constant 0 : i32
          %dma_wait3A_347 = tpu.memref_slice %arg10[%dma_wait3A_345, %dma_wait3A_346] : memref<768x32xf32, #tpu.memory_space<vmem>> -> memref<128x32xf32, #tpu.memory_space<vmem>>
          %dma_wait3A_348 = arith.constant 0 : i32
          %dma_wait3A_349 = tpu.memref_slice %arg8[%dma_wait3A_348] : memref<1280xi32, #tpu.memory_space<vmem>> -> memref<128xi32, #tpu.memory_space<vmem>>
          %dma_wait3A_350 = arith.constant 0 : i32
          %dma_wait3A_351 = arith.constant 0 : i32
          %dma_wait3A_352 = tpu.memref_slice %arg2[%dma_wait3A_350, %dma_wait3A_351] : memref<200000x32xf32, #tpu.memory_space<hbm>> -> memref<200000x32xf32, #tpu.memory_space<hbm>>
          tpu.wait_indirect_dma semaphore(%arg12 : memref<!tpu.dma_semaphore, #tpu.memory_space<semaphore_mem>>) src(%dma_wait3A_352 : memref<200000x32xf32, #tpu.memory_space<hbm>>) dst(%dma_wait3A_347 : memref<128x32xf32, #tpu.memory_space<vmem>>)
          %sub3A = arith.constant 4 : i32
          %sub3A_353 = arith.subi %scan3A_288, %sub3A : i32
          %rem3A_354 = arith.constant 10 : i32
          %rem3A_355 = arith.remsi %sub3A_353, %rem3A_354 : i32
          %sub3A_356 = arith.constant 4 : i32
          %sub3A_357 = arith.subi %scan3A_288, %sub3A_356 : i32
          %rem3A_358 = arith.constant 6 : i32
          %rem3A_359 = arith.remsi %sub3A_357, %rem3A_358 : i32
          %mul3A_360 = arith.constant 128 : i32
          %mul3A_361 = arith.muli %rem3A_359, %mul3A_360 : i32
          %add3A_362 = arith.constant 0 : i32
          %add3A_363 = arith.addi %mul3A_361, %add3A_362 : i32
          %dma_start3A_364 = arith.constant 0 : i32
          %dma_start3A_365 = arith.constant 0 : i32
          %dma_start3A_366 = tpu.memref_slice %arg10[%add3A_363, %dma_start3A_365] : memref<768x32xf32, #tpu.memory_space<vmem>> -> memref<128x32xf32, #tpu.memory_space<vmem>>
          %dma_start3A_367 = arith.constant 0 : i32
          %dma_start3A_368 = tpu.memref_slice %arg9[%rem3A_355, %dma_start3A_364, %dma_start3A_367] : memref<10x1x128xi32, #tpu.memory_space<vmem>> -> memref<1x1x128xi32, #tpu.memory_space<vmem>>
          %dma_start3A_369 = tpu.memref_squeeze %dma_start3A_368 : memref<1x1x128xi32, #tpu.memory_space<vmem>> -> memref<128xi32, #tpu.memory_space<vmem>>
          %dma_start3A_370 = arith.constant 0 : i32
          %dma_start3A_371 = arith.constant 0 : i32
          %dma_start3A_372 = tpu.memref_slice %arg7[%dma_start3A_370, %dma_start3A_371] : memref<50016x32xf32, #tpu.memory_space<vmem_shared>> -> memref<50016x32xf32, #tpu.memory_space<vmem_shared>>
          tpu.enqueue_indirect_dma source(%dma_start3A_366 : memref<128x32xf32, #tpu.memory_space<vmem>>) target(%dma_start3A_372 : memref<50016x32xf32, #tpu.memory_space<vmem_shared>>) offsets(%dma_start3A_369 : memref<128xi32, #tpu.memory_space<vmem>>) semaphore(%arg13 : memref<!tpu.dma_semaphore, #tpu.memory_space<semaphore_mem>>) {add = true}
        } else {
        }
        %scan3A_344 = arith.constant 0 : i32
        scf.yield %scan3A_344 : i32
      }
      %scan3A_113 = arith.constant 400 : i32
      %dma_wait3A = arith.constant 0 : i32
      %dma_wait3A_114 = arith.constant 0 : i32
      %dma_wait3A_115 = tpu.memref_slice %arg10[%dma_wait3A, %dma_wait3A_114] : memref<768x32xf32, #tpu.memory_space<vmem>> -> memref<128x32xf32, #tpu.memory_space<vmem>>
      %dma_wait3A_116 = arith.constant 0 : i32
      %dma_wait3A_117 = tpu.memref_slice %arg8[%dma_wait3A_116] : memref<1280xi32, #tpu.memory_space<vmem>> -> memref<128xi32, #tpu.memory_space<vmem>>
      %dma_wait3A_118 = arith.constant 0 : i32
      %dma_wait3A_119 = arith.constant 0 : i32
      %dma_wait3A_120 = tpu.memref_slice %arg2[%dma_wait3A_118, %dma_wait3A_119] : memref<200000x32xf32, #tpu.memory_space<hbm>> -> memref<200000x32xf32, #tpu.memory_space<hbm>>
      tpu.wait_indirect_dma semaphore(%arg12 : memref<!tpu.dma_semaphore, #tpu.memory_space<semaphore_mem>>) src(%dma_wait3A_120 : memref<200000x32xf32, #tpu.memory_space<hbm>>) dst(%dma_wait3A_115 : memref<128x32xf32, #tpu.memory_space<vmem>>)
      %rem3A = arith.constant 396 : i32
      %rem3A_121 = arith.constant 10 : i32
      %rem3A_122 = arith.remsi %rem3A, %rem3A_121 : i32
      %rem3A_123 = arith.constant 396 : i32
      %rem3A_124 = arith.constant 6 : i32
      %rem3A_125 = arith.remsi %rem3A_123, %rem3A_124 : i32
      %mul3A_126 = arith.constant 128 : i32
      %mul3A_127 = arith.muli %rem3A_125, %mul3A_126 : i32
      %add3A_128 = arith.constant 0 : i32
      %add3A_129 = arith.addi %mul3A_127, %add3A_128 : i32
      %dma_start3A_130 = arith.constant 0 : i32
      %dma_start3A_131 = arith.constant 0 : i32
      %dma_start3A_132 = tpu.memref_slice %arg10[%add3A_129, %dma_start3A_131] : memref<768x32xf32, #tpu.memory_space<vmem>> -> memref<128x32xf32, #tpu.memory_space<vmem>>
      %dma_start3A_133 = arith.constant 0 : i32
      %dma_start3A_134 = tpu.memref_slice %arg9[%rem3A_122, %dma_start3A_130, %dma_start3A_133] : memref<10x1x128xi32, #tpu.memory_space<vmem>> -> memref<1x1x128xi32, #tpu.memory_space<vmem>>
      %dma_start3A_135 = tpu.memref_squeeze %dma_start3A_134 : memref<1x1x128xi32, #tpu.memory_space<vmem>> -> memref<128xi32, #tpu.memory_space<vmem>>
      %dma_start3A_136 = arith.constant 0 : i32
      %dma_start3A_137 = arith.constant 0 : i32
      %dma_start3A_138 = tpu.memref_slice %arg7[%dma_start3A_136, %dma_start3A_137] : memref<50016x32xf32, #tpu.memory_space<vmem_shared>> -> memref<50016x32xf32, #tpu.memory_space<vmem_shared>>
      tpu.enqueue_indirect_dma source(%dma_start3A_132 : memref<128x32xf32, #tpu.memory_space<vmem>>) target(%dma_start3A_138 : memref<50016x32xf32, #tpu.memory_space<vmem_shared>>) offsets(%dma_start3A_135 : memref<128xi32, #tpu.memory_space<vmem>>) semaphore(%arg13 : memref<!tpu.dma_semaphore, #tpu.memory_space<semaphore_mem>>) {add = true}
      %dma_wait3A_139 = arith.constant 0 : i32
      %dma_wait3A_140 = arith.constant 0 : i32
      %dma_wait3A_141 = tpu.memref_slice %arg10[%dma_wait3A_139, %dma_wait3A_140] : memref<768x32xf32, #tpu.memory_space<vmem>> -> memref<128x32xf32, #tpu.memory_space<vmem>>
      %dma_wait3A_142 = arith.constant 0 : i32
      %dma_wait3A_143 = tpu.memref_slice %arg8[%dma_wait3A_142] : memref<1280xi32, #tpu.memory_space<vmem>> -> memref<128xi32, #tpu.memory_space<vmem>>
      %dma_wait3A_144 = arith.constant 0 : i32
      %dma_wait3A_145 = arith.constant 0 : i32
      %dma_wait3A_146 = tpu.memref_slice %arg2[%dma_wait3A_144, %dma_wait3A_145] : memref<200000x32xf32, #tpu.memory_space<hbm>> -> memref<200000x32xf32, #tpu.memory_space<hbm>>
      tpu.wait_indirect_dma semaphore(%arg12 : memref<!tpu.dma_semaphore, #tpu.memory_space<semaphore_mem>>) src(%dma_wait3A_146 : memref<200000x32xf32, #tpu.memory_space<hbm>>) dst(%dma_wait3A_141 : memref<128x32xf32, #tpu.memory_space<vmem>>)
      %rem3A_147 = arith.constant 397 : i32
      %rem3A_148 = arith.constant 10 : i32
      %rem3A_149 = arith.remsi %rem3A_147, %rem3A_148 : i32
      %rem3A_150 = arith.constant 397 : i32
      %rem3A_151 = arith.constant 6 : i32
      %rem3A_152 = arith.remsi %rem3A_150, %rem3A_151 : i32
      %mul3A_153 = arith.constant 128 : i32
      %mul3A_154 = arith.muli %rem3A_152, %mul3A_153 : i32
      %add3A_155 = arith.constant 0 : i32
      %add3A_156 = arith.addi %mul3A_154, %add3A_155 : i32
      %dma_start3A_157 = arith.constant 0 : i32
      %dma_start3A_158 = arith.constant 0 : i32
      %dma_start3A_159 = tpu.memref_slice %arg10[%add3A_156, %dma_start3A_158] : memref<768x32xf32, #tpu.memory_space<vmem>> -> memref<128x32xf32, #tpu.memory_space<vmem>>
      %dma_start3A_160 = arith.constant 0 : i32
      %dma_start3A_161 = tpu.memref_slice %arg9[%rem3A_149, %dma_start3A_157, %dma_start3A_160] : memref<10x1x128xi32, #tpu.memory_space<vmem>> -> memref<1x1x128xi32, #tpu.memory_space<vmem>>
      %dma_start3A_162 = tpu.memref_squeeze %dma_start3A_161 : memref<1x1x128xi32, #tpu.memory_space<vmem>> -> memref<128xi32, #tpu.memory_space<vmem>>
      %dma_start3A_163 = arith.constant 0 : i32
      %dma_start3A_164 = arith.constant 0 : i32
      %dma_start3A_165 = tpu.memref_slice %arg7[%dma_start3A_163, %dma_start3A_164] : memref<50016x32xf32, #tpu.memory_space<vmem_shared>> -> memref<50016x32xf32, #tpu.memory_space<vmem_shared>>
      tpu.enqueue_indirect_dma source(%dma_start3A_159 : memref<128x32xf32, #tpu.memory_space<vmem>>) target(%dma_start3A_165 : memref<50016x32xf32, #tpu.memory_space<vmem_shared>>) offsets(%dma_start3A_162 : memref<128xi32, #tpu.memory_space<vmem>>) semaphore(%arg13 : memref<!tpu.dma_semaphore, #tpu.memory_space<semaphore_mem>>) {add = true}
      %dma_wait3A_166 = arith.constant 0 : i32
      %dma_wait3A_167 = arith.constant 0 : i32
      %dma_wait3A_168 = tpu.memref_slice %arg10[%dma_wait3A_166, %dma_wait3A_167] : memref<768x32xf32, #tpu.memory_space<vmem>> -> memref<128x32xf32, #tpu.memory_space<vmem>>
      %dma_wait3A_169 = arith.constant 0 : i32
      %dma_wait3A_170 = tpu.memref_slice %arg8[%dma_wait3A_169] : memref<1280xi32, #tpu.memory_space<vmem>> -> memref<128xi32, #tpu.memory_space<vmem>>
      %dma_wait3A_171 = arith.constant 0 : i32
      %dma_wait3A_172 = arith.constant 0 : i32
      %dma_wait3A_173 = tpu.memref_slice %arg2[%dma_wait3A_171, %dma_wait3A_172] : memref<200000x32xf32, #tpu.memory_space<hbm>> -> memref<200000x32xf32, #tpu.memory_space<hbm>>
      tpu.wait_indirect_dma semaphore(%arg12 : memref<!tpu.dma_semaphore, #tpu.memory_space<semaphore_mem>>) src(%dma_wait3A_173 : memref<200000x32xf32, #tpu.memory_space<hbm>>) dst(%dma_wait3A_168 : memref<128x32xf32, #tpu.memory_space<vmem>>)
      %rem3A_174 = arith.constant 398 : i32
      %rem3A_175 = arith.constant 10 : i32
      %rem3A_176 = arith.remsi %rem3A_174, %rem3A_175 : i32
      %rem3A_177 = arith.constant 398 : i32
      %rem3A_178 = arith.constant 6 : i32
      %rem3A_179 = arith.remsi %rem3A_177, %rem3A_178 : i32
      %mul3A_180 = arith.constant 128 : i32
      %mul3A_181 = arith.muli %rem3A_179, %mul3A_180 : i32
      %add3A_182 = arith.constant 0 : i32
      %add3A_183 = arith.addi %mul3A_181, %add3A_182 : i32
      %dma_start3A_184 = arith.constant 0 : i32
      %dma_start3A_185 = arith.constant 0 : i32
      %dma_start3A_186 = tpu.memref_slice %arg10[%add3A_183, %dma_start3A_185] : memref<768x32xf32, #tpu.memory_space<vmem>> -> memref<128x32xf32, #tpu.memory_space<vmem>>
      %dma_start3A_187 = arith.constant 0 : i32
      %dma_start3A_188 = tpu.memref_slice %arg9[%rem3A_176, %dma_start3A_184, %dma_start3A_187] : memref<10x1x128xi32, #tpu.memory_space<vmem>> -> memref<1x1x128xi32, #tpu.memory_space<vmem>>
      %dma_start3A_189 = tpu.memref_squeeze %dma_start3A_188 : memref<1x1x128xi32, #tpu.memory_space<vmem>> -> memref<128xi32, #tpu.memory_space<vmem>>
      %dma_start3A_190 = arith.constant 0 : i32
      %dma_start3A_191 = arith.constant 0 : i32
      %dma_start3A_192 = tpu.memref_slice %arg7[%dma_start3A_190, %dma_start3A_191] : memref<50016x32xf32, #tpu.memory_space<vmem_shared>> -> memref<50016x32xf32, #tpu.memory_space<vmem_shared>>
      tpu.enqueue_indirect_dma source(%dma_start3A_186 : memref<128x32xf32, #tpu.memory_space<vmem>>) target(%dma_start3A_192 : memref<50016x32xf32, #tpu.memory_space<vmem_shared>>) offsets(%dma_start3A_189 : memref<128xi32, #tpu.memory_space<vmem>>) semaphore(%arg13 : memref<!tpu.dma_semaphore, #tpu.memory_space<semaphore_mem>>) {add = true}
      %dma_wait3A_193 = arith.constant 0 : i32
      %dma_wait3A_194 = arith.constant 0 : i32
      %dma_wait3A_195 = tpu.memref_slice %arg10[%dma_wait3A_193, %dma_wait3A_194] : memref<768x32xf32, #tpu.memory_space<vmem>> -> memref<128x32xf32, #tpu.memory_space<vmem>>
      %dma_wait3A_196 = arith.constant 0 : i32
      %dma_wait3A_197 = tpu.memref_slice %arg8[%dma_wait3A_196] : memref<1280xi32, #tpu.memory_space<vmem>> -> memref<128xi32, #tpu.memory_space<vmem>>
      %dma_wait3A_198 = arith.constant 0 : i32
      %dma_wait3A_199 = arith.constant 0 : i32
      %dma_wait3A_200 = tpu.memref_slice %arg2[%dma_wait3A_198, %dma_wait3A_199] : memref<200000x32xf32, #tpu.memory_space<hbm>> -> memref<200000x32xf32, #tpu.memory_space<hbm>>
      tpu.wait_indirect_dma semaphore(%arg12 : memref<!tpu.dma_semaphore, #tpu.memory_space<semaphore_mem>>) src(%dma_wait3A_200 : memref<200000x32xf32, #tpu.memory_space<hbm>>) dst(%dma_wait3A_195 : memref<128x32xf32, #tpu.memory_space<vmem>>)
      %rem3A_201 = arith.constant 399 : i32
      %rem3A_202 = arith.constant 10 : i32
      %rem3A_203 = arith.remsi %rem3A_201, %rem3A_202 : i32
      %rem3A_204 = arith.constant 399 : i32
      %rem3A_205 = arith.constant 6 : i32
      %rem3A_206 = arith.remsi %rem3A_204, %rem3A_205 : i32
      %mul3A_207 = arith.constant 128 : i32
      %mul3A_208 = arith.muli %rem3A_206, %mul3A_207 : i32
      %add3A_209 = arith.constant 0 : i32
      %add3A_210 = arith.addi %mul3A_208, %add3A_209 : i32
      %dma_start3A_211 = arith.constant 0 : i32
      %dma_start3A_212 = arith.constant 0 : i32
      %dma_start3A_213 = tpu.memref_slice %arg10[%add3A_210, %dma_start3A_212] : memref<768x32xf32, #tpu.memory_space<vmem>> -> memref<128x32xf32, #tpu.memory_space<vmem>>
      %dma_start3A_214 = arith.constant 0 : i32
      %dma_start3A_215 = tpu.memref_slice %arg9[%rem3A_203, %dma_start3A_211, %dma_start3A_214] : memref<10x1x128xi32, #tpu.memory_space<vmem>> -> memref<1x1x128xi32, #tpu.memory_space<vmem>>
      %dma_start3A_216 = tpu.memref_squeeze %dma_start3A_215 : memref<1x1x128xi32, #tpu.memory_space<vmem>> -> memref<128xi32, #tpu.memory_space<vmem>>
      %dma_start3A_217 = arith.constant 0 : i32
      %dma_start3A_218 = arith.constant 0 : i32
      %dma_start3A_219 = tpu.memref_slice %arg7[%dma_start3A_217, %dma_start3A_218] : memref<50016x32xf32, #tpu.memory_space<vmem_shared>> -> memref<50016x32xf32, #tpu.memory_space<vmem_shared>>
      tpu.enqueue_indirect_dma source(%dma_start3A_213 : memref<128x32xf32, #tpu.memory_space<vmem>>) target(%dma_start3A_219 : memref<50016x32xf32, #tpu.memory_space<vmem_shared>>) offsets(%dma_start3A_216 : memref<128xi32, #tpu.memory_space<vmem>>) semaphore(%arg13 : memref<!tpu.dma_semaphore, #tpu.memory_space<semaphore_mem>>) {add = true}
      %dma_wait3A_220 = arith.constant 0 : i32
      %dma_wait3A_221 = arith.constant 0 : i32
      %dma_wait3A_222 = arith.constant 0 : i32
      %dma_wait3A_223 = arith.constant 0 : i32
      %dma_wait3A_224 = tpu.memref_slice %arg10[%dma_wait3A_222, %dma_wait3A_223] : memref<768x32xf32, #tpu.memory_space<vmem>> -> memref<128x32xf32, #tpu.memory_space<vmem>>
      %dma_wait3A_225 = arith.constant 0 : i32
      %dma_wait3A_226 = tpu.memref_slice %arg9[%dma_wait3A_220, %dma_wait3A_221, %dma_wait3A_225] : memref<10x1x128xi32, #tpu.memory_space<vmem>> -> memref<1x1x128xi32, #tpu.memory_space<vmem>>
      %dma_wait3A_227 = tpu.memref_squeeze %dma_wait3A_226 : memref<1x1x128xi32, #tpu.memory_space<vmem>> -> memref<128xi32, #tpu.memory_space<vmem>>
      %dma_wait3A_228 = arith.constant 0 : i32
      %dma_wait3A_229 = arith.constant 0 : i32
      %dma_wait3A_230 = tpu.memref_slice %arg7[%dma_wait3A_228, %dma_wait3A_229] : memref<50016x32xf32, #tpu.memory_space<vmem_shared>> -> memref<50016x32xf32, #tpu.memory_space<vmem_shared>>
      tpu.wait_indirect_dma semaphore(%arg13 : memref<!tpu.dma_semaphore, #tpu.memory_space<semaphore_mem>>) src(%dma_wait3A_224 : memref<128x32xf32, #tpu.memory_space<vmem>>) dst(%dma_wait3A_230 : memref<50016x32xf32, #tpu.memory_space<vmem_shared>>)
      %dma_wait3A_231 = arith.constant 0 : i32
      %dma_wait3A_232 = arith.constant 0 : i32
      %dma_wait3A_233 = arith.constant 0 : i32
      %dma_wait3A_234 = arith.constant 0 : i32
      %dma_wait3A_235 = tpu.memref_slice %arg10[%dma_wait3A_233, %dma_wait3A_234] : memref<768x32xf32, #tpu.memory_space<vmem>> -> memref<128x32xf32, #tpu.memory_space<vmem>>
      %dma_wait3A_236 = arith.constant 0 : i32
      %dma_wait3A_237 = tpu.memref_slice %arg9[%dma_wait3A_231, %dma_wait3A_232, %dma_wait3A_236] : memref<10x1x128xi32, #tpu.memory_space<vmem>> -> memref<1x1x128xi32, #tpu.memory_space<vmem>>
      %dma_wait3A_238 = tpu.memref_squeeze %dma_wait3A_237 : memref<1x1x128xi32, #tpu.memory_space<vmem>> -> memref<128xi32, #tpu.memory_space<vmem>>
      %dma_wait3A_239 = arith.constant 0 : i32
      %dma_wait3A_240 = arith.constant 0 : i32
      %dma_wait3A_241 = tpu.memref_slice %arg7[%dma_wait3A_239, %dma_wait3A_240] : memref<50016x32xf32, #tpu.memory_space<vmem_shared>> -> memref<50016x32xf32, #tpu.memory_space<vmem_shared>>
      tpu.wait_indirect_dma semaphore(%arg13 : memref<!tpu.dma_semaphore, #tpu.memory_space<semaphore_mem>>) src(%dma_wait3A_235 : memref<128x32xf32, #tpu.memory_space<vmem>>) dst(%dma_wait3A_241 : memref<50016x32xf32, #tpu.memory_space<vmem_shared>>)
      %dma_wait3A_242 = arith.constant 0 : i32
      %dma_wait3A_243 = arith.constant 0 : i32
      %dma_wait3A_244 = arith.constant 0 : i32
      %dma_wait3A_245 = arith.constant 0 : i32
      %dma_wait3A_246 = tpu.memref_slice %arg10[%dma_wait3A_244, %dma_wait3A_245] : memref<768x32xf32, #tpu.memory_space<vmem>> -> memref<128x32xf32, #tpu.memory_space<vmem>>
      %dma_wait3A_247 = arith.constant 0 : i32
      %dma_wait3A_248 = tpu.memref_slice %arg9[%dma_wait3A_242, %dma_wait3A_243, %dma_wait3A_247] : memref<10x1x128xi32, #tpu.memory_space<vmem>> -> memref<1x1x128xi32, #tpu.memory_space<vmem>>
      %dma_wait3A_249 = tpu.memref_squeeze %dma_wait3A_248 : memref<1x1x128xi32, #tpu.memory_space<vmem>> -> memref<128xi32, #tpu.memory_space<vmem>>
      %dma_wait3A_250 = arith.constant 0 : i32
      %dma_wait3A_251 = arith.constant 0 : i32
      %dma_wait3A_252 = tpu.memref_slice %arg7[%dma_wait3A_250, %dma_wait3A_251] : memref<50016x32xf32, #tpu.memory_space<vmem_shared>> -> memref<50016x32xf32, #tpu.memory_space<vmem_shared>>
      tpu.wait_indirect_dma semaphore(%arg13 : memref<!tpu.dma_semaphore, #tpu.memory_space<semaphore_mem>>) src(%dma_wait3A_246 : memref<128x32xf32, #tpu.memory_space<vmem>>) dst(%dma_wait3A_252 : memref<50016x32xf32, #tpu.memory_space<vmem_shared>>)
      %dma_wait3A_253 = arith.constant 0 : i32
      %dma_wait3A_254 = arith.constant 0 : i32
      %dma_wait3A_255 = arith.constant 0 : i32
      %dma_wait3A_256 = arith.constant 0 : i32
      %dma_wait3A_257 = tpu.memref_slice %arg10[%dma_wait3A_255, %dma_wait3A_256] : memref<768x32xf32, #tpu.memory_space<vmem>> -> memref<128x32xf32, #tpu.memory_space<vmem>>
      %dma_wait3A_258 = arith.constant 0 : i32
      %dma_wait3A_259 = tpu.memref_slice %arg9[%dma_wait3A_253, %dma_wait3A_254, %dma_wait3A_258] : memref<10x1x128xi32, #tpu.memory_space<vmem>> -> memref<1x1x128xi32, #tpu.memory_space<vmem>>
      %dma_wait3A_260 = tpu.memref_squeeze %dma_wait3A_259 : memref<1x1x128xi32, #tpu.memory_space<vmem>> -> memref<128xi32, #tpu.memory_space<vmem>>
      %dma_wait3A_261 = arith.constant 0 : i32
      %dma_wait3A_262 = arith.constant 0 : i32
      %dma_wait3A_263 = tpu.memref_slice %arg7[%dma_wait3A_261, %dma_wait3A_262] : memref<50016x32xf32, #tpu.memory_space<vmem_shared>> -> memref<50016x32xf32, #tpu.memory_space<vmem_shared>>
      tpu.wait_indirect_dma semaphore(%arg13 : memref<!tpu.dma_semaphore, #tpu.memory_space<semaphore_mem>>) src(%dma_wait3A_257 : memref<128x32xf32, #tpu.memory_space<vmem>>) dst(%dma_wait3A_263 : memref<50016x32xf32, #tpu.memory_space<vmem_shared>>)
      %dma_wait3A_264 = arith.constant 0 : i32
      %dma_wait3A_265 = arith.constant 0 : i32
      %dma_wait3A_266 = arith.constant 0 : i32
      %dma_wait3A_267 = arith.constant 0 : i32
      %dma_wait3A_268 = tpu.memref_slice %arg10[%dma_wait3A_266, %dma_wait3A_267] : memref<768x32xf32, #tpu.memory_space<vmem>> -> memref<128x32xf32, #tpu.memory_space<vmem>>
      %dma_wait3A_269 = arith.constant 0 : i32
      %dma_wait3A_270 = tpu.memref_slice %arg9[%dma_wait3A_264, %dma_wait3A_265, %dma_wait3A_269] : memref<10x1x128xi32, #tpu.memory_space<vmem>> -> memref<1x1x128xi32, #tpu.memory_space<vmem>>
      %dma_wait3A_271 = tpu.memref_squeeze %dma_wait3A_270 : memref<1x1x128xi32, #tpu.memory_space<vmem>> -> memref<128xi32, #tpu.memory_space<vmem>>
      %dma_wait3A_272 = arith.constant 0 : i32
      %dma_wait3A_273 = arith.constant 0 : i32
      %dma_wait3A_274 = tpu.memref_slice %arg7[%dma_wait3A_272, %dma_wait3A_273] : memref<50016x32xf32, #tpu.memory_space<vmem_shared>> -> memref<50016x32xf32, #tpu.memory_space<vmem_shared>>
      tpu.wait_indirect_dma semaphore(%arg13 : memref<!tpu.dma_semaphore, #tpu.memory_space<semaphore_mem>>) src(%dma_wait3A_268 : memref<128x32xf32, #tpu.memory_space<vmem>>) dst(%dma_wait3A_274 : memref<50016x32xf32, #tpu.memory_space<vmem_shared>>)
      %barrier3A_275 = arith.constant 0 : index
      tpu.barrier barrier_id(%barrier3A_275)
      %lt3A_276 = arith.constant 15 : i32
      %lt3A_277 = arith.cmpi slt, %arg1, %lt3A_276 : i32
      %convert_element_type3A_278 = arith.extui %lt3A_277 : i1 to i32
      %cond3A_279 = arith.constant 0 : i32
      %cond3A_280 = arith.cmpi ne, %convert_element_type3A_278, %cond3A_279 : i32
      scf.if %cond3A_280 {
        %mul3A_288 = arith.constant 3200 : i32
        %mul3A_289 = arith.muli %arg1, %mul3A_288 : i32
        %mul3A_290 = arith.constant 3200 : i32
        %mul3A_291 = arith.muli %arg1, %mul3A_290 : i32
        "tpu.region"() ({
          %run_scoped3A = tpu.sem_alloc : memref<!tpu.dma_semaphore, #tpu.memory_space<semaphore_mem>>
          %dma_start3A_292 = arith.constant 0 : i32
          %dma_start3A_293 = tpu.memref_slice %arg6[%mul3A_291, %add3A, %dma_start3A_292] : memref<50000x4x32xf32, #tpu.memory_space<hbm>> -> memref<3200x1x32xf32, #tpu.memory_space<hbm>>
          %dma_start3A_294 = tpu.memref_squeeze %dma_start3A_293 : memref<3200x1x32xf32, #tpu.memory_space<hbm>> -> memref<3200x32xf32, #tpu.memory_space<hbm>>
          %dma_start3A_295 = arith.constant 0 : i32
          %dma_start3A_296 = tpu.memref_slice %arg7[%mul3A_289, %dma_start3A_295] : memref<50016x32xf32, #tpu.memory_space<vmem_shared>> -> memref<3200x32xf32, #tpu.memory_space<vmem_shared>>
          tpu.enqueue_dma source(%dma_start3A_296 : memref<3200x32xf32, #tpu.memory_space<vmem_shared>>) target(%dma_start3A_294 : memref<3200x32xf32, #tpu.memory_space<hbm>>) target_semaphore(%run_scoped3A : memref<!tpu.dma_semaphore, #tpu.memory_space<semaphore_mem>>)
          %dma_wait3A_297 = arith.constant 0 : i32
          %dma_wait3A_298 = tpu.memref_slice %arg6[%mul3A_291, %add3A, %dma_wait3A_297] : memref<50000x4x32xf32, #tpu.memory_space<hbm>> -> memref<3200x1x32xf32, #tpu.memory_space<hbm>>
          %dma_wait3A_299 = tpu.memref_squeeze %dma_wait3A_298 : memref<3200x1x32xf32, #tpu.memory_space<hbm>> -> memref<3200x32xf32, #tpu.memory_space<hbm>>
          %dma_wait3A_300 = arith.constant 0 : i32
          %dma_wait3A_301 = tpu.memref_slice %arg7[%mul3A_289, %dma_wait3A_300] : memref<50016x32xf32, #tpu.memory_space<vmem_shared>> -> memref<3200x32xf32, #tpu.memory_space<vmem_shared>>
          tpu.wait_dma2 semaphore(%run_scoped3A : memref<!tpu.dma_semaphore, #tpu.memory_space<semaphore_mem>>) src(%dma_wait3A_301 : memref<3200x32xf32, #tpu.memory_space<vmem_shared>>) dst(%dma_wait3A_299 : memref<3200x32xf32, #tpu.memory_space<hbm>>)
          tpu.yield
        }) : () -> ()
      } else {
      }
      %eq3A_281 = arith.constant 15 : i32
      %eq3A_282 = arith.cmpi eq, %arg1, %eq3A_281 : i32
      %convert_element_type3A_283 = arith.extui %eq3A_282 : i1 to i32
      %cond3A_284 = arith.constant 0 : i32
      %cond3A_285 = arith.cmpi ne, %convert_element_type3A_283, %cond3A_284 : i32
      scf.if %cond3A_285 {
        "tpu.region"() ({
          %run_scoped3A = tpu.sem_alloc : memref<!tpu.dma_semaphore, #tpu.memory_space<semaphore_mem>>
          %dma_start3A_288 = arith.constant 48000 : i32
          %dma_start3A_289 = arith.constant 0 : i32
          %dma_start3A_290 = tpu.memref_slice %arg6[%dma_start3A_288, %add3A, %dma_start3A_289] : memref<50000x4x32xf32, #tpu.memory_space<hbm>> -> memref<2000x1x32xf32, #tpu.memory_space<hbm>>
          %dma_start3A_291 = tpu.memref_squeeze %dma_start3A_290 : memref<2000x1x32xf32, #tpu.memory_space<hbm>> -> memref<2000x32xf32, #tpu.memory_space<hbm>>
          %dma_start3A_292 = arith.constant 48000 : i32
          %dma_start3A_293 = arith.constant 0 : i32
          %dma_start3A_294 = tpu.memref_slice %arg7[%dma_start3A_292, %dma_start3A_293] : memref<50016x32xf32, #tpu.memory_space<vmem_shared>> -> memref<2000x32xf32, #tpu.memory_space<vmem_shared>>
          tpu.enqueue_dma source(%dma_start3A_294 : memref<2000x32xf32, #tpu.memory_space<vmem_shared>>) target(%dma_start3A_291 : memref<2000x32xf32, #tpu.memory_space<hbm>>) target_semaphore(%run_scoped3A : memref<!tpu.dma_semaphore, #tpu.memory_space<semaphore_mem>>)
          %dma_wait3A_295 = arith.constant 48000 : i32
          %dma_wait3A_296 = arith.constant 0 : i32
          %dma_wait3A_297 = tpu.memref_slice %arg6[%dma_wait3A_295, %add3A, %dma_wait3A_296] : memref<50000x4x32xf32, #tpu.memory_space<hbm>> -> memref<2000x1x32xf32, #tpu.memory_space<hbm>>
          %dma_wait3A_298 = tpu.memref_squeeze %dma_wait3A_297 : memref<2000x1x32xf32, #tpu.memory_space<hbm>> -> memref<2000x32xf32, #tpu.memory_space<hbm>>
          %dma_wait3A_299 = arith.constant 48000 : i32
          %dma_wait3A_300 = arith.constant 0 : i32
          %dma_wait3A_301 = tpu.memref_slice %arg7[%dma_wait3A_299, %dma_wait3A_300] : memref<50016x32xf32, #tpu.memory_space<vmem_shared>> -> memref<2000x32xf32, #tpu.memory_space<vmem_shared>>
          tpu.wait_dma2 semaphore(%run_scoped3A : memref<!tpu.dma_semaphore, #tpu.memory_space<semaphore_mem>>) src(%dma_wait3A_301 : memref<2000x32xf32, #tpu.memory_space<vmem_shared>>) dst(%dma_wait3A_298 : memref<2000x32xf32, #tpu.memory_space<hbm>>)
          tpu.yield
        }) : () -> ()
      } else {
      }
      %barrier3A_286 = arith.constant 0 : index
      tpu.barrier barrier_id(%barrier3A_286)
      %scan3A_287 = arith.constant 0 : i32
      scf.yield %scan3A_287 : i32
    }
    %scan3A_5 = arith.constant 2 : i32
    return
  }
}

#map = affine_map<(d0, d1) -> (0, 0)>
#map1 = affine_map<(d0, d1) -> (0, 0, 0)>
module attributes {stable_mosaic.version = 14 : i64} {
  func.func @agg_kernel(%arg0: i32, %arg1: i32, %arg2: memref<200000x32xf32, #tpu.memory_space<hbm>>, %arg3: memref<4x819200xi32, #tpu.memory_space<hbm>>, %arg4: memref<6400x128xi32, #tpu.memory_space<hbm>>, %arg5: memref<3200x32xf32, #tpu.memory_space<hbm>>, %arg6: memref<50000x4x32xf32, #tpu.memory_space<hbm>>, %arg7: memref<50016x32xf32, #tpu.memory_space<vmem_shared>>, %arg8: memref<1280xi32, #tpu.memory_space<vmem>>, %arg9: memref<10x1x128xi32, #tpu.memory_space<vmem>>, %arg10: memref<768x32xf32, #tpu.memory_space<vmem>>, %arg11: memref<!tpu.dma_semaphore, #tpu.memory_space<semaphore_mem>>, %arg12: memref<!tpu.dma_semaphore, #tpu.memory_space<semaphore_mem>>, %arg13: memref<!tpu.dma_semaphore, #tpu.memory_space<semaphore_mem>>) attributes {dimension_semantics = [#tpu.dimension_semantics<core_parallel>, #tpu.dimension_semantics<subcore_parallel>], iteration_bounds = array<i64: 2, 16>, scalar_prefetch = 0 : i64, scratch_operands = 7 : i64, tpu.core_type = #tpu.core_type<sc_vector_subcore>, window_params = [{transform_indices = #map}, {transform_indices = #map}, {transform_indices = #map}, {transform_indices = #map}, {transform_indices = #map1}]} {
    %scan3A = arith.constant 0 : i32
    %scan3A_0 = arith.constant 0 : i32
    %scan3A_1 = arith.constant 2 : i32
    %scan3A_2 = arith.addi %scan3A_0, %scan3A_1 : i32
    %scan3A_3 = arith.constant 1 : i32
    %scan3A_4 = scf.for %scan3A_6 = %scan3A_0 to %scan3A_2 step %scan3A_3 iter_args(%scan3A_7 = %scan3A) -> (i32)  : i32 {
      %mul3A = arith.constant 2 : i32
      %mul3A_8 = arith.muli %arg0, %mul3A : i32
      %add3A = arith.addi %mul3A_8, %scan3A_6 : i32
      %lt3A = arith.constant 15 : i32
      %lt3A_9 = arith.cmpi slt, %arg1, %lt3A : i32
      %convert_element_type3A = arith.extui %lt3A_9 : i1 to i32
      %cond3A = arith.constant 0 : i32
      %cond3A_10 = arith.cmpi ne, %convert_element_type3A, %cond3A : i32
      scf.if %cond3A_10 {
        %mul3A_288 = arith.constant 3200 : i32
        %mul3A_289 = arith.muli %arg1, %mul3A_288 : i32
        "tpu.region"() ({
          %run_scoped3A = tpu.sem_alloc : memref<!tpu.dma_semaphore, #tpu.memory_space<semaphore_mem>>
          %dma_start3A_290 = arith.constant 0 : i32
          %dma_start3A_291 = tpu.memref_slice %arg7[%mul3A_289, %dma_start3A_290] : memref<50016x32xf32, #tpu.memory_space<vmem_shared>> -> memref<3200x32xf32, #tpu.memory_space<vmem_shared>>
          tpu.enqueue_dma source(%arg5 : memref<3200x32xf32, #tpu.memory_space<hbm>>) target(%dma_start3A_291 : memref<3200x32xf32, #tpu.memory_space<vmem_shared>>) target_semaphore(%run_scoped3A : memref<!tpu.dma_semaphore, #tpu.memory_space<semaphore_mem>>)
          %dma_wait3A_292 = arith.constant 0 : i32
          %dma_wait3A_293 = tpu.memref_slice %arg7[%mul3A_289, %dma_wait3A_292] : memref<50016x32xf32, #tpu.memory_space<vmem_shared>> -> memref<3200x32xf32, #tpu.memory_space<vmem_shared>>
          tpu.wait_dma2 semaphore(%run_scoped3A : memref<!tpu.dma_semaphore, #tpu.memory_space<semaphore_mem>>) src(%arg5 : memref<3200x32xf32, #tpu.memory_space<hbm>>) dst(%dma_wait3A_293 : memref<3200x32xf32, #tpu.memory_space<vmem_shared>>)
          tpu.yield
        }) : () -> ()
      } else {
      }
      %eq3A = arith.constant 15 : i32
      %eq3A_11 = arith.cmpi eq, %arg1, %eq3A : i32
      %convert_element_type3A_12 = arith.extui %eq3A_11 : i1 to i32
      %cond3A_13 = arith.constant 0 : i32
      %cond3A_14 = arith.cmpi ne, %convert_element_type3A_12, %cond3A_13 : i32
      scf.if %cond3A_14 {
        "tpu.region"() ({
          %run_scoped3A = tpu.sem_alloc : memref<!tpu.dma_semaphore, #tpu.memory_space<semaphore_mem>>
          %dma_start3A_288 = arith.constant 48000 : i32
          %dma_start3A_289 = arith.constant 0 : i32
          %dma_start3A_290 = tpu.memref_slice %arg7[%dma_start3A_288, %dma_start3A_289] : memref<50016x32xf32, #tpu.memory_space<vmem_shared>> -> memref<2016x32xf32, #tpu.memory_space<vmem_shared>>
          %dma_start3A_291 = arith.constant 0 : i32
          %dma_start3A_292 = arith.constant 0 : i32
          %dma_start3A_293 = tpu.memref_slice %arg5[%dma_start3A_291, %dma_start3A_292] : memref<3200x32xf32, #tpu.memory_space<hbm>> -> memref<2016x32xf32, #tpu.memory_space<hbm>>
          tpu.enqueue_dma source(%dma_start3A_293 : memref<2016x32xf32, #tpu.memory_space<hbm>>) target(%dma_start3A_290 : memref<2016x32xf32, #tpu.memory_space<vmem_shared>>) target_semaphore(%run_scoped3A : memref<!tpu.dma_semaphore, #tpu.memory_space<semaphore_mem>>)
          %dma_wait3A_294 = arith.constant 48000 : i32
          %dma_wait3A_295 = arith.constant 0 : i32
          %dma_wait3A_296 = tpu.memref_slice %arg7[%dma_wait3A_294, %dma_wait3A_295] : memref<50016x32xf32, #tpu.memory_space<vmem_shared>> -> memref<2016x32xf32, #tpu.memory_space<vmem_shared>>
          %dma_wait3A_297 = arith.constant 0 : i32
          %dma_wait3A_298 = arith.constant 0 : i32
          %dma_wait3A_299 = tpu.memref_slice %arg5[%dma_wait3A_297, %dma_wait3A_298] : memref<3200x32xf32, #tpu.memory_space<hbm>> -> memref<2016x32xf32, #tpu.memory_space<hbm>>
          tpu.wait_dma2 semaphore(%run_scoped3A : memref<!tpu.dma_semaphore, #tpu.memory_space<semaphore_mem>>) src(%dma_wait3A_299 : memref<2016x32xf32, #tpu.memory_space<hbm>>) dst(%dma_wait3A_296 : memref<2016x32xf32, #tpu.memory_space<vmem_shared>>)
          tpu.yield
        }) : () -> ()
      } else {
      }
      %barrier3A = arith.constant 0 : index
      tpu.barrier barrier_id(%barrier3A)
      %mul3A_15 = arith.constant 400 : i32
      %mul3A_16 = arith.muli %arg1, %mul3A_15 : i32
      %add3A_17 = arith.constant 0 : i32
      %add3A_18 = arith.addi %mul3A_16, %add3A_17 : i32
      %mul3A_19 = arith.constant 128 : i32
      %mul3A_20 = arith.muli %add3A_18, %mul3A_19 : i32
      %dma_start3A = arith.constant 0 : i32
      %dma_start3A_21 = tpu.memref_slice %arg8[%dma_start3A] : memref<1280xi32, #tpu.memory_space<vmem>> -> memref<128xi32, #tpu.memory_space<vmem>>
      %dma_start3A_22 = tpu.memref_slice %arg3[%add3A, %mul3A_20] : memref<4x819200xi32, #tpu.memory_space<hbm>> -> memref<1x128xi32, #tpu.memory_space<hbm>>
      %dma_start3A_23 = tpu.memref_squeeze %dma_start3A_22 : memref<1x128xi32, #tpu.memory_space<hbm>> -> memref<128xi32, #tpu.memory_space<hbm>>
      %dma_start3A_24 = arith.constant 0 : i32
      %dma_start3A_25 = tpu.memref_slice %arg8[%dma_start3A_24] : memref<1280xi32, #tpu.memory_space<vmem>> -> memref<128xi32, #tpu.memory_space<vmem>>
      %dma_start3A_26 = tpu.memref_slice %arg3[%add3A, %mul3A_20] : memref<4x819200xi32, #tpu.memory_space<hbm>> -> memref<1x128xi32, #tpu.memory_space<hbm>>
      %dma_start3A_27 = tpu.memref_squeeze %dma_start3A_26 : memref<1x128xi32, #tpu.memory_space<hbm>> -> memref<128xi32, #tpu.memory_space<hbm>>
      tpu.enqueue_dma source(%dma_start3A_27 : memref<128xi32, #tpu.memory_space<hbm>>) target(%dma_start3A_25 : memref<128xi32, #tpu.memory_space<vmem>>) target_semaphore(%arg11 : memref<!tpu.dma_semaphore, #tpu.memory_space<semaphore_mem>>)
      %mul3A_28 = arith.constant 400 : i32
      %mul3A_29 = arith.muli %arg1, %mul3A_28 : i32
      %add3A_30 = arith.constant 0 : i32
      %add3A_31 = arith.addi %mul3A_29, %add3A_30 : i32
      %dma_start3A_32 = arith.constant 0 : i32
      %dma_start3A_33 = arith.constant 0 : i32
      %dma_start3A_34 = arith.constant 0 : i32
      %dma_start3A_35 = tpu.memref_slice %arg9[%dma_start3A_32, %dma_start3A_33, %dma_start3A_34] : memref<10x1x128xi32, #tpu.memory_space<vmem>> -> memref<1x1x128xi32, #tpu.memory_space<vmem>>
      %dma_start3A_36 = tpu.memref_squeeze %dma_start3A_35 : memref<1x1x128xi32, #tpu.memory_space<vmem>> -> memref<1x128xi32, #tpu.memory_space<vmem>>
      %dma_start3A_37 = arith.constant 0 : i32
      %dma_start3A_38 = tpu.memref_slice %arg4[%add3A_31, %dma_start3A_37] : memref<6400x128xi32, #tpu.memory_space<hbm>> -> memref<1x128xi32, #tpu.memory_space<hbm>>
      %dma_start3A_39 = arith.constant 0 : i32
      %dma_start3A_40 = arith.constant 0 : i32
      %dma_start3A_41 = tpu.memref_slice %arg9[%dma_start3A_32, %dma_start3A_39, %dma_start3A_40] : memref<10x1x128xi32, #tpu.memory_space<vmem>> -> memref<1x1x128xi32, #tpu.memory_space<vmem>>
      %dma_start3A_42 = tpu.memref_squeeze %dma_start3A_41 : memref<1x1x128xi32, #tpu.memory_space<vmem>> -> memref<1x128xi32, #tpu.memory_space<vmem>>
      %dma_start3A_43 = arith.constant 0 : i32
      %dma_start3A_44 = tpu.memref_slice %arg4[%add3A_31, %dma_start3A_43] : memref<6400x128xi32, #tpu.memory_space<hbm>> -> memref<1x128xi32, #tpu.memory_space<hbm>>
      tpu.enqueue_dma source(%dma_start3A_44 : memref<1x128xi32, #tpu.memory_space<hbm>>) target(%dma_start3A_42 : memref<1x128xi32, #tpu.memory_space<vmem>>) target_semaphore(%arg11 : memref<!tpu.dma_semaphore, #tpu.memory_space<semaphore_mem>>)
      %mul3A_45 = arith.constant 400 : i32
      %mul3A_46 = arith.muli %arg1, %mul3A_45 : i32
      %add3A_47 = arith.constant 1 : i32
      %add3A_48 = arith.addi %mul3A_46, %add3A_47 : i32
      %mul3A_49 = arith.constant 128 : i32
      %mul3A_50 = arith.muli %add3A_48, %mul3A_49 : i32
      %dma_start3A_51 = arith.constant 128 : i32
      %dma_start3A_52 = tpu.memref_slice %arg8[%dma_start3A_51] : memref<1280xi32, #tpu.memory_space<vmem>> -> memref<128xi32, #tpu.memory_space<vmem>>
      %dma_start3A_53 = tpu.memref_slice %arg3[%add3A, %mul3A_50] : memref<4x819200xi32, #tpu.memory_space<hbm>> -> memref<1x128xi32, #tpu.memory_space<hbm>>
      %dma_start3A_54 = tpu.memref_squeeze %dma_start3A_53 : memref<1x128xi32, #tpu.memory_space<hbm>> -> memref<128xi32, #tpu.memory_space<hbm>>
      %dma_start3A_55 = arith.constant 128 : i32
      %dma_start3A_56 = tpu.memref_slice %arg8[%dma_start3A_55] : memref<1280xi32, #tpu.memory_space<vmem>> -> memref<128xi32, #tpu.memory_space<vmem>>
      %dma_start3A_57 = tpu.memref_slice %arg3[%add3A, %mul3A_50] : memref<4x819200xi32, #tpu.memory_space<hbm>> -> memref<1x128xi32, #tpu.memory_space<hbm>>
      %dma_start3A_58 = tpu.memref_squeeze %dma_start3A_57 : memref<1x128xi32, #tpu.memory_space<hbm>> -> memref<128xi32, #tpu.memory_space<hbm>>
      tpu.enqueue_dma source(%dma_start3A_58 : memref<128xi32, #tpu.memory_space<hbm>>) target(%dma_start3A_56 : memref<128xi32, #tpu.memory_space<vmem>>) target_semaphore(%arg11 : memref<!tpu.dma_semaphore, #tpu.memory_space<semaphore_mem>>)
      %mul3A_59 = arith.constant 400 : i32
      %mul3A_60 = arith.muli %arg1, %mul3A_59 : i32
      %add3A_61 = arith.constant 1 : i32
      %add3A_62 = arith.addi %mul3A_60, %add3A_61 : i32
      %dma_start3A_63 = arith.constant 1 : i32
      %dma_start3A_64 = arith.constant 0 : i32
      %dma_start3A_65 = arith.constant 0 : i32
      %dma_start3A_66 = tpu.memref_slice %arg9[%dma_start3A_63, %dma_start3A_64, %dma_start3A_65] : memref<10x1x128xi32, #tpu.memory_space<vmem>> -> memref<1x1x128xi32, #tpu.memory_space<vmem>>
      %dma_start3A_67 = tpu.memref_squeeze %dma_start3A_66 : memref<1x1x128xi32, #tpu.memory_space<vmem>> -> memref<1x128xi32, #tpu.memory_space<vmem>>
      %dma_start3A_68 = arith.constant 0 : i32
      %dma_start3A_69 = tpu.memref_slice %arg4[%add3A_62, %dma_start3A_68] : memref<6400x128xi32, #tpu.memory_space<hbm>> -> memref<1x128xi32, #tpu.memory_space<hbm>>
      %dma_start3A_70 = arith.constant 0 : i32
      %dma_start3A_71 = arith.constant 0 : i32
      %dma_start3A_72 = tpu.memref_slice %arg9[%dma_start3A_63, %dma_start3A_70, %dma_start3A_71] : memref<10x1x128xi32, #tpu.memory_space<vmem>> -> memref<1x1x128xi32, #tpu.memory_space<vmem>>
      %dma_start3A_73 = tpu.memref_squeeze %dma_start3A_72 : memref<1x1x128xi32, #tpu.memory_space<vmem>> -> memref<1x128xi32, #tpu.memory_space<vmem>>
      %dma_start3A_74 = arith.constant 0 : i32
      %dma_start3A_75 = tpu.memref_slice %arg4[%add3A_62, %dma_start3A_74] : memref<6400x128xi32, #tpu.memory_space<hbm>> -> memref<1x128xi32, #tpu.memory_space<hbm>>
      tpu.enqueue_dma source(%dma_start3A_75 : memref<1x128xi32, #tpu.memory_space<hbm>>) target(%dma_start3A_73 : memref<1x128xi32, #tpu.memory_space<vmem>>) target_semaphore(%arg11 : memref<!tpu.dma_semaphore, #tpu.memory_space<semaphore_mem>>)
      %mul3A_76 = arith.constant 400 : i32
      %mul3A_77 = arith.muli %arg1, %mul3A_76 : i32
      %add3A_78 = arith.constant 2 : i32
      %add3A_79 = arith.addi %mul3A_77, %add3A_78 : i32
      %mul3A_80 = arith.constant 128 : i32
      %mul3A_81 = arith.muli %add3A_79, %mul3A_80 : i32
      %dma_start3A_82 = arith.constant 256 : i32
      %dma_start3A_83 = tpu.memref_slice %arg8[%dma_start3A_82] : memref<1280xi32, #tpu.memory_space<vmem>> -> memref<128xi32, #tpu.memory_space<vmem>>
      %dma_start3A_84 = tpu.memref_slice %arg3[%add3A, %mul3A_81] : memref<4x819200xi32, #tpu.memory_space<hbm>> -> memref<1x128xi32, #tpu.memory_space<hbm>>
      %dma_start3A_85 = tpu.memref_squeeze %dma_start3A_84 : memref<1x128xi32, #tpu.memory_space<hbm>> -> memref<128xi32, #tpu.memory_space<hbm>>
      %dma_start3A_86 = arith.constant 256 : i32
      %dma_start3A_87 = tpu.memref_slice %arg8[%dma_start3A_86] : memref<1280xi32, #tpu.memory_space<vmem>> -> memref<128xi32, #tpu.memory_space<vmem>>
      %dma_start3A_88 = tpu.memref_slice %arg3[%add3A, %mul3A_81] : memref<4x819200xi32, #tpu.memory_space<hbm>> -> memref<1x128xi32, #tpu.memory_space<hbm>>
      %dma_start3A_89 = tpu.memref_squeeze %dma_start3A_88 : memref<1x128xi32, #tpu.memory_space<hbm>> -> memref<128xi32, #tpu.memory_space<hbm>>
      tpu.enqueue_dma source(%dma_start3A_89 : memref<128xi32, #tpu.memory_space<hbm>>) target(%dma_start3A_87 : memref<128xi32, #tpu.memory_space<vmem>>) target_semaphore(%arg11 : memref<!tpu.dma_semaphore, #tpu.memory_space<semaphore_mem>>)
      %mul3A_90 = arith.constant 400 : i32
      %mul3A_91 = arith.muli %arg1, %mul3A_90 : i32
      %add3A_92 = arith.constant 2 : i32
      %add3A_93 = arith.addi %mul3A_91, %add3A_92 : i32
      %dma_start3A_94 = arith.constant 2 : i32
      %dma_start3A_95 = arith.constant 0 : i32
      %dma_start3A_96 = arith.constant 0 : i32
      %dma_start3A_97 = tpu.memref_slice %arg9[%dma_start3A_94, %dma_start3A_95, %dma_start3A_96] : memref<10x1x128xi32, #tpu.memory_space<vmem>> -> memref<1x1x128xi32, #tpu.memory_space<vmem>>
      %dma_start3A_98 = tpu.memref_squeeze %dma_start3A_97 : memref<1x1x128xi32, #tpu.memory_space<vmem>> -> memref<1x128xi32, #tpu.memory_space<vmem>>
      %dma_start3A_99 = arith.constant 0 : i32
      %dma_start3A_100 = tpu.memref_slice %arg4[%add3A_93, %dma_start3A_99] : memref<6400x128xi32, #tpu.memory_space<hbm>> -> memref<1x128xi32, #tpu.memory_space<hbm>>
      %dma_start3A_101 = arith.constant 0 : i32
      %dma_start3A_102 = arith.constant 0 : i32
      %dma_start3A_103 = tpu.memref_slice %arg9[%dma_start3A_94, %dma_start3A_101, %dma_start3A_102] : memref<10x1x128xi32, #tpu.memory_space<vmem>> -> memref<1x1x128xi32, #tpu.memory_space<vmem>>
      %dma_start3A_104 = tpu.memref_squeeze %dma_start3A_103 : memref<1x1x128xi32, #tpu.memory_space<vmem>> -> memref<1x128xi32, #tpu.memory_space<vmem>>
      %dma_start3A_105 = arith.constant 0 : i32
      %dma_start3A_106 = tpu.memref_slice %arg4[%add3A_93, %dma_start3A_105] : memref<6400x128xi32, #tpu.memory_space<hbm>> -> memref<1x128xi32, #tpu.memory_space<hbm>>
      tpu.enqueue_dma source(%dma_start3A_106 : memref<1x128xi32, #tpu.memory_space<hbm>>) target(%dma_start3A_104 : memref<1x128xi32, #tpu.memory_space<vmem>>) target_semaphore(%arg11 : memref<!tpu.dma_semaphore, #tpu.memory_space<semaphore_mem>>)
      %scan3A_107 = arith.constant 0 : i32
      %scan3A_108 = arith.constant 0 : i32
      %scan3A_109 = arith.constant 400 : i32
      %scan3A_110 = arith.addi %scan3A_108, %scan3A_109 : i32
      %scan3A_111 = arith.constant 1 : i32
      %scan3A_112 = scf.for %scan3A_288 = %scan3A_108 to %scan3A_110 step %scan3A_111 iter_args(%scan3A_289 = %scan3A_107) -> (i32)  : i32 {
        %ge3A = arith.constant 5 : i32
        %ge3A_290 = arith.cmpi sge, %scan3A_288, %ge3A : i32
        %convert_element_type3A_291 = arith.extui %ge3A_290 : i1 to i32
        %cond3A_292 = arith.constant 0 : i32
        %cond3A_293 = arith.cmpi ne, %convert_element_type3A_291, %cond3A_292 : i32
        scf.if %cond3A_293 {
          %dma_wait3A_345 = arith.constant 0 : i32
          %dma_wait3A_346 = arith.constant 0 : i32
          %dma_wait3A_347 = arith.constant 0 : i32
          %dma_wait3A_348 = arith.constant 0 : i32
          %dma_wait3A_349 = tpu.memref_slice %arg10[%dma_wait3A_347, %dma_wait3A_348] : memref<768x32xf32, #tpu.memory_space<vmem>> -> memref<128x32xf32, #tpu.memory_space<vmem>>
          %dma_wait3A_350 = arith.constant 0 : i32
          %dma_wait3A_351 = tpu.memref_slice %arg9[%dma_wait3A_345, %dma_wait3A_346, %dma_wait3A_350] : memref<10x1x128xi32, #tpu.memory_space<vmem>> -> memref<1x1x128xi32, #tpu.memory_space<vmem>>
          %dma_wait3A_352 = tpu.memref_squeeze %dma_wait3A_351 : memref<1x1x128xi32, #tpu.memory_space<vmem>> -> memref<128xi32, #tpu.memory_space<vmem>>
          %dma_wait3A_353 = arith.constant 0 : i32
          %dma_wait3A_354 = arith.constant 0 : i32
          %dma_wait3A_355 = tpu.memref_slice %arg7[%dma_wait3A_353, %dma_wait3A_354] : memref<50016x32xf32, #tpu.memory_space<vmem_shared>> -> memref<50016x32xf32, #tpu.memory_space<vmem_shared>>
          tpu.wait_indirect_dma semaphore(%arg13 : memref<!tpu.dma_semaphore, #tpu.memory_space<semaphore_mem>>) src(%dma_wait3A_349 : memref<128x32xf32, #tpu.memory_space<vmem>>) dst(%dma_wait3A_355 : memref<50016x32xf32, #tpu.memory_space<vmem_shared>>)
        } else {
        }
        %lt3A_294 = arith.constant 397 : i32
        %lt3A_295 = arith.cmpi slt, %scan3A_288, %lt3A_294 : i32
        %convert_element_type3A_296 = arith.extui %lt3A_295 : i1 to i32
        %cond3A_297 = arith.constant 0 : i32
        %cond3A_298 = arith.cmpi ne, %convert_element_type3A_296, %cond3A_297 : i32
        scf.if %cond3A_298 {
          %add3A_345 = arith.constant 3 : i32
          %add3A_346 = arith.addi %scan3A_288, %add3A_345 : i32
          %add3A_347 = arith.constant 3 : i32
          %add3A_348 = arith.addi %scan3A_288, %add3A_347 : i32
          %rem3A_349 = arith.constant 10 : i32
          %rem3A_350 = arith.remsi %add3A_348, %rem3A_349 : i32
          %mul3A_351 = arith.constant 400 : i32
          %mul3A_352 = arith.muli %arg1, %mul3A_351 : i32
          %mul3A_353 = arith.constant 1 : i32
          %mul3A_354 = arith.muli %add3A_346, %mul3A_353 : i32
          %add3A_355 = arith.addi %mul3A_352, %mul3A_354 : i32
          %mul3A_356 = arith.constant 128 : i32
          %mul3A_357 = arith.muli %add3A_355, %mul3A_356 : i32
          %mul3A_358 = arith.constant 128 : i32
          %mul3A_359 = arith.muli %rem3A_350, %mul3A_358 : i32
          %dma_start3A_360 = tpu.memref_slice %arg8[%mul3A_359] : memref<1280xi32, #tpu.memory_space<vmem>> -> memref<128xi32, #tpu.memory_space<vmem>>
          %dma_start3A_361 = tpu.memref_slice %arg3[%add3A, %mul3A_357] : memref<4x819200xi32, #tpu.memory_space<hbm>> -> memref<1x128xi32, #tpu.memory_space<hbm>>
          %dma_start3A_362 = tpu.memref_squeeze %dma_start3A_361 : memref<1x128xi32, #tpu.memory_space<hbm>> -> memref<128xi32, #tpu.memory_space<hbm>>
          %dma_start3A_363 = tpu.memref_slice %arg8[%mul3A_359] : memref<1280xi32, #tpu.memory_space<vmem>> -> memref<128xi32, #tpu.memory_space<vmem>>
          %dma_start3A_364 = tpu.memref_slice %arg3[%add3A, %mul3A_357] : memref<4x819200xi32, #tpu.memory_space<hbm>> -> memref<1x128xi32, #tpu.memory_space<hbm>>
          %dma_start3A_365 = tpu.memref_squeeze %dma_start3A_364 : memref<1x128xi32, #tpu.memory_space<hbm>> -> memref<128xi32, #tpu.memory_space<hbm>>
          tpu.enqueue_dma source(%dma_start3A_365 : memref<128xi32, #tpu.memory_space<hbm>>) target(%dma_start3A_363 : memref<128xi32, #tpu.memory_space<vmem>>) target_semaphore(%arg11 : memref<!tpu.dma_semaphore, #tpu.memory_space<semaphore_mem>>)
          %mul3A_366 = arith.constant 400 : i32
          %mul3A_367 = arith.muli %arg1, %mul3A_366 : i32
          %mul3A_368 = arith.constant 1 : i32
          %mul3A_369 = arith.muli %add3A_346, %mul3A_368 : i32
          %add3A_370 = arith.addi %mul3A_367, %mul3A_369 : i32
          %dma_start3A_371 = arith.constant 0 : i32
          %dma_start3A_372 = arith.constant 0 : i32
          %dma_start3A_373 = tpu.memref_slice %arg9[%rem3A_350, %dma_start3A_371, %dma_start3A_372] : memref<10x1x128xi32, #tpu.memory_space<vmem>> -> memref<1x1x128xi32, #tpu.memory_space<vmem>>
          %dma_start3A_374 = tpu.memref_squeeze %dma_start3A_373 : memref<1x1x128xi32, #tpu.memory_space<vmem>> -> memref<1x128xi32, #tpu.memory_space<vmem>>
          %dma_start3A_375 = arith.constant 0 : i32
          %dma_start3A_376 = tpu.memref_slice %arg4[%add3A_370, %dma_start3A_375] : memref<6400x128xi32, #tpu.memory_space<hbm>> -> memref<1x128xi32, #tpu.memory_space<hbm>>
          %dma_start3A_377 = arith.constant 0 : i32
          %dma_start3A_378 = arith.constant 0 : i32
          %dma_start3A_379 = tpu.memref_slice %arg9[%rem3A_350, %dma_start3A_377, %dma_start3A_378] : memref<10x1x128xi32, #tpu.memory_space<vmem>> -> memref<1x1x128xi32, #tpu.memory_space<vmem>>
          %dma_start3A_380 = tpu.memref_squeeze %dma_start3A_379 : memref<1x1x128xi32, #tpu.memory_space<vmem>> -> memref<1x128xi32, #tpu.memory_space<vmem>>
          %dma_start3A_381 = arith.constant 0 : i32
          %dma_start3A_382 = tpu.memref_slice %arg4[%add3A_370, %dma_start3A_381] : memref<6400x128xi32, #tpu.memory_space<hbm>> -> memref<1x128xi32, #tpu.memory_space<hbm>>
          tpu.enqueue_dma source(%dma_start3A_382 : memref<1x128xi32, #tpu.memory_space<hbm>>) target(%dma_start3A_380 : memref<1x128xi32, #tpu.memory_space<vmem>>) target_semaphore(%arg11 : memref<!tpu.dma_semaphore, #tpu.memory_space<semaphore_mem>>)
        } else {
        }
        %dma_wait3A_299 = arith.constant 0 : i32
        %dma_wait3A_300 = arith.constant 0 : i32
        %dma_wait3A_301 = tpu.memref_slice %arg8[%dma_wait3A_300] : memref<1280xi32, #tpu.memory_space<vmem>> -> memref<128xi32, #tpu.memory_space<vmem>>
        %dma_wait3A_302 = arith.constant 0 : i32
        %dma_wait3A_303 = tpu.memref_slice %arg3[%dma_wait3A_299, %dma_wait3A_302] : memref<4x819200xi32, #tpu.memory_space<hbm>> -> memref<1x128xi32, #tpu.memory_space<hbm>>
        %dma_wait3A_304 = tpu.memref_squeeze %dma_wait3A_303 : memref<1x128xi32, #tpu.memory_space<hbm>> -> memref<128xi32, #tpu.memory_space<hbm>>
        %dma_wait3A_305 = arith.constant 0 : i32
        %dma_wait3A_306 = tpu.memref_slice %arg8[%dma_wait3A_305] : memref<1280xi32, #tpu.memory_space<vmem>> -> memref<128xi32, #tpu.memory_space<vmem>>
        %dma_wait3A_307 = arith.constant 0 : i32
        %dma_wait3A_308 = tpu.memref_slice %arg3[%dma_wait3A_299, %dma_wait3A_307] : memref<4x819200xi32, #tpu.memory_space<hbm>> -> memref<1x128xi32, #tpu.memory_space<hbm>>
        %dma_wait3A_309 = tpu.memref_squeeze %dma_wait3A_308 : memref<1x128xi32, #tpu.memory_space<hbm>> -> memref<128xi32, #tpu.memory_space<hbm>>
        tpu.wait_dma2 semaphore(%arg11 : memref<!tpu.dma_semaphore, #tpu.memory_space<semaphore_mem>>) src(%dma_wait3A_309 : memref<128xi32, #tpu.memory_space<hbm>>) dst(%dma_wait3A_306 : memref<128xi32, #tpu.memory_space<vmem>>)
        %dma_wait3A_310 = arith.constant 0 : i32
        %dma_wait3A_311 = arith.constant 0 : i32
        %dma_wait3A_312 = arith.constant 0 : i32
        %dma_wait3A_313 = tpu.memref_slice %arg9[%dma_wait3A_310, %dma_wait3A_311, %dma_wait3A_312] : memref<10x1x128xi32, #tpu.memory_space<vmem>> -> memref<1x1x128xi32, #tpu.memory_space<vmem>>
        %dma_wait3A_314 = tpu.memref_squeeze %dma_wait3A_313 : memref<1x1x128xi32, #tpu.memory_space<vmem>> -> memref<1x128xi32, #tpu.memory_space<vmem>>
        %dma_wait3A_315 = arith.constant 0 : i32
        %dma_wait3A_316 = arith.constant 0 : i32
        %dma_wait3A_317 = tpu.memref_slice %arg4[%dma_wait3A_315, %dma_wait3A_316] : memref<6400x128xi32, #tpu.memory_space<hbm>> -> memref<1x128xi32, #tpu.memory_space<hbm>>
        %dma_wait3A_318 = arith.constant 0 : i32
        %dma_wait3A_319 = arith.constant 0 : i32
        %dma_wait3A_320 = tpu.memref_slice %arg9[%dma_wait3A_310, %dma_wait3A_318, %dma_wait3A_319] : memref<10x1x128xi32, #tpu.memory_space<vmem>> -> memref<1x1x128xi32, #tpu.memory_space<vmem>>
        %dma_wait3A_321 = tpu.memref_squeeze %dma_wait3A_320 : memref<1x1x128xi32, #tpu.memory_space<vmem>> -> memref<1x128xi32, #tpu.memory_space<vmem>>
        %dma_wait3A_322 = arith.constant 0 : i32
        %dma_wait3A_323 = arith.constant 0 : i32
        %dma_wait3A_324 = tpu.memref_slice %arg4[%dma_wait3A_322, %dma_wait3A_323] : memref<6400x128xi32, #tpu.memory_space<hbm>> -> memref<1x128xi32, #tpu.memory_space<hbm>>
        tpu.wait_dma2 semaphore(%arg11 : memref<!tpu.dma_semaphore, #tpu.memory_space<semaphore_mem>>) src(%dma_wait3A_324 : memref<1x128xi32, #tpu.memory_space<hbm>>) dst(%dma_wait3A_321 : memref<1x128xi32, #tpu.memory_space<vmem>>)
        %rem3A_325 = arith.constant 10 : i32
        %rem3A_326 = arith.remsi %scan3A_288, %rem3A_325 : i32
        %rem3A_327 = arith.constant 6 : i32
        %rem3A_328 = arith.remsi %scan3A_288, %rem3A_327 : i32
        %mul3A_329 = arith.constant 128 : i32
        %mul3A_330 = arith.muli %rem3A_326, %mul3A_329 : i32
        %mul3A_331 = arith.constant 128 : i32
        %mul3A_332 = arith.muli %rem3A_328, %mul3A_331 : i32
        %dma_start3A_333 = arith.constant 0 : i32
        %dma_start3A_334 = tpu.memref_slice %arg10[%mul3A_332, %dma_start3A_333] : memref<768x32xf32, #tpu.memory_space<vmem>> -> memref<128x32xf32, #tpu.memory_space<vmem>>
        %dma_start3A_335 = tpu.memref_slice %arg8[%mul3A_330] : memref<1280xi32, #tpu.memory_space<vmem>> -> memref<128xi32, #tpu.memory_space<vmem>>
        %dma_start3A_336 = arith.constant 0 : i32
        %dma_start3A_337 = arith.constant 0 : i32
        %dma_start3A_338 = tpu.memref_slice %arg2[%dma_start3A_336, %dma_start3A_337] : memref<200000x32xf32, #tpu.memory_space<hbm>> -> memref<200000x32xf32, #tpu.memory_space<hbm>>
        tpu.enqueue_indirect_dma source(%dma_start3A_338 : memref<200000x32xf32, #tpu.memory_space<hbm>>) target(%dma_start3A_334 : memref<128x32xf32, #tpu.memory_space<vmem>>) offsets(%dma_start3A_335 : memref<128xi32, #tpu.memory_space<vmem>>) semaphore(%arg12 : memref<!tpu.dma_semaphore, #tpu.memory_space<semaphore_mem>>)
        %ge3A_339 = arith.constant 4 : i32
        %ge3A_340 = arith.cmpi sge, %scan3A_288, %ge3A_339 : i32
        %convert_element_type3A_341 = arith.extui %ge3A_340 : i1 to i32
        %cond3A_342 = arith.constant 0 : i32
        %cond3A_343 = arith.cmpi ne, %convert_element_type3A_341, %cond3A_342 : i32
        scf.if %cond3A_343 {
          %dma_wait3A_345 = arith.constant 0 : i32
          %dma_wait3A_346 = arith.constant 0 : i32
          %dma_wait3A_347 = tpu.memref_slice %arg10[%dma_wait3A_345, %dma_wait3A_346] : memref<768x32xf32, #tpu.memory_space<vmem>> -> memref<128x32xf32, #tpu.memory_space<vmem>>
          %dma_wait3A_348 = arith.constant 0 : i32
          %dma_wait3A_349 = tpu.memref_slice %arg8[%dma_wait3A_348] : memref<1280xi32, #tpu.memory_space<vmem>> -> memref<128xi32, #tpu.memory_space<vmem>>
          %dma_wait3A_350 = arith.constant 0 : i32
          %dma_wait3A_351 = arith.constant 0 : i32
          %dma_wait3A_352 = tpu.memref_slice %arg2[%dma_wait3A_350, %dma_wait3A_351] : memref<200000x32xf32, #tpu.memory_space<hbm>> -> memref<200000x32xf32, #tpu.memory_space<hbm>>
          tpu.wait_indirect_dma semaphore(%arg12 : memref<!tpu.dma_semaphore, #tpu.memory_space<semaphore_mem>>) src(%dma_wait3A_352 : memref<200000x32xf32, #tpu.memory_space<hbm>>) dst(%dma_wait3A_347 : memref<128x32xf32, #tpu.memory_space<vmem>>)
          %sub3A = arith.constant 4 : i32
          %sub3A_353 = arith.subi %scan3A_288, %sub3A : i32
          %rem3A_354 = arith.constant 10 : i32
          %rem3A_355 = arith.remsi %sub3A_353, %rem3A_354 : i32
          %sub3A_356 = arith.constant 4 : i32
          %sub3A_357 = arith.subi %scan3A_288, %sub3A_356 : i32
          %rem3A_358 = arith.constant 6 : i32
          %rem3A_359 = arith.remsi %sub3A_357, %rem3A_358 : i32
          %mul3A_360 = arith.constant 128 : i32
          %mul3A_361 = arith.muli %rem3A_359, %mul3A_360 : i32
          %add3A_362 = arith.constant 0 : i32
          %add3A_363 = arith.addi %mul3A_361, %add3A_362 : i32
          %dma_start3A_364 = arith.constant 0 : i32
          %dma_start3A_365 = arith.constant 0 : i32
          %dma_start3A_366 = tpu.memref_slice %arg10[%add3A_363, %dma_start3A_365] : memref<768x32xf32, #tpu.memory_space<vmem>> -> memref<128x32xf32, #tpu.memory_space<vmem>>
          %dma_start3A_367 = arith.constant 0 : i32
          %dma_start3A_368 = tpu.memref_slice %arg9[%rem3A_355, %dma_start3A_364, %dma_start3A_367] : memref<10x1x128xi32, #tpu.memory_space<vmem>> -> memref<1x1x128xi32, #tpu.memory_space<vmem>>
          %dma_start3A_369 = tpu.memref_squeeze %dma_start3A_368 : memref<1x1x128xi32, #tpu.memory_space<vmem>> -> memref<128xi32, #tpu.memory_space<vmem>>
          %dma_start3A_370 = arith.constant 0 : i32
          %dma_start3A_371 = arith.constant 0 : i32
          %dma_start3A_372 = tpu.memref_slice %arg7[%dma_start3A_370, %dma_start3A_371] : memref<50016x32xf32, #tpu.memory_space<vmem_shared>> -> memref<50016x32xf32, #tpu.memory_space<vmem_shared>>
          tpu.enqueue_indirect_dma source(%dma_start3A_366 : memref<128x32xf32, #tpu.memory_space<vmem>>) target(%dma_start3A_372 : memref<50016x32xf32, #tpu.memory_space<vmem_shared>>) offsets(%dma_start3A_369 : memref<128xi32, #tpu.memory_space<vmem>>) semaphore(%arg13 : memref<!tpu.dma_semaphore, #tpu.memory_space<semaphore_mem>>) {add = true}
        } else {
        }
        %scan3A_344 = arith.constant 0 : i32
        scf.yield %scan3A_344 : i32
      }
      %scan3A_113 = arith.constant 400 : i32
      %dma_wait3A = arith.constant 0 : i32
      %dma_wait3A_114 = arith.constant 0 : i32
      %dma_wait3A_115 = tpu.memref_slice %arg10[%dma_wait3A, %dma_wait3A_114] : memref<768x32xf32, #tpu.memory_space<vmem>> -> memref<128x32xf32, #tpu.memory_space<vmem>>
      %dma_wait3A_116 = arith.constant 0 : i32
      %dma_wait3A_117 = tpu.memref_slice %arg8[%dma_wait3A_116] : memref<1280xi32, #tpu.memory_space<vmem>> -> memref<128xi32, #tpu.memory_space<vmem>>
      %dma_wait3A_118 = arith.constant 0 : i32
      %dma_wait3A_119 = arith.constant 0 : i32
      %dma_wait3A_120 = tpu.memref_slice %arg2[%dma_wait3A_118, %dma_wait3A_119] : memref<200000x32xf32, #tpu.memory_space<hbm>> -> memref<200000x32xf32, #tpu.memory_space<hbm>>
      tpu.wait_indirect_dma semaphore(%arg12 : memref<!tpu.dma_semaphore, #tpu.memory_space<semaphore_mem>>) src(%dma_wait3A_120 : memref<200000x32xf32, #tpu.memory_space<hbm>>) dst(%dma_wait3A_115 : memref<128x32xf32, #tpu.memory_space<vmem>>)
      %rem3A = arith.constant 396 : i32
      %rem3A_121 = arith.constant 10 : i32
      %rem3A_122 = arith.remsi %rem3A, %rem3A_121 : i32
      %rem3A_123 = arith.constant 396 : i32
      %rem3A_124 = arith.constant 6 : i32
      %rem3A_125 = arith.remsi %rem3A_123, %rem3A_124 : i32
      %mul3A_126 = arith.constant 128 : i32
      %mul3A_127 = arith.muli %rem3A_125, %mul3A_126 : i32
      %add3A_128 = arith.constant 0 : i32
      %add3A_129 = arith.addi %mul3A_127, %add3A_128 : i32
      %dma_start3A_130 = arith.constant 0 : i32
      %dma_start3A_131 = arith.constant 0 : i32
      %dma_start3A_132 = tpu.memref_slice %arg10[%add3A_129, %dma_start3A_131] : memref<768x32xf32, #tpu.memory_space<vmem>> -> memref<128x32xf32, #tpu.memory_space<vmem>>
      %dma_start3A_133 = arith.constant 0 : i32
      %dma_start3A_134 = tpu.memref_slice %arg9[%rem3A_122, %dma_start3A_130, %dma_start3A_133] : memref<10x1x128xi32, #tpu.memory_space<vmem>> -> memref<1x1x128xi32, #tpu.memory_space<vmem>>
      %dma_start3A_135 = tpu.memref_squeeze %dma_start3A_134 : memref<1x1x128xi32, #tpu.memory_space<vmem>> -> memref<128xi32, #tpu.memory_space<vmem>>
      %dma_start3A_136 = arith.constant 0 : i32
      %dma_start3A_137 = arith.constant 0 : i32
      %dma_start3A_138 = tpu.memref_slice %arg7[%dma_start3A_136, %dma_start3A_137] : memref<50016x32xf32, #tpu.memory_space<vmem_shared>> -> memref<50016x32xf32, #tpu.memory_space<vmem_shared>>
      tpu.enqueue_indirect_dma source(%dma_start3A_132 : memref<128x32xf32, #tpu.memory_space<vmem>>) target(%dma_start3A_138 : memref<50016x32xf32, #tpu.memory_space<vmem_shared>>) offsets(%dma_start3A_135 : memref<128xi32, #tpu.memory_space<vmem>>) semaphore(%arg13 : memref<!tpu.dma_semaphore, #tpu.memory_space<semaphore_mem>>) {add = true}
      %dma_wait3A_139 = arith.constant 0 : i32
      %dma_wait3A_140 = arith.constant 0 : i32
      %dma_wait3A_141 = tpu.memref_slice %arg10[%dma_wait3A_139, %dma_wait3A_140] : memref<768x32xf32, #tpu.memory_space<vmem>> -> memref<128x32xf32, #tpu.memory_space<vmem>>
      %dma_wait3A_142 = arith.constant 0 : i32
      %dma_wait3A_143 = tpu.memref_slice %arg8[%dma_wait3A_142] : memref<1280xi32, #tpu.memory_space<vmem>> -> memref<128xi32, #tpu.memory_space<vmem>>
      %dma_wait3A_144 = arith.constant 0 : i32
      %dma_wait3A_145 = arith.constant 0 : i32
      %dma_wait3A_146 = tpu.memref_slice %arg2[%dma_wait3A_144, %dma_wait3A_145] : memref<200000x32xf32, #tpu.memory_space<hbm>> -> memref<200000x32xf32, #tpu.memory_space<hbm>>
      tpu.wait_indirect_dma semaphore(%arg12 : memref<!tpu.dma_semaphore, #tpu.memory_space<semaphore_mem>>) src(%dma_wait3A_146 : memref<200000x32xf32, #tpu.memory_space<hbm>>) dst(%dma_wait3A_141 : memref<128x32xf32, #tpu.memory_space<vmem>>)
      %rem3A_147 = arith.constant 397 : i32
      %rem3A_148 = arith.constant 10 : i32
      %rem3A_149 = arith.remsi %rem3A_147, %rem3A_148 : i32
      %rem3A_150 = arith.constant 397 : i32
      %rem3A_151 = arith.constant 6 : i32
      %rem3A_152 = arith.remsi %rem3A_150, %rem3A_151 : i32
      %mul3A_153 = arith.constant 128 : i32
      %mul3A_154 = arith.muli %rem3A_152, %mul3A_153 : i32
      %add3A_155 = arith.constant 0 : i32
      %add3A_156 = arith.addi %mul3A_154, %add3A_155 : i32
      %dma_start3A_157 = arith.constant 0 : i32
      %dma_start3A_158 = arith.constant 0 : i32
      %dma_start3A_159 = tpu.memref_slice %arg10[%add3A_156, %dma_start3A_158] : memref<768x32xf32, #tpu.memory_space<vmem>> -> memref<128x32xf32, #tpu.memory_space<vmem>>
      %dma_start3A_160 = arith.constant 0 : i32
      %dma_start3A_161 = tpu.memref_slice %arg9[%rem3A_149, %dma_start3A_157, %dma_start3A_160] : memref<10x1x128xi32, #tpu.memory_space<vmem>> -> memref<1x1x128xi32, #tpu.memory_space<vmem>>
      %dma_start3A_162 = tpu.memref_squeeze %dma_start3A_161 : memref<1x1x128xi32, #tpu.memory_space<vmem>> -> memref<128xi32, #tpu.memory_space<vmem>>
      %dma_start3A_163 = arith.constant 0 : i32
      %dma_start3A_164 = arith.constant 0 : i32
      %dma_start3A_165 = tpu.memref_slice %arg7[%dma_start3A_163, %dma_start3A_164] : memref<50016x32xf32, #tpu.memory_space<vmem_shared>> -> memref<50016x32xf32, #tpu.memory_space<vmem_shared>>
      tpu.enqueue_indirect_dma source(%dma_start3A_159 : memref<128x32xf32, #tpu.memory_space<vmem>>) target(%dma_start3A_165 : memref<50016x32xf32, #tpu.memory_space<vmem_shared>>) offsets(%dma_start3A_162 : memref<128xi32, #tpu.memory_space<vmem>>) semaphore(%arg13 : memref<!tpu.dma_semaphore, #tpu.memory_space<semaphore_mem>>) {add = true}
      %dma_wait3A_166 = arith.constant 0 : i32
      %dma_wait3A_167 = arith.constant 0 : i32
      %dma_wait3A_168 = tpu.memref_slice %arg10[%dma_wait3A_166, %dma_wait3A_167] : memref<768x32xf32, #tpu.memory_space<vmem>> -> memref<128x32xf32, #tpu.memory_space<vmem>>
      %dma_wait3A_169 = arith.constant 0 : i32
      %dma_wait3A_170 = tpu.memref_slice %arg8[%dma_wait3A_169] : memref<1280xi32, #tpu.memory_space<vmem>> -> memref<128xi32, #tpu.memory_space<vmem>>
      %dma_wait3A_171 = arith.constant 0 : i32
      %dma_wait3A_172 = arith.constant 0 : i32
      %dma_wait3A_173 = tpu.memref_slice %arg2[%dma_wait3A_171, %dma_wait3A_172] : memref<200000x32xf32, #tpu.memory_space<hbm>> -> memref<200000x32xf32, #tpu.memory_space<hbm>>
      tpu.wait_indirect_dma semaphore(%arg12 : memref<!tpu.dma_semaphore, #tpu.memory_space<semaphore_mem>>) src(%dma_wait3A_173 : memref<200000x32xf32, #tpu.memory_space<hbm>>) dst(%dma_wait3A_168 : memref<128x32xf32, #tpu.memory_space<vmem>>)
      %rem3A_174 = arith.constant 398 : i32
      %rem3A_175 = arith.constant 10 : i32
      %rem3A_176 = arith.remsi %rem3A_174, %rem3A_175 : i32
      %rem3A_177 = arith.constant 398 : i32
      %rem3A_178 = arith.constant 6 : i32
      %rem3A_179 = arith.remsi %rem3A_177, %rem3A_178 : i32
      %mul3A_180 = arith.constant 128 : i32
      %mul3A_181 = arith.muli %rem3A_179, %mul3A_180 : i32
      %add3A_182 = arith.constant 0 : i32
      %add3A_183 = arith.addi %mul3A_181, %add3A_182 : i32
      %dma_start3A_184 = arith.constant 0 : i32
      %dma_start3A_185 = arith.constant 0 : i32
      %dma_start3A_186 = tpu.memref_slice %arg10[%add3A_183, %dma_start3A_185] : memref<768x32xf32, #tpu.memory_space<vmem>> -> memref<128x32xf32, #tpu.memory_space<vmem>>
      %dma_start3A_187 = arith.constant 0 : i32
      %dma_start3A_188 = tpu.memref_slice %arg9[%rem3A_176, %dma_start3A_184, %dma_start3A_187] : memref<10x1x128xi32, #tpu.memory_space<vmem>> -> memref<1x1x128xi32, #tpu.memory_space<vmem>>
      %dma_start3A_189 = tpu.memref_squeeze %dma_start3A_188 : memref<1x1x128xi32, #tpu.memory_space<vmem>> -> memref<128xi32, #tpu.memory_space<vmem>>
      %dma_start3A_190 = arith.constant 0 : i32
      %dma_start3A_191 = arith.constant 0 : i32
      %dma_start3A_192 = tpu.memref_slice %arg7[%dma_start3A_190, %dma_start3A_191] : memref<50016x32xf32, #tpu.memory_space<vmem_shared>> -> memref<50016x32xf32, #tpu.memory_space<vmem_shared>>
      tpu.enqueue_indirect_dma source(%dma_start3A_186 : memref<128x32xf32, #tpu.memory_space<vmem>>) target(%dma_start3A_192 : memref<50016x32xf32, #tpu.memory_space<vmem_shared>>) offsets(%dma_start3A_189 : memref<128xi32, #tpu.memory_space<vmem>>) semaphore(%arg13 : memref<!tpu.dma_semaphore, #tpu.memory_space<semaphore_mem>>) {add = true}
      %dma_wait3A_193 = arith.constant 0 : i32
      %dma_wait3A_194 = arith.constant 0 : i32
      %dma_wait3A_195 = tpu.memref_slice %arg10[%dma_wait3A_193, %dma_wait3A_194] : memref<768x32xf32, #tpu.memory_space<vmem>> -> memref<128x32xf32, #tpu.memory_space<vmem>>
      %dma_wait3A_196 = arith.constant 0 : i32
      %dma_wait3A_197 = tpu.memref_slice %arg8[%dma_wait3A_196] : memref<1280xi32, #tpu.memory_space<vmem>> -> memref<128xi32, #tpu.memory_space<vmem>>
      %dma_wait3A_198 = arith.constant 0 : i32
      %dma_wait3A_199 = arith.constant 0 : i32
      %dma_wait3A_200 = tpu.memref_slice %arg2[%dma_wait3A_198, %dma_wait3A_199] : memref<200000x32xf32, #tpu.memory_space<hbm>> -> memref<200000x32xf32, #tpu.memory_space<hbm>>
      tpu.wait_indirect_dma semaphore(%arg12 : memref<!tpu.dma_semaphore, #tpu.memory_space<semaphore_mem>>) src(%dma_wait3A_200 : memref<200000x32xf32, #tpu.memory_space<hbm>>) dst(%dma_wait3A_195 : memref<128x32xf32, #tpu.memory_space<vmem>>)
      %rem3A_201 = arith.constant 399 : i32
      %rem3A_202 = arith.constant 10 : i32
      %rem3A_203 = arith.remsi %rem3A_201, %rem3A_202 : i32
      %rem3A_204 = arith.constant 399 : i32
      %rem3A_205 = arith.constant 6 : i32
      %rem3A_206 = arith.remsi %rem3A_204, %rem3A_205 : i32
      %mul3A_207 = arith.constant 128 : i32
      %mul3A_208 = arith.muli %rem3A_206, %mul3A_207 : i32
      %add3A_209 = arith.constant 0 : i32
      %add3A_210 = arith.addi %mul3A_208, %add3A_209 : i32
      %dma_start3A_211 = arith.constant 0 : i32
      %dma_start3A_212 = arith.constant 0 : i32
      %dma_start3A_213 = tpu.memref_slice %arg10[%add3A_210, %dma_start3A_212] : memref<768x32xf32, #tpu.memory_space<vmem>> -> memref<128x32xf32, #tpu.memory_space<vmem>>
      %dma_start3A_214 = arith.constant 0 : i32
      %dma_start3A_215 = tpu.memref_slice %arg9[%rem3A_203, %dma_start3A_211, %dma_start3A_214] : memref<10x1x128xi32, #tpu.memory_space<vmem>> -> memref<1x1x128xi32, #tpu.memory_space<vmem>>
      %dma_start3A_216 = tpu.memref_squeeze %dma_start3A_215 : memref<1x1x128xi32, #tpu.memory_space<vmem>> -> memref<128xi32, #tpu.memory_space<vmem>>
      %dma_start3A_217 = arith.constant 0 : i32
      %dma_start3A_218 = arith.constant 0 : i32
      %dma_start3A_219 = tpu.memref_slice %arg7[%dma_start3A_217, %dma_start3A_218] : memref<50016x32xf32, #tpu.memory_space<vmem_shared>> -> memref<50016x32xf32, #tpu.memory_space<vmem_shared>>
      tpu.enqueue_indirect_dma source(%dma_start3A_213 : memref<128x32xf32, #tpu.memory_space<vmem>>) target(%dma_start3A_219 : memref<50016x32xf32, #tpu.memory_space<vmem_shared>>) offsets(%dma_start3A_216 : memref<128xi32, #tpu.memory_space<vmem>>) semaphore(%arg13 : memref<!tpu.dma_semaphore, #tpu.memory_space<semaphore_mem>>) {add = true}
      %dma_wait3A_220 = arith.constant 0 : i32
      %dma_wait3A_221 = arith.constant 0 : i32
      %dma_wait3A_222 = arith.constant 0 : i32
      %dma_wait3A_223 = arith.constant 0 : i32
      %dma_wait3A_224 = tpu.memref_slice %arg10[%dma_wait3A_222, %dma_wait3A_223] : memref<768x32xf32, #tpu.memory_space<vmem>> -> memref<128x32xf32, #tpu.memory_space<vmem>>
      %dma_wait3A_225 = arith.constant 0 : i32
      %dma_wait3A_226 = tpu.memref_slice %arg9[%dma_wait3A_220, %dma_wait3A_221, %dma_wait3A_225] : memref<10x1x128xi32, #tpu.memory_space<vmem>> -> memref<1x1x128xi32, #tpu.memory_space<vmem>>
      %dma_wait3A_227 = tpu.memref_squeeze %dma_wait3A_226 : memref<1x1x128xi32, #tpu.memory_space<vmem>> -> memref<128xi32, #tpu.memory_space<vmem>>
      %dma_wait3A_228 = arith.constant 0 : i32
      %dma_wait3A_229 = arith.constant 0 : i32
      %dma_wait3A_230 = tpu.memref_slice %arg7[%dma_wait3A_228, %dma_wait3A_229] : memref<50016x32xf32, #tpu.memory_space<vmem_shared>> -> memref<50016x32xf32, #tpu.memory_space<vmem_shared>>
      tpu.wait_indirect_dma semaphore(%arg13 : memref<!tpu.dma_semaphore, #tpu.memory_space<semaphore_mem>>) src(%dma_wait3A_224 : memref<128x32xf32, #tpu.memory_space<vmem>>) dst(%dma_wait3A_230 : memref<50016x32xf32, #tpu.memory_space<vmem_shared>>)
      %dma_wait3A_231 = arith.constant 0 : i32
      %dma_wait3A_232 = arith.constant 0 : i32
      %dma_wait3A_233 = arith.constant 0 : i32
      %dma_wait3A_234 = arith.constant 0 : i32
      %dma_wait3A_235 = tpu.memref_slice %arg10[%dma_wait3A_233, %dma_wait3A_234] : memref<768x32xf32, #tpu.memory_space<vmem>> -> memref<128x32xf32, #tpu.memory_space<vmem>>
      %dma_wait3A_236 = arith.constant 0 : i32
      %dma_wait3A_237 = tpu.memref_slice %arg9[%dma_wait3A_231, %dma_wait3A_232, %dma_wait3A_236] : memref<10x1x128xi32, #tpu.memory_space<vmem>> -> memref<1x1x128xi32, #tpu.memory_space<vmem>>
      %dma_wait3A_238 = tpu.memref_squeeze %dma_wait3A_237 : memref<1x1x128xi32, #tpu.memory_space<vmem>> -> memref<128xi32, #tpu.memory_space<vmem>>
      %dma_wait3A_239 = arith.constant 0 : i32
      %dma_wait3A_240 = arith.constant 0 : i32
      %dma_wait3A_241 = tpu.memref_slice %arg7[%dma_wait3A_239, %dma_wait3A_240] : memref<50016x32xf32, #tpu.memory_space<vmem_shared>> -> memref<50016x32xf32, #tpu.memory_space<vmem_shared>>
      tpu.wait_indirect_dma semaphore(%arg13 : memref<!tpu.dma_semaphore, #tpu.memory_space<semaphore_mem>>) src(%dma_wait3A_235 : memref<128x32xf32, #tpu.memory_space<vmem>>) dst(%dma_wait3A_241 : memref<50016x32xf32, #tpu.memory_space<vmem_shared>>)
      %dma_wait3A_242 = arith.constant 0 : i32
      %dma_wait3A_243 = arith.constant 0 : i32
      %dma_wait3A_244 = arith.constant 0 : i32
      %dma_wait3A_245 = arith.constant 0 : i32
      %dma_wait3A_246 = tpu.memref_slice %arg10[%dma_wait3A_244, %dma_wait3A_245] : memref<768x32xf32, #tpu.memory_space<vmem>> -> memref<128x32xf32, #tpu.memory_space<vmem>>
      %dma_wait3A_247 = arith.constant 0 : i32
      %dma_wait3A_248 = tpu.memref_slice %arg9[%dma_wait3A_242, %dma_wait3A_243, %dma_wait3A_247] : memref<10x1x128xi32, #tpu.memory_space<vmem>> -> memref<1x1x128xi32, #tpu.memory_space<vmem>>
      %dma_wait3A_249 = tpu.memref_squeeze %dma_wait3A_248 : memref<1x1x128xi32, #tpu.memory_space<vmem>> -> memref<128xi32, #tpu.memory_space<vmem>>
      %dma_wait3A_250 = arith.constant 0 : i32
      %dma_wait3A_251 = arith.constant 0 : i32
      %dma_wait3A_252 = tpu.memref_slice %arg7[%dma_wait3A_250, %dma_wait3A_251] : memref<50016x32xf32, #tpu.memory_space<vmem_shared>> -> memref<50016x32xf32, #tpu.memory_space<vmem_shared>>
      tpu.wait_indirect_dma semaphore(%arg13 : memref<!tpu.dma_semaphore, #tpu.memory_space<semaphore_mem>>) src(%dma_wait3A_246 : memref<128x32xf32, #tpu.memory_space<vmem>>) dst(%dma_wait3A_252 : memref<50016x32xf32, #tpu.memory_space<vmem_shared>>)
      %dma_wait3A_253 = arith.constant 0 : i32
      %dma_wait3A_254 = arith.constant 0 : i32
      %dma_wait3A_255 = arith.constant 0 : i32
      %dma_wait3A_256 = arith.constant 0 : i32
      %dma_wait3A_257 = tpu.memref_slice %arg10[%dma_wait3A_255, %dma_wait3A_256] : memref<768x32xf32, #tpu.memory_space<vmem>> -> memref<128x32xf32, #tpu.memory_space<vmem>>
      %dma_wait3A_258 = arith.constant 0 : i32
      %dma_wait3A_259 = tpu.memref_slice %arg9[%dma_wait3A_253, %dma_wait3A_254, %dma_wait3A_258] : memref<10x1x128xi32, #tpu.memory_space<vmem>> -> memref<1x1x128xi32, #tpu.memory_space<vmem>>
      %dma_wait3A_260 = tpu.memref_squeeze %dma_wait3A_259 : memref<1x1x128xi32, #tpu.memory_space<vmem>> -> memref<128xi32, #tpu.memory_space<vmem>>
      %dma_wait3A_261 = arith.constant 0 : i32
      %dma_wait3A_262 = arith.constant 0 : i32
      %dma_wait3A_263 = tpu.memref_slice %arg7[%dma_wait3A_261, %dma_wait3A_262] : memref<50016x32xf32, #tpu.memory_space<vmem_shared>> -> memref<50016x32xf32, #tpu.memory_space<vmem_shared>>
      tpu.wait_indirect_dma semaphore(%arg13 : memref<!tpu.dma_semaphore, #tpu.memory_space<semaphore_mem>>) src(%dma_wait3A_257 : memref<128x32xf32, #tpu.memory_space<vmem>>) dst(%dma_wait3A_263 : memref<50016x32xf32, #tpu.memory_space<vmem_shared>>)
      %dma_wait3A_264 = arith.constant 0 : i32
      %dma_wait3A_265 = arith.constant 0 : i32
      %dma_wait3A_266 = arith.constant 0 : i32
      %dma_wait3A_267 = arith.constant 0 : i32
      %dma_wait3A_268 = tpu.memref_slice %arg10[%dma_wait3A_266, %dma_wait3A_267] : memref<768x32xf32, #tpu.memory_space<vmem>> -> memref<128x32xf32, #tpu.memory_space<vmem>>
      %dma_wait3A_269 = arith.constant 0 : i32
      %dma_wait3A_270 = tpu.memref_slice %arg9[%dma_wait3A_264, %dma_wait3A_265, %dma_wait3A_269] : memref<10x1x128xi32, #tpu.memory_space<vmem>> -> memref<1x1x128xi32, #tpu.memory_space<vmem>>
      %dma_wait3A_271 = tpu.memref_squeeze %dma_wait3A_270 : memref<1x1x128xi32, #tpu.memory_space<vmem>> -> memref<128xi32, #tpu.memory_space<vmem>>
      %dma_wait3A_272 = arith.constant 0 : i32
      %dma_wait3A_273 = arith.constant 0 : i32
      %dma_wait3A_274 = tpu.memref_slice %arg7[%dma_wait3A_272, %dma_wait3A_273] : memref<50016x32xf32, #tpu.memory_space<vmem_shared>> -> memref<50016x32xf32, #tpu.memory_space<vmem_shared>>
      tpu.wait_indirect_dma semaphore(%arg13 : memref<!tpu.dma_semaphore, #tpu.memory_space<semaphore_mem>>) src(%dma_wait3A_268 : memref<128x32xf32, #tpu.memory_space<vmem>>) dst(%dma_wait3A_274 : memref<50016x32xf32, #tpu.memory_space<vmem_shared>>)
      %barrier3A_275 = arith.constant 0 : index
      tpu.barrier barrier_id(%barrier3A_275)
      %lt3A_276 = arith.constant 15 : i32
      %lt3A_277 = arith.cmpi slt, %arg1, %lt3A_276 : i32
      %convert_element_type3A_278 = arith.extui %lt3A_277 : i1 to i32
      %cond3A_279 = arith.constant 0 : i32
      %cond3A_280 = arith.cmpi ne, %convert_element_type3A_278, %cond3A_279 : i32
      scf.if %cond3A_280 {
        %mul3A_288 = arith.constant 3200 : i32
        %mul3A_289 = arith.muli %arg1, %mul3A_288 : i32
        %mul3A_290 = arith.constant 3200 : i32
        %mul3A_291 = arith.muli %arg1, %mul3A_290 : i32
        "tpu.region"() ({
          %run_scoped3A = tpu.sem_alloc : memref<!tpu.dma_semaphore, #tpu.memory_space<semaphore_mem>>
          %dma_start3A_292 = arith.constant 0 : i32
          %dma_start3A_293 = tpu.memref_slice %arg6[%mul3A_291, %add3A, %dma_start3A_292] : memref<50000x4x32xf32, #tpu.memory_space<hbm>> -> memref<3200x1x32xf32, #tpu.memory_space<hbm>>
          %dma_start3A_294 = tpu.memref_squeeze %dma_start3A_293 : memref<3200x1x32xf32, #tpu.memory_space<hbm>> -> memref<3200x32xf32, #tpu.memory_space<hbm>>
          %dma_start3A_295 = arith.constant 0 : i32
          %dma_start3A_296 = tpu.memref_slice %arg7[%mul3A_289, %dma_start3A_295] : memref<50016x32xf32, #tpu.memory_space<vmem_shared>> -> memref<3200x32xf32, #tpu.memory_space<vmem_shared>>
          tpu.enqueue_dma source(%dma_start3A_296 : memref<3200x32xf32, #tpu.memory_space<vmem_shared>>) target(%dma_start3A_294 : memref<3200x32xf32, #tpu.memory_space<hbm>>) target_semaphore(%run_scoped3A : memref<!tpu.dma_semaphore, #tpu.memory_space<semaphore_mem>>)
          %dma_wait3A_297 = arith.constant 0 : i32
          %dma_wait3A_298 = tpu.memref_slice %arg6[%mul3A_291, %add3A, %dma_wait3A_297] : memref<50000x4x32xf32, #tpu.memory_space<hbm>> -> memref<3200x1x32xf32, #tpu.memory_space<hbm>>
          %dma_wait3A_299 = tpu.memref_squeeze %dma_wait3A_298 : memref<3200x1x32xf32, #tpu.memory_space<hbm>> -> memref<3200x32xf32, #tpu.memory_space<hbm>>
          %dma_wait3A_300 = arith.constant 0 : i32
          %dma_wait3A_301 = tpu.memref_slice %arg7[%mul3A_289, %dma_wait3A_300] : memref<50016x32xf32, #tpu.memory_space<vmem_shared>> -> memref<3200x32xf32, #tpu.memory_space<vmem_shared>>
          tpu.wait_dma2 semaphore(%run_scoped3A : memref<!tpu.dma_semaphore, #tpu.memory_space<semaphore_mem>>) src(%dma_wait3A_301 : memref<3200x32xf32, #tpu.memory_space<vmem_shared>>) dst(%dma_wait3A_299 : memref<3200x32xf32, #tpu.memory_space<hbm>>)
          tpu.yield
        }) : () -> ()
      } else {
      }
      %eq3A_281 = arith.constant 15 : i32
      %eq3A_282 = arith.cmpi eq, %arg1, %eq3A_281 : i32
      %convert_element_type3A_283 = arith.extui %eq3A_282 : i1 to i32
      %cond3A_284 = arith.constant 0 : i32
      %cond3A_285 = arith.cmpi ne, %convert_element_type3A_283, %cond3A_284 : i32
      scf.if %cond3A_285 {
        "tpu.region"() ({
          %run_scoped3A = tpu.sem_alloc : memref<!tpu.dma_semaphore, #tpu.memory_space<semaphore_mem>>
          %dma_start3A_288 = arith.constant 48000 : i32
          %dma_start3A_289 = arith.constant 0 : i32
          %dma_start3A_290 = tpu.memref_slice %arg6[%dma_start3A_288, %add3A, %dma_start3A_289] : memref<50000x4x32xf32, #tpu.memory_space<hbm>> -> memref<2000x1x32xf32, #tpu.memory_space<hbm>>
          %dma_start3A_291 = tpu.memref_squeeze %dma_start3A_290 : memref<2000x1x32xf32, #tpu.memory_space<hbm>> -> memref<2000x32xf32, #tpu.memory_space<hbm>>
          %dma_start3A_292 = arith.constant 48000 : i32
          %dma_start3A_293 = arith.constant 0 : i32
          %dma_start3A_294 = tpu.memref_slice %arg7[%dma_start3A_292, %dma_start3A_293] : memref<50016x32xf32, #tpu.memory_space<vmem_shared>> -> memref<2000x32xf32, #tpu.memory_space<vmem_shared>>
          tpu.enqueue_dma source(%dma_start3A_294 : memref<2000x32xf32, #tpu.memory_space<vmem_shared>>) target(%dma_start3A_291 : memref<2000x32xf32, #tpu.memory_space<hbm>>) target_semaphore(%run_scoped3A : memref<!tpu.dma_semaphore, #tpu.memory_space<semaphore_mem>>)
          %dma_wait3A_295 = arith.constant 48000 : i32
          %dma_wait3A_296 = arith.constant 0 : i32
          %dma_wait3A_297 = tpu.memref_slice %arg6[%dma_wait3A_295, %add3A, %dma_wait3A_296] : memref<50000x4x32xf32, #tpu.memory_space<hbm>> -> memref<2000x1x32xf32, #tpu.memory_space<hbm>>
          %dma_wait3A_298 = tpu.memref_squeeze %dma_wait3A_297 : memref<2000x1x32xf32, #tpu.memory_space<hbm>> -> memref<2000x32xf32, #tpu.memory_space<hbm>>
          %dma_wait3A_299 = arith.constant 48000 : i32
          %dma_wait3A_300 = arith.constant 0 : i32
          %dma_wait3A_301 = tpu.memref_slice %arg7[%dma_wait3A_299, %dma_wait3A_300] : memref<50016x32xf32, #tpu.memory_space<vmem_shared>> -> memref<2000x32xf32, #tpu.memory_space<vmem_shared>>
          tpu.wait_dma2 semaphore(%run_scoped3A : memref<!tpu.dma_semaphore, #tpu.memory_space<semaphore_mem>>) src(%dma_wait3A_301 : memref<2000x32xf32, #tpu.memory_space<vmem_shared>>) dst(%dma_wait3A_298 : memref<2000x32xf32, #tpu.memory_space<hbm>>)
          tpu.yield
        }) : () -> ()
      } else {
      }
      %barrier3A_286 = arith.constant 0 : index
      tpu.barrier barrier_id(%barrier3A_286)
      %scan3A_287 = arith.constant 0 : i32
      scf.yield %scan3A_287 : i32
    }
    %scan3A_5 = arith.constant 2 : i32
    return
  }
}

#map = affine_map<(d0, d1) -> (0, 0)>
module attributes {stable_mosaic.version = 14 : i64} {
  func.func @deg_kernel(%arg0: i32, %arg1: i32, %arg2: memref<6400x128xi32, #tpu.memory_space<hbm>>, %arg3: memref<2x51200xf32, #tpu.memory_space<hbm>>, %arg4: memref<51200xf32, #tpu.memory_space<vmem_shared>>, %arg5: memref<3200xf32, #tpu.memory_space<vmem>>, %arg6: memref<128xf32, #tpu.memory_space<vmem>>, %arg7: memref<8x128xi32, #tpu.memory_space<vmem>>) attributes {dimension_semantics = [#tpu.dimension_semantics<core_parallel>, #tpu.dimension_semantics<subcore_parallel>], iteration_bounds = array<i64: 2, 16>, scalar_prefetch = 0 : i64, scratch_operands = 4 : i64, tpu.core_type = #tpu.core_type<sc_vector_subcore>, window_params = [{transform_indices = #map}, {transform_indices = #map}]} {
    %scan3A = arith.constant 0 : i32
    %scan3A_0 = arith.constant 0 : i32
    %scan3A_1 = arith.constant 200 : i32
    %scan3A_2 = arith.addi %scan3A_0, %scan3A_1 : i32
    %scan3A_3 = arith.constant 1 : i32
    %scan3A_4 = scf.for %scan3A_30 = %scan3A_0 to %scan3A_2 step %scan3A_3 iter_args(%scan3A_31 = %scan3A) -> (i32)  : i32 {
      %broadcast_in_dim3A = arith.constant 0.000000e+00 : f32
      %broadcast_in_dim3A_32 = vector.broadcast %broadcast_in_dim3A : f32 to vector<16xf32>
      %mul3A_33 = arith.constant 16 : i32
      %mul3A_34 = arith.muli %scan3A_30, %mul3A_33 : i32
      %swap3A = arith.index_cast %mul3A_34 : i32 to index
      %swap3A_35 = tpu.vector_load %arg5[%swap3A] {strides = array<i32>} : memref<3200xf32, #tpu.memory_space<vmem>>, vector<16xf32>,
      %swap3A_36 = vector.shape_cast %swap3A_35 : vector<16xf32> to vector<16xf32>
      %swap3A_37 = vector.shape_cast %broadcast_in_dim3A_32 : vector<16xf32> to vector<16xf32>
      tpu.vector_store %arg5[%swap3A], %swap3A_37 {strides = array<i32>} : memref<3200xf32, #tpu.memory_space<vmem>>, vector<16xf32>,
      %scan3A_38 = arith.constant 0 : i32
      scf.yield %scan3A_38 : i32
    }
    %scan3A_5 = arith.constant 200 : i32
    %scan3A_6 = arith.constant 0 : i32
    %scan3A_7 = arith.constant 0 : i32
    %scan3A_8 = arith.constant 8 : i32
    %scan3A_9 = arith.addi %scan3A_7, %scan3A_8 : i32
    %scan3A_10 = arith.constant 1 : i32
    %scan3A_11 = scf.for %scan3A_30 = %scan3A_7 to %scan3A_9 step %scan3A_10 iter_args(%scan3A_31 = %scan3A_6) -> (i32)  : i32 {
      %broadcast_in_dim3A = arith.constant 1.000000e+00 : f32
      %broadcast_in_dim3A_32 = vector.broadcast %broadcast_in_dim3A : f32 to vector<16xf32>
      %mul3A_33 = arith.constant 16 : i32
      %mul3A_34 = arith.muli %scan3A_30, %mul3A_33 : i32
      %swap3A = arith.index_cast %mul3A_34 : i32 to index
      %swap3A_35 = tpu.vector_load %arg6[%swap3A] {strides = array<i32>} : memref<128xf32, #tpu.memory_space<vmem>>, vector<16xf32>,
      %swap3A_36 = vector.shape_cast %swap3A_35 : vector<16xf32> to vector<16xf32>
      %swap3A_37 = vector.shape_cast %broadcast_in_dim3A_32 : vector<16xf32> to vector<16xf32>
      tpu.vector_store %arg6[%swap3A], %swap3A_37 {strides = array<i32>} : memref<128xf32, #tpu.memory_space<vmem>>, vector<16xf32>,
      %scan3A_38 = arith.constant 0 : i32
      scf.yield %scan3A_38 : i32
    }
    %scan3A_12 = arith.constant 8 : i32
    %mul3A = arith.constant 3200 : i32
    %mul3A_13 = arith.muli %arg1, %mul3A : i32
    "tpu.region"() ({
      %run_scoped3A = tpu.sem_alloc : memref<!tpu.dma_semaphore, #tpu.memory_space<semaphore_mem>>
      %dma_start3A = tpu.memref_slice %arg4[%mul3A_13] : memref<51200xf32, #tpu.memory_space<vmem_shared>> -> memref<3200xf32, #tpu.memory_space<vmem_shared>>
      %dma_start3A_30 = tpu.memref_slice %arg4[%mul3A_13] : memref<51200xf32, #tpu.memory_space<vmem_shared>> -> memref<3200xf32, #tpu.memory_space<vmem_shared>>
      tpu.enqueue_dma source(%arg5 : memref<3200xf32, #tpu.memory_space<vmem>>) target(%dma_start3A_30 : memref<3200xf32, #tpu.memory_space<vmem_shared>>) target_semaphore(%run_scoped3A : memref<!tpu.dma_semaphore, #tpu.memory_space<semaphore_mem>>)
      %dma_wait3A = tpu.memref_slice %arg4[%mul3A_13] : memref<51200xf32, #tpu.memory_space<vmem_shared>> -> memref<3200xf32, #tpu.memory_space<vmem_shared>>
      %dma_wait3A_31 = tpu.memref_slice %arg4[%mul3A_13] : memref<51200xf32, #tpu.memory_space<vmem_shared>> -> memref<3200xf32, #tpu.memory_space<vmem_shared>>
      tpu.wait_dma2 semaphore(%run_scoped3A : memref<!tpu.dma_semaphore, #tpu.memory_space<semaphore_mem>>) src(%arg5 : memref<3200xf32, #tpu.memory_space<vmem>>) dst(%dma_wait3A_31 : memref<3200xf32, #tpu.memory_space<vmem_shared>>)
      tpu.yield
    }) : () -> ()
    %barrier3A = arith.constant 0 : index
    tpu.barrier barrier_id(%barrier3A)
    %mul3A_14 = arith.constant 3200 : i32
    %mul3A_15 = arith.muli %arg0, %mul3A_14 : i32
    %mul3A_16 = arith.constant 200 : i32
    %mul3A_17 = arith.muli %arg1, %mul3A_16 : i32
    %add3A = arith.addi %mul3A_15, %mul3A_17 : i32
    %scan3A_18 = arith.constant 0 : i32
    %scan3A_19 = arith.constant 0 : i32
    %scan3A_20 = arith.constant 25 : i32
    %scan3A_21 = arith.addi %scan3A_19, %scan3A_20 : i32
    %scan3A_22 = arith.constant 1 : i32
    %scan3A_23 = scf.for %scan3A_30 = %scan3A_19 to %scan3A_21 step %scan3A_22 iter_args(%scan3A_31 = %scan3A_18) -> (i32)  : i32 {
      %mul3A_32 = arith.constant 8 : i32
      %mul3A_33 = arith.muli %scan3A_30, %mul3A_32 : i32
      %add3A_34 = arith.addi %add3A, %mul3A_33 : i32
      "tpu.region"() ({
        %run_scoped3A_43 = tpu.sem_alloc : memref<!tpu.dma_semaphore, #tpu.memory_space<semaphore_mem>>
        %dma_start3A = arith.constant 0 : i32
        %dma_start3A_44 = tpu.memref_slice %arg2[%add3A_34, %dma_start3A] : memref<6400x128xi32, #tpu.memory_space<hbm>> -> memref<8x128xi32, #tpu.memory_space<hbm>>
        %dma_start3A_45 = arith.constant 0 : i32
        %dma_start3A_46 = tpu.memref_slice %arg2[%add3A_34, %dma_start3A_45] : memref<6400x128xi32, #tpu.memory_space<hbm>> -> memref<8x128xi32, #tpu.memory_space<hbm>>
        tpu.enqueue_dma source(%dma_start3A_46 : memref<8x128xi32, #tpu.memory_space<hbm>>) target(%arg7 : memref<8x128xi32, #tpu.memory_space<vmem>>) target_semaphore(%run_scoped3A_43 : memref<!tpu.dma_semaphore, #tpu.memory_space<semaphore_mem>>)
        %dma_wait3A = arith.constant 0 : i32
        %dma_wait3A_47 = tpu.memref_slice %arg2[%add3A_34, %dma_wait3A] : memref<6400x128xi32, #tpu.memory_space<hbm>> -> memref<8x128xi32, #tpu.memory_space<hbm>>
        %dma_wait3A_48 = arith.constant 0 : i32
        %dma_wait3A_49 = tpu.memref_slice %arg2[%add3A_34, %dma_wait3A_48] : memref<6400x128xi32, #tpu.memory_space<hbm>> -> memref<8x128xi32, #tpu.memory_space<hbm>>
        tpu.wait_dma2 semaphore(%run_scoped3A_43 : memref<!tpu.dma_semaphore, #tpu.memory_space<semaphore_mem>>) src(%dma_wait3A_49 : memref<8x128xi32, #tpu.memory_space<hbm>>) dst(%arg7 : memref<8x128xi32, #tpu.memory_space<vmem>>)
        tpu.yield
      }) : () -> ()
      %run_scoped3A = arith.constant 0 : i32
      "tpu.region"() ({
        %run_scoped3A_43 = tpu.sem_alloc : memref<!tpu.dma_semaphore, #tpu.memory_space<semaphore_mem>>
        %dma_start3A = arith.constant 0 : i32
        %dma_start3A_44 = tpu.memref_slice %arg7[%run_scoped3A, %dma_start3A] : memref<8x128xi32, #tpu.memory_space<vmem>> -> memref<1x128xi32, #tpu.memory_space<vmem>>
        %dma_start3A_45 = tpu.memref_squeeze %dma_start3A_44 : memref<1x128xi32, #tpu.memory_space<vmem>> -> memref<128xi32, #tpu.memory_space<vmem>>
        %dma_start3A_46 = arith.constant 0 : i32
        %dma_start3A_47 = tpu.memref_slice %arg4[%dma_start3A_46] : memref<51200xf32, #tpu.memory_space<vmem_shared>> -> memref<51200xf32, #tpu.memory_space<vmem_shared>>
        tpu.enqueue_indirect_dma source(%arg6 : memref<128xf32, #tpu.memory_space<vmem>>) target(%dma_start3A_47 : memref<51200xf32, #tpu.memory_space<vmem_shared>>) offsets(%dma_start3A_45 : memref<128xi32, #tpu.memory_space<vmem>>) semaphore(%run_scoped3A_43 : memref<!tpu.dma_semaphore, #tpu.memory_space<semaphore_mem>>) {add = true}
        %dma_wait3A = arith.constant 0 : i32
        %dma_wait3A_48 = tpu.memref_slice %arg7[%run_scoped3A, %dma_wait3A] : memref<8x128xi32, #tpu.memory_space<vmem>> -> memref<1x128xi32, #tpu.memory_space<vmem>>
        %dma_wait3A_49 = tpu.memref_squeeze %dma_wait3A_48 : memref<1x128xi32, #tpu.memory_space<vmem>> -> memref<128xi32, #tpu.memory_space<vmem>>
        %dma_wait3A_50 = arith.constant 0 : i32
        %dma_wait3A_51 = tpu.memref_slice %arg4[%dma_wait3A_50] : memref<51200xf32, #tpu.memory_space<vmem_shared>> -> memref<51200xf32, #tpu.memory_space<vmem_shared>>
        tpu.wait_indirect_dma semaphore(%run_scoped3A_43 : memref<!tpu.dma_semaphore, #tpu.memory_space<semaphore_mem>>) src(%arg6 : memref<128xf32, #tpu.memory_space<vmem>>) dst(%dma_wait3A_51 : memref<51200xf32, #tpu.memory_space<vmem_shared>>)
        tpu.yield
      }) : () -> ()
      %run_scoped3A_35 = arith.constant 1 : i32
      "tpu.region"() ({
        %run_scoped3A_43 = tpu.sem_alloc : memref<!tpu.dma_semaphore, #tpu.memory_space<semaphore_mem>>
        %dma_start3A = arith.constant 0 : i32
        %dma_start3A_44 = tpu.memref_slice %arg7[%run_scoped3A_35, %dma_start3A] : memref<8x128xi32, #tpu.memory_space<vmem>> -> memref<1x128xi32, #tpu.memory_space<vmem>>
        %dma_start3A_45 = tpu.memref_squeeze %dma_start3A_44 : memref<1x128xi32, #tpu.memory_space<vmem>> -> memref<128xi32, #tpu.memory_space<vmem>>
        %dma_start3A_46 = arith.constant 0 : i32
        %dma_start3A_47 = tpu.memref_slice %arg4[%dma_start3A_46] : memref<51200xf32, #tpu.memory_space<vmem_shared>> -> memref<51200xf32, #tpu.memory_space<vmem_shared>>
        tpu.enqueue_indirect_dma source(%arg6 : memref<128xf32, #tpu.memory_space<vmem>>) target(%dma_start3A_47 : memref<51200xf32, #tpu.memory_space<vmem_shared>>) offsets(%dma_start3A_45 : memref<128xi32, #tpu.memory_space<vmem>>) semaphore(%run_scoped3A_43 : memref<!tpu.dma_semaphore, #tpu.memory_space<semaphore_mem>>) {add = true}
        %dma_wait3A = arith.constant 0 : i32
        %dma_wait3A_48 = tpu.memref_slice %arg7[%run_scoped3A_35, %dma_wait3A] : memref<8x128xi32, #tpu.memory_space<vmem>> -> memref<1x128xi32, #tpu.memory_space<vmem>>
        %dma_wait3A_49 = tpu.memref_squeeze %dma_wait3A_48 : memref<1x128xi32, #tpu.memory_space<vmem>> -> memref<128xi32, #tpu.memory_space<vmem>>
        %dma_wait3A_50 = arith.constant 0 : i32
        %dma_wait3A_51 = tpu.memref_slice %arg4[%dma_wait3A_50] : memref<51200xf32, #tpu.memory_space<vmem_shared>> -> memref<51200xf32, #tpu.memory_space<vmem_shared>>
        tpu.wait_indirect_dma semaphore(%run_scoped3A_43 : memref<!tpu.dma_semaphore, #tpu.memory_space<semaphore_mem>>) src(%arg6 : memref<128xf32, #tpu.memory_space<vmem>>) dst(%dma_wait3A_51 : memref<51200xf32, #tpu.memory_space<vmem_shared>>)
        tpu.yield
      }) : () -> ()
      %run_scoped3A_36 = arith.constant 2 : i32
      "tpu.region"() ({
        %run_scoped3A_43 = tpu.sem_alloc : memref<!tpu.dma_semaphore, #tpu.memory_space<semaphore_mem>>
        %dma_start3A = arith.constant 0 : i32
        %dma_start3A_44 = tpu.memref_slice %arg7[%run_scoped3A_36, %dma_start3A] : memref<8x128xi32, #tpu.memory_space<vmem>> -> memref<1x128xi32, #tpu.memory_space<vmem>>
        %dma_start3A_45 = tpu.memref_squeeze %dma_start3A_44 : memref<1x128xi32, #tpu.memory_space<vmem>> -> memref<128xi32, #tpu.memory_space<vmem>>
        %dma_start3A_46 = arith.constant 0 : i32
        %dma_start3A_47 = tpu.memref_slice %arg4[%dma_start3A_46] : memref<51200xf32, #tpu.memory_space<vmem_shared>> -> memref<51200xf32, #tpu.memory_space<vmem_shared>>
        tpu.enqueue_indirect_dma source(%arg6 : memref<128xf32, #tpu.memory_space<vmem>>) target(%dma_start3A_47 : memref<51200xf32, #tpu.memory_space<vmem_shared>>) offsets(%dma_start3A_45 : memref<128xi32, #tpu.memory_space<vmem>>) semaphore(%run_scoped3A_43 : memref<!tpu.dma_semaphore, #tpu.memory_space<semaphore_mem>>) {add = true}
        %dma_wait3A = arith.constant 0 : i32
        %dma_wait3A_48 = tpu.memref_slice %arg7[%run_scoped3A_36, %dma_wait3A] : memref<8x128xi32, #tpu.memory_space<vmem>> -> memref<1x128xi32, #tpu.memory_space<vmem>>
        %dma_wait3A_49 = tpu.memref_squeeze %dma_wait3A_48 : memref<1x128xi32, #tpu.memory_space<vmem>> -> memref<128xi32, #tpu.memory_space<vmem>>
        %dma_wait3A_50 = arith.constant 0 : i32
        %dma_wait3A_51 = tpu.memref_slice %arg4[%dma_wait3A_50] : memref<51200xf32, #tpu.memory_space<vmem_shared>> -> memref<51200xf32, #tpu.memory_space<vmem_shared>>
        tpu.wait_indirect_dma semaphore(%run_scoped3A_43 : memref<!tpu.dma_semaphore, #tpu.memory_space<semaphore_mem>>) src(%arg6 : memref<128xf32, #tpu.memory_space<vmem>>) dst(%dma_wait3A_51 : memref<51200xf32, #tpu.memory_space<vmem_shared>>)
        tpu.yield
      }) : () -> ()
      %run_scoped3A_37 = arith.constant 3 : i32
      "tpu.region"() ({
        %run_scoped3A_43 = tpu.sem_alloc : memref<!tpu.dma_semaphore, #tpu.memory_space<semaphore_mem>>
        %dma_start3A = arith.constant 0 : i32
        %dma_start3A_44 = tpu.memref_slice %arg7[%run_scoped3A_37, %dma_start3A] : memref<8x128xi32, #tpu.memory_space<vmem>> -> memref<1x128xi32, #tpu.memory_space<vmem>>
        %dma_start3A_45 = tpu.memref_squeeze %dma_start3A_44 : memref<1x128xi32, #tpu.memory_space<vmem>> -> memref<128xi32, #tpu.memory_space<vmem>>
        %dma_start3A_46 = arith.constant 0 : i32
        %dma_start3A_47 = tpu.memref_slice %arg4[%dma_start3A_46] : memref<51200xf32, #tpu.memory_space<vmem_shared>> -> memref<51200xf32, #tpu.memory_space<vmem_shared>>
        tpu.enqueue_indirect_dma source(%arg6 : memref<128xf32, #tpu.memory_space<vmem>>) target(%dma_start3A_47 : memref<51200xf32, #tpu.memory_space<vmem_shared>>) offsets(%dma_start3A_45 : memref<128xi32, #tpu.memory_space<vmem>>) semaphore(%run_scoped3A_43 : memref<!tpu.dma_semaphore, #tpu.memory_space<semaphore_mem>>) {add = true}
        %dma_wait3A = arith.constant 0 : i32
        %dma_wait3A_48 = tpu.memref_slice %arg7[%run_scoped3A_37, %dma_wait3A] : memref<8x128xi32, #tpu.memory_space<vmem>> -> memref<1x128xi32, #tpu.memory_space<vmem>>
        %dma_wait3A_49 = tpu.memref_squeeze %dma_wait3A_48 : memref<1x128xi32, #tpu.memory_space<vmem>> -> memref<128xi32, #tpu.memory_space<vmem>>
        %dma_wait3A_50 = arith.constant 0 : i32
        %dma_wait3A_51 = tpu.memref_slice %arg4[%dma_wait3A_50] : memref<51200xf32, #tpu.memory_space<vmem_shared>> -> memref<51200xf32, #tpu.memory_space<vmem_shared>>
        tpu.wait_indirect_dma semaphore(%run_scoped3A_43 : memref<!tpu.dma_semaphore, #tpu.memory_space<semaphore_mem>>) src(%arg6 : memref<128xf32, #tpu.memory_space<vmem>>) dst(%dma_wait3A_51 : memref<51200xf32, #tpu.memory_space<vmem_shared>>)
        tpu.yield
      }) : () -> ()
      %run_scoped3A_38 = arith.constant 4 : i32
      "tpu.region"() ({
        %run_scoped3A_43 = tpu.sem_alloc : memref<!tpu.dma_semaphore, #tpu.memory_space<semaphore_mem>>
        %dma_start3A = arith.constant 0 : i32
        %dma_start3A_44 = tpu.memref_slice %arg7[%run_scoped3A_38, %dma_start3A] : memref<8x128xi32, #tpu.memory_space<vmem>> -> memref<1x128xi32, #tpu.memory_space<vmem>>
        %dma_start3A_45 = tpu.memref_squeeze %dma_start3A_44 : memref<1x128xi32, #tpu.memory_space<vmem>> -> memref<128xi32, #tpu.memory_space<vmem>>
        %dma_start3A_46 = arith.constant 0 : i32
        %dma_start3A_47 = tpu.memref_slice %arg4[%dma_start3A_46] : memref<51200xf32, #tpu.memory_space<vmem_shared>> -> memref<51200xf32, #tpu.memory_space<vmem_shared>>
        tpu.enqueue_indirect_dma source(%arg6 : memref<128xf32, #tpu.memory_space<vmem>>) target(%dma_start3A_47 : memref<51200xf32, #tpu.memory_space<vmem_shared>>) offsets(%dma_start3A_45 : memref<128xi32, #tpu.memory_space<vmem>>) semaphore(%run_scoped3A_43 : memref<!tpu.dma_semaphore, #tpu.memory_space<semaphore_mem>>) {add = true}
        %dma_wait3A = arith.constant 0 : i32
        %dma_wait3A_48 = tpu.memref_slice %arg7[%run_scoped3A_38, %dma_wait3A] : memref<8x128xi32, #tpu.memory_space<vmem>> -> memref<1x128xi32, #tpu.memory_space<vmem>>
        %dma_wait3A_49 = tpu.memref_squeeze %dma_wait3A_48 : memref<1x128xi32, #tpu.memory_space<vmem>> -> memref<128xi32, #tpu.memory_space<vmem>>
        %dma_wait3A_50 = arith.constant 0 : i32
        %dma_wait3A_51 = tpu.memref_slice %arg4[%dma_wait3A_50] : memref<51200xf32, #tpu.memory_space<vmem_shared>> -> memref<51200xf32, #tpu.memory_space<vmem_shared>>
        tpu.wait_indirect_dma semaphore(%run_scoped3A_43 : memref<!tpu.dma_semaphore, #tpu.memory_space<semaphore_mem>>) src(%arg6 : memref<128xf32, #tpu.memory_space<vmem>>) dst(%dma_wait3A_51 : memref<51200xf32, #tpu.memory_space<vmem_shared>>)
        tpu.yield
      }) : () -> ()
      %run_scoped3A_39 = arith.constant 5 : i32
      "tpu.region"() ({
        %run_scoped3A_43 = tpu.sem_alloc : memref<!tpu.dma_semaphore, #tpu.memory_space<semaphore_mem>>
        %dma_start3A = arith.constant 0 : i32
        %dma_start3A_44 = tpu.memref_slice %arg7[%run_scoped3A_39, %dma_start3A] : memref<8x128xi32, #tpu.memory_space<vmem>> -> memref<1x128xi32, #tpu.memory_space<vmem>>
        %dma_start3A_45 = tpu.memref_squeeze %dma_start3A_44 : memref<1x128xi32, #tpu.memory_space<vmem>> -> memref<128xi32, #tpu.memory_space<vmem>>
        %dma_start3A_46 = arith.constant 0 : i32
        %dma_start3A_47 = tpu.memref_slice %arg4[%dma_start3A_46] : memref<51200xf32, #tpu.memory_space<vmem_shared>> -> memref<51200xf32, #tpu.memory_space<vmem_shared>>
        tpu.enqueue_indirect_dma source(%arg6 : memref<128xf32, #tpu.memory_space<vmem>>) target(%dma_start3A_47 : memref<51200xf32, #tpu.memory_space<vmem_shared>>) offsets(%dma_start3A_45 : memref<128xi32, #tpu.memory_space<vmem>>) semaphore(%run_scoped3A_43 : memref<!tpu.dma_semaphore, #tpu.memory_space<semaphore_mem>>) {add = true}
        %dma_wait3A = arith.constant 0 : i32
        %dma_wait3A_48 = tpu.memref_slice %arg7[%run_scoped3A_39, %dma_wait3A] : memref<8x128xi32, #tpu.memory_space<vmem>> -> memref<1x128xi32, #tpu.memory_space<vmem>>
        %dma_wait3A_49 = tpu.memref_squeeze %dma_wait3A_48 : memref<1x128xi32, #tpu.memory_space<vmem>> -> memref<128xi32, #tpu.memory_space<vmem>>
        %dma_wait3A_50 = arith.constant 0 : i32
        %dma_wait3A_51 = tpu.memref_slice %arg4[%dma_wait3A_50] : memref<51200xf32, #tpu.memory_space<vmem_shared>> -> memref<51200xf32, #tpu.memory_space<vmem_shared>>
        tpu.wait_indirect_dma semaphore(%run_scoped3A_43 : memref<!tpu.dma_semaphore, #tpu.memory_space<semaphore_mem>>) src(%arg6 : memref<128xf32, #tpu.memory_space<vmem>>) dst(%dma_wait3A_51 : memref<51200xf32, #tpu.memory_space<vmem_shared>>)
        tpu.yield
      }) : () -> ()
      %run_scoped3A_40 = arith.constant 6 : i32
      "tpu.region"() ({
        %run_scoped3A_43 = tpu.sem_alloc : memref<!tpu.dma_semaphore, #tpu.memory_space<semaphore_mem>>
        %dma_start3A = arith.constant 0 : i32
        %dma_start3A_44 = tpu.memref_slice %arg7[%run_scoped3A_40, %dma_start3A] : memref<8x128xi32, #tpu.memory_space<vmem>> -> memref<1x128xi32, #tpu.memory_space<vmem>>
        %dma_start3A_45 = tpu.memref_squeeze %dma_start3A_44 : memref<1x128xi32, #tpu.memory_space<vmem>> -> memref<128xi32, #tpu.memory_space<vmem>>
        %dma_start3A_46 = arith.constant 0 : i32
        %dma_start3A_47 = tpu.memref_slice %arg4[%dma_start3A_46] : memref<51200xf32, #tpu.memory_space<vmem_shared>> -> memref<51200xf32, #tpu.memory_space<vmem_shared>>
        tpu.enqueue_indirect_dma source(%arg6 : memref<128xf32, #tpu.memory_space<vmem>>) target(%dma_start3A_47 : memref<51200xf32, #tpu.memory_space<vmem_shared>>) offsets(%dma_start3A_45 : memref<128xi32, #tpu.memory_space<vmem>>) semaphore(%run_scoped3A_43 : memref<!tpu.dma_semaphore, #tpu.memory_space<semaphore_mem>>) {add = true}
        %dma_wait3A = arith.constant 0 : i32
        %dma_wait3A_48 = tpu.memref_slice %arg7[%run_scoped3A_40, %dma_wait3A] : memref<8x128xi32, #tpu.memory_space<vmem>> -> memref<1x128xi32, #tpu.memory_space<vmem>>
        %dma_wait3A_49 = tpu.memref_squeeze %dma_wait3A_48 : memref<1x128xi32, #tpu.memory_space<vmem>> -> memref<128xi32, #tpu.memory_space<vmem>>
        %dma_wait3A_50 = arith.constant 0 : i32
        %dma_wait3A_51 = tpu.memref_slice %arg4[%dma_wait3A_50] : memref<51200xf32, #tpu.memory_space<vmem_shared>> -> memref<51200xf32, #tpu.memory_space<vmem_shared>>
        tpu.wait_indirect_dma semaphore(%run_scoped3A_43 : memref<!tpu.dma_semaphore, #tpu.memory_space<semaphore_mem>>) src(%arg6 : memref<128xf32, #tpu.memory_space<vmem>>) dst(%dma_wait3A_51 : memref<51200xf32, #tpu.memory_space<vmem_shared>>)
        tpu.yield
      }) : () -> ()
      %run_scoped3A_41 = arith.constant 7 : i32
      "tpu.region"() ({
        %run_scoped3A_43 = tpu.sem_alloc : memref<!tpu.dma_semaphore, #tpu.memory_space<semaphore_mem>>
        %dma_start3A = arith.constant 0 : i32
        %dma_start3A_44 = tpu.memref_slice %arg7[%run_scoped3A_41, %dma_start3A] : memref<8x128xi32, #tpu.memory_space<vmem>> -> memref<1x128xi32, #tpu.memory_space<vmem>>
        %dma_start3A_45 = tpu.memref_squeeze %dma_start3A_44 : memref<1x128xi32, #tpu.memory_space<vmem>> -> memref<128xi32, #tpu.memory_space<vmem>>
        %dma_start3A_46 = arith.constant 0 : i32
        %dma_start3A_47 = tpu.memref_slice %arg4[%dma_start3A_46] : memref<51200xf32, #tpu.memory_space<vmem_shared>> -> memref<51200xf32, #tpu.memory_space<vmem_shared>>
        tpu.enqueue_indirect_dma source(%arg6 : memref<128xf32, #tpu.memory_space<vmem>>) target(%dma_start3A_47 : memref<51200xf32, #tpu.memory_space<vmem_shared>>) offsets(%dma_start3A_45 : memref<128xi32, #tpu.memory_space<vmem>>) semaphore(%run_scoped3A_43 : memref<!tpu.dma_semaphore, #tpu.memory_space<semaphore_mem>>) {add = true}
        %dma_wait3A = arith.constant 0 : i32
        %dma_wait3A_48 = tpu.memref_slice %arg7[%run_scoped3A_41, %dma_wait3A] : memref<8x128xi32, #tpu.memory_space<vmem>> -> memref<1x128xi32, #tpu.memory_space<vmem>>
        %dma_wait3A_49 = tpu.memref_squeeze %dma_wait3A_48 : memref<1x128xi32, #tpu.memory_space<vmem>> -> memref<128xi32, #tpu.memory_space<vmem>>
        %dma_wait3A_50 = arith.constant 0 : i32
        %dma_wait3A_51 = tpu.memref_slice %arg4[%dma_wait3A_50] : memref<51200xf32, #tpu.memory_space<vmem_shared>> -> memref<51200xf32, #tpu.memory_space<vmem_shared>>
        tpu.wait_indirect_dma semaphore(%run_scoped3A_43 : memref<!tpu.dma_semaphore, #tpu.memory_space<semaphore_mem>>) src(%arg6 : memref<128xf32, #tpu.memory_space<vmem>>) dst(%dma_wait3A_51 : memref<51200xf32, #tpu.memory_space<vmem_shared>>)
        tpu.yield
      }) : () -> ()
      %scan3A_42 = arith.constant 0 : i32
      scf.yield %scan3A_42 : i32
    }
    %scan3A_24 = arith.constant 25 : i32
    %barrier3A_25 = arith.constant 0 : index
    tpu.barrier barrier_id(%barrier3A_25)
    %mul3A_26 = arith.constant 3200 : i32
    %mul3A_27 = arith.muli %arg1, %mul3A_26 : i32
    %mul3A_28 = arith.constant 3200 : i32
    %mul3A_29 = arith.muli %arg1, %mul3A_28 : i32
    "tpu.region"() ({
      %run_scoped3A = tpu.sem_alloc : memref<!tpu.dma_semaphore, #tpu.memory_space<semaphore_mem>>
      %dma_start3A = tpu.memref_slice %arg3[%arg0, %mul3A_29] : memref<2x51200xf32, #tpu.memory_space<hbm>> -> memref<1x3200xf32, #tpu.memory_space<hbm>>
      %dma_start3A_30 = tpu.memref_squeeze %dma_start3A : memref<1x3200xf32, #tpu.memory_space<hbm>> -> memref<3200xf32, #tpu.memory_space<hbm>>
      %dma_start3A_31 = tpu.memref_slice %arg4[%mul3A_27] : memref<51200xf32, #tpu.memory_space<vmem_shared>> -> memref<3200xf32, #tpu.memory_space<vmem_shared>>
      tpu.enqueue_dma source(%dma_start3A_31 : memref<3200xf32, #tpu.memory_space<vmem_shared>>) target(%dma_start3A_30 : memref<3200xf32, #tpu.memory_space<hbm>>) target_semaphore(%run_scoped3A : memref<!tpu.dma_semaphore, #tpu.memory_space<semaphore_mem>>)
      %dma_wait3A = tpu.memref_slice %arg3[%arg0, %mul3A_29] : memref<2x51200xf32, #tpu.memory_space<hbm>> -> memref<1x3200xf32, #tpu.memory_space<hbm>>
      %dma_wait3A_32 = tpu.memref_squeeze %dma_wait3A : memref<1x3200xf32, #tpu.memory_space<hbm>> -> memref<3200xf32, #tpu.memory_space<hbm>>
      %dma_wait3A_33 = tpu.memref_slice %arg4[%mul3A_27] : memref<51200xf32, #tpu.memory_space<vmem_shared>> -> memref<3200xf32, #tpu.memory_space<vmem_shared>>
      tpu.wait_dma2 semaphore(%run_scoped3A : memref<!tpu.dma_semaphore, #tpu.memory_space<semaphore_mem>>) src(%dma_wait3A_33 : memref<3200xf32, #tpu.memory_space<vmem_shared>>) dst(%dma_wait3A_32 : memref<3200xf32, #tpu.memory_space<hbm>>)
      tpu.yield
    }) : () -> ()
    return
  }
}

module attributes {stable_mosaic.version = 14 : i64} {
  func.func @body(%arg0: i32, %arg1: memref<1000x640xf32, #tpu.memory_space<vmem>>, %arg2: memref<1000x2xf32, #tpu.memory_space<vmem>>, %arg3: memref<640x128xf32, #tpu.memory_space<vmem>>, %arg4: memref<1000x128xf32, #tpu.memory_space<vmem>>) attributes {dimension_semantics = [#tpu.dimension_semantics<arbitrary>], iteration_bounds = array<i64: 50>, scalar_prefetch = 0 : i64, scratch_operands = 0 : i64, tpu.core_type = #tpu.core_type<tc>, window_params = [{transform_indices = @transform_0, window_bounds = array<i64: 1000, 640>}, {transform_indices = @transform_1, window_bounds = array<i64: 1000, 2>}, {pipeline_mode = #tpu.pipeline_mode<synchronous>, transform_indices = @transform_2, window_bounds = array<i64: 640, 128>}, {transform_indices = @transform_3, window_bounds = array<i64: 1000, 128>}]} {
    %get3A = arith.constant 0 : index
    %get3A_0 = arith.constant 0 : index
    %get3A_1 = vector.load %arg2[%get3A, %get3A_0] : memref<1000x2xf32, #tpu.memory_space<vmem>>, vector<1000x1xf32>
    %get3A_2 = vector.shape_cast %get3A_1 : vector<1000x1xf32> to vector<1000xf32>
    %get3A_3 = arith.constant 0 : index
    %get3A_4 = arith.constant 1 : index
    %get3A_5 = vector.load %arg2[%get3A_3, %get3A_4] : memref<1000x2xf32, #tpu.memory_space<vmem>>, vector<1000x1xf32>
    %get3A_6 = vector.shape_cast %get3A_5 : vector<1000x1xf32> to vector<1000xf32>
    %add3A = arith.addf %get3A_2, %get3A_6 : vector<1000xf32>
    %add3A_7 = arith.constant 1.000000e+00 : f32
    %add3A_8 = vector.broadcast %add3A_7 : f32 to vector<1000xf32>
    %add3A_9 = arith.addf %add3A, %add3A_8 : vector<1000xf32>
    %rsqrt3A = math.rsqrt %add3A_9 : vector<1000xf32>
    %get3A_10 = arith.constant 0 : index
    %get3A_11 = arith.constant 0 : index
    %get3A_12 = vector.load %arg1[%get3A_10, %get3A_11] : memref<1000x640xf32, #tpu.memory_space<vmem>>, vector<1000x640xf32>
    %get3A_13 = arith.constant 0 : index
    %get3A_14 = arith.constant 0 : index
    %get3A_15 = vector.load %arg3[%get3A_13, %get3A_14] : memref<640x128xf32, #tpu.memory_space<vmem>>, vector<640x128xf32>
    %dot_general3A = arith.constant dense<0.000000e+00> : vector<1000x128xf32>
    %dot_general3A_16 = tpu.matmul %get3A_12, %get3A_15, %dot_general3A {dimension_numbers = #tpu.dot_dimension_numbers<[1], [0], [0], [1], [0, 0, 1, 1], [], []>, transpose_lhs_hint = false} : vector<1000x640xf32>, vector<640x128xf32>, vector<1000x128xf32> -> vector<1000x128xf32>
    %broadcast_in_dim3A = vector.shape_cast %rsqrt3A : vector<1000xf32> to vector<1000x1xf32>
    %mul3A = vector.broadcast %broadcast_in_dim3A : vector<1000x1xf32> to vector<1000x128xf32>
    %mul3A_17 = arith.mulf %dot_general3A_16, %mul3A : vector<1000x128xf32>
    %swap3A = arith.constant 0 : index
    %swap3A_18 = arith.constant 0 : index
    %swap3A_19 = vector.load %arg4[%swap3A, %swap3A_18] : memref<1000x128xf32, #tpu.memory_space<vmem>>, vector<1000x128xf32>
    tpu.vector_store %arg4[%swap3A, %swap3A_18], %mul3A_17 {strides = array<i32>} : memref<1000x128xf32, #tpu.memory_space<vmem>>, vector<1000x128xf32>,
    return
  }
  func.func @transform_0(%arg0: i32) -> (i32, i32) {
    %c0_i32 = arith.constant 0 : i32
    %c0_i32_0 = arith.constant 0 : i32
    return %arg0, %c0_i32 : i32, i32
  }
  func.func @transform_1(%arg0: i32) -> (i32, i32) {
    %c0_i32 = arith.constant 0 : i32
    %c0_i32_0 = arith.constant 0 : i32
    return %arg0, %c0_i32 : i32, i32
  }
  func.func @transform_2(%arg0: i32) -> (i32, i32) {
    %c0_i32 = arith.constant 0 : i32
    %c0_i32_0 = arith.constant 0 : i32
    %c0_i32_1 = arith.constant 0 : i32
    return %c0_i32, %c0_i32_0 : i32, i32
  }
  func.func @transform_3(%arg0: i32) -> (i32, i32) {
    %c0_i32 = arith.constant 0 : i32
    %c0_i32_0 = arith.constant 0 : i32
    return %arg0, %c0_i32 : i32, i32
  }
}

module attributes {stable_mosaic.version = 14 : i64} {
  func.func @body(%arg0: i32, %arg1: memref<1000x128xf32, #tpu.memory_space<vmem>>, %arg2: memref<1000x128xf32, #tpu.memory_space<vmem>>, %arg3: memref<1000x2xf32, #tpu.memory_space<vmem>>, %arg4: memref<128x128xf32, #tpu.memory_space<vmem>>, %arg5: memref<1x128xf32, #tpu.memory_space<vmem>>, %arg6: memref<1000x128xf32, #tpu.memory_space<vmem>>) attributes {dimension_semantics = [#tpu.dimension_semantics<arbitrary>], iteration_bounds = array<i64: 50>, scalar_prefetch = 0 : i64, scratch_operands = 0 : i64, tpu.core_type = #tpu.core_type<tc>, window_params = [{transform_indices = @transform_0, window_bounds = array<i64: 1000, 128>}, {transform_indices = @transform_1, window_bounds = array<i64: 1000, 128>}, {transform_indices = @transform_2, window_bounds = array<i64: 1000, 2>}, {pipeline_mode = #tpu.pipeline_mode<synchronous>, transform_indices = @transform_3, window_bounds = array<i64: 128, 128>}, {pipeline_mode = #tpu.pipeline_mode<synchronous>, transform_indices = @transform_4, window_bounds = array<i64: 1, 128>}, {transform_indices = @transform_5, window_bounds = array<i64: 1000, 128>}]} {
    %get3A = arith.constant 0 : index
    %get3A_0 = arith.constant 0 : index
    %get3A_1 = vector.load %arg3[%get3A, %get3A_0] : memref<1000x2xf32, #tpu.memory_space<vmem>>, vector<1000x1xf32>
    %get3A_2 = vector.shape_cast %get3A_1 : vector<1000x1xf32> to vector<1000xf32>
    %get3A_3 = arith.constant 0 : index
    %get3A_4 = arith.constant 1 : index
    %get3A_5 = vector.load %arg3[%get3A_3, %get3A_4] : memref<1000x2xf32, #tpu.memory_space<vmem>>, vector<1000x1xf32>
    %get3A_6 = vector.shape_cast %get3A_5 : vector<1000x1xf32> to vector<1000xf32>
    %add3A = arith.addf %get3A_2, %get3A_6 : vector<1000xf32>
    %add3A_7 = arith.constant 1.000000e+00 : f32
    %add3A_8 = vector.broadcast %add3A_7 : f32 to vector<1000xf32>
    %add3A_9 = arith.addf %add3A, %add3A_8 : vector<1000xf32>
    %rsqrt3A = math.rsqrt %add3A_9 : vector<1000xf32>
    %get3A_10 = arith.constant 0 : index
    %get3A_11 = arith.constant 0 : index
    %get3A_12 = vector.load %arg1[%get3A_10, %get3A_11] : memref<1000x128xf32, #tpu.memory_space<vmem>>, vector<1000x128xf32>
    %get3A_13 = arith.constant 0 : index
    %get3A_14 = arith.constant 0 : index
    %get3A_15 = vector.load %arg2[%get3A_13, %get3A_14] : memref<1000x128xf32, #tpu.memory_space<vmem>>, vector<1000x128xf32>
    %add3A_16 = arith.addf %get3A_12, %get3A_15 : vector<1000x128xf32>
    %broadcast_in_dim3A = vector.shape_cast %rsqrt3A : vector<1000xf32> to vector<1000x1xf32>
    %mul3A = vector.broadcast %broadcast_in_dim3A : vector<1000x1xf32> to vector<1000x128xf32>
    %mul3A_17 = arith.mulf %add3A_16, %mul3A : vector<1000x128xf32>
    %get3A_18 = arith.constant 0 : index
    %get3A_19 = arith.constant 0 : index
    %get3A_20 = vector.load %arg5[%get3A_18, %get3A_19] : memref<1x128xf32, #tpu.memory_space<vmem>>, vector<1x128xf32>
    %add3A_21 = vector.broadcast %get3A_20 : vector<1x128xf32> to vector<1000x128xf32>
    %add3A_22 = arith.addf %mul3A_17, %add3A_21 : vector<1000x128xf32>
    %max3A = arith.constant 0.000000e+00 : f32
    %max3A_23 = vector.broadcast %max3A : f32 to vector<1000x128xf32>
    %max3A_24 = arith.maximumf %add3A_22, %max3A_23 : vector<1000x128xf32>
    %get3A_25 = arith.constant 0 : index
    %get3A_26 = arith.constant 0 : index
    %get3A_27 = vector.load %arg4[%get3A_25, %get3A_26] : memref<128x128xf32, #tpu.memory_space<vmem>>, vector<128x128xf32>
    %dot_general3A = arith.constant dense<0.000000e+00> : vector<1000x128xf32>
    %dot_general3A_28 = tpu.matmul %max3A_24, %get3A_27, %dot_general3A {dimension_numbers = #tpu.dot_dimension_numbers<[1], [0], [0], [1], [0, 0, 1, 1], [], []>, transpose_lhs_hint = false} : vector<1000x128xf32>, vector<128x128xf32>, vector<1000x128xf32> -> vector<1000x128xf32>
    %broadcast_in_dim3A_29 = vector.shape_cast %rsqrt3A : vector<1000xf32> to vector<1000x1xf32>
    %mul3A_30 = vector.broadcast %broadcast_in_dim3A_29 : vector<1000x1xf32> to vector<1000x128xf32>
    %mul3A_31 = arith.mulf %dot_general3A_28, %mul3A_30 : vector<1000x128xf32>
    %swap3A = arith.constant 0 : index
    %swap3A_32 = arith.constant 0 : index
    %swap3A_33 = vector.load %arg6[%swap3A, %swap3A_32] : memref<1000x128xf32, #tpu.memory_space<vmem>>, vector<1000x128xf32>
    tpu.vector_store %arg6[%swap3A, %swap3A_32], %mul3A_31 {strides = array<i32>} : memref<1000x128xf32, #tpu.memory_space<vmem>>, vector<1000x128xf32>,
    return
  }
  func.func @transform_0(%arg0: i32) -> (i32, i32) {
    %c0_i32 = arith.constant 0 : i32
    %c0_i32_0 = arith.constant 0 : i32
    return %arg0, %c0_i32 : i32, i32
  }
  func.func @transform_1(%arg0: i32) -> (i32, i32) {
    %c0_i32 = arith.constant 0 : i32
    %c0_i32_0 = arith.constant 0 : i32
    return %arg0, %c0_i32 : i32, i32
  }
  func.func @transform_2(%arg0: i32) -> (i32, i32) {
    %c0_i32 = arith.constant 0 : i32
    %c0_i32_0 = arith.constant 0 : i32
    return %arg0, %c0_i32 : i32, i32
  }
  func.func @transform_3(%arg0: i32) -> (i32, i32) {
    %c0_i32 = arith.constant 0 : i32
    %c0_i32_0 = arith.constant 0 : i32
    %c0_i32_1 = arith.constant 0 : i32
    return %c0_i32, %c0_i32_0 : i32, i32
  }
  func.func @transform_4(%arg0: i32) -> (i32, i32) {
    %c0_i32 = arith.constant 0 : i32
    %c0_i32_0 = arith.constant 0 : i32
    %c0_i32_1 = arith.constant 0 : i32
    return %c0_i32, %c0_i32_0 : i32, i32
  }
  func.func @transform_5(%arg0: i32) -> (i32, i32) {
    %c0_i32 = arith.constant 0 : i32
    %c0_i32_0 = arith.constant 0 : i32
    return %arg0, %c0_i32 : i32, i32
  }
}

module attributes {stable_mosaic.version = 14 : i64} {
  func.func @body(%arg0: i32, %arg1: memref<1000x128xf32, #tpu.memory_space<vmem>>, %arg2: memref<1000x128xf32, #tpu.memory_space<vmem>>, %arg3: memref<1000x2xf32, #tpu.memory_space<vmem>>, %arg4: memref<1x128xf32, #tpu.memory_space<vmem>>, %arg5: memref<1000x1xi32, #tpu.memory_space<vmem>>, %arg6: memref<64x128xf32, #tpu.memory_space<vmem>>, %arg7: memref<64x128xf32, #tpu.memory_space<vmem>>, %arg8: memref<64x128xf32, #tpu.memory_space<vmem>>) attributes {dimension_semantics = [#tpu.dimension_semantics<arbitrary>], iteration_bounds = array<i64: 50>, scalar_prefetch = 0 : i64, scratch_operands = 2 : i64, tpu.core_type = #tpu.core_type<tc>, window_params = [{transform_indices = @transform_0, window_bounds = array<i64: 1000, 128>}, {transform_indices = @transform_1, window_bounds = array<i64: 1000, 128>}, {transform_indices = @transform_2, window_bounds = array<i64: 1000, 2>}, {pipeline_mode = #tpu.pipeline_mode<synchronous>, transform_indices = @transform_3, window_bounds = array<i64: 1, 128>}, {transform_indices = @transform_4, window_bounds = array<i64: 1000, 1>}, {pipeline_mode = #tpu.pipeline_mode<synchronous>, transform_indices = @transform_5, window_bounds = array<i64: 64, 128>}]} {
    %eq3A = arith.constant 0 : i32
    %eq3A_0 = arith.cmpi eq, %arg0, %eq3A : i32
    %convert_element_type3A = arith.extui %eq3A_0 : i1 to i32
    %cond3A = arith.constant 0 : i32
    %cond3A_1 = arith.cmpi ne, %convert_element_type3A, %cond3A : i32
    scf.if %cond3A_1 {
      %broadcast_in_dim3A_55 = arith.constant 0.000000e+00 : f32
      %broadcast_in_dim3A_56 = vector.broadcast %broadcast_in_dim3A_55 : f32 to vector<64x128xf32>
      %swap3A_57 = arith.constant 0 : index
      %swap3A_58 = arith.constant 0 : index
      %swap3A_59 = vector.load %arg7[%swap3A_57, %swap3A_58] : memref<64x128xf32, #tpu.memory_space<vmem>>, vector<64x128xf32>
      tpu.vector_store %arg7[%swap3A_57, %swap3A_58], %broadcast_in_dim3A_56 {strides = array<i32>} : memref<64x128xf32, #tpu.memory_space<vmem>>, vector<64x128xf32>,
      %broadcast_in_dim3A_60 = arith.constant 0.000000e+00 : f32
      %broadcast_in_dim3A_61 = vector.broadcast %broadcast_in_dim3A_60 : f32 to vector<64x128xf32>
      %swap3A_62 = arith.constant 0 : index
      %swap3A_63 = arith.constant 0 : index
      %swap3A_64 = vector.load %arg8[%swap3A_62, %swap3A_63] : memref<64x128xf32, #tpu.memory_space<vmem>>, vector<64x128xf32>
      tpu.vector_store %arg8[%swap3A_62, %swap3A_63], %broadcast_in_dim3A_61 {strides = array<i32>} : memref<64x128xf32, #tpu.memory_space<vmem>>, vector<64x128xf32>,
    } else {
    }
    %get3A = arith.constant 0 : index
    %get3A_2 = arith.constant 0 : index
    %get3A_3 = vector.load %arg3[%get3A, %get3A_2] : memref<1000x2xf32, #tpu.memory_space<vmem>>, vector<1000x1xf32>
    %get3A_4 = vector.shape_cast %get3A_3 : vector<1000x1xf32> to vector<1000xf32>
    %get3A_5 = arith.constant 0 : index
    %get3A_6 = arith.constant 1 : index
    %get3A_7 = vector.load %arg3[%get3A_5, %get3A_6] : memref<1000x2xf32, #tpu.memory_space<vmem>>, vector<1000x1xf32>
    %get3A_8 = vector.shape_cast %get3A_7 : vector<1000x1xf32> to vector<1000xf32>
    %add3A = arith.addf %get3A_4, %get3A_8 : vector<1000xf32>
    %add3A_9 = arith.constant 1.000000e+00 : f32
    %add3A_10 = vector.broadcast %add3A_9 : f32 to vector<1000xf32>
    %add3A_11 = arith.addf %add3A, %add3A_10 : vector<1000xf32>
    %rsqrt3A = math.rsqrt %add3A_11 : vector<1000xf32>
    %get3A_12 = arith.constant 0 : index
    %get3A_13 = arith.constant 0 : index
    %get3A_14 = vector.load %arg1[%get3A_12, %get3A_13] : memref<1000x128xf32, #tpu.memory_space<vmem>>, vector<1000x128xf32>
    %get3A_15 = arith.constant 0 : index
    %get3A_16 = arith.constant 0 : index
    %get3A_17 = vector.load %arg2[%get3A_15, %get3A_16] : memref<1000x128xf32, #tpu.memory_space<vmem>>, vector<1000x128xf32>
    %add3A_18 = arith.addf %get3A_14, %get3A_17 : vector<1000x128xf32>
    %broadcast_in_dim3A = vector.shape_cast %rsqrt3A : vector<1000xf32> to vector<1000x1xf32>
    %mul3A = vector.broadcast %broadcast_in_dim3A : vector<1000x1xf32> to vector<1000x128xf32>
    %mul3A_19 = arith.mulf %add3A_18, %mul3A : vector<1000x128xf32>
    %get3A_20 = arith.constant 0 : index
    %get3A_21 = arith.constant 0 : index
    %get3A_22 = vector.load %arg4[%get3A_20, %get3A_21] : memref<1x128xf32, #tpu.memory_space<vmem>>, vector<1x128xf32>
    %add3A_23 = vector.broadcast %get3A_22 : vector<1x128xf32> to vector<1000x128xf32>
    %add3A_24 = arith.addf %mul3A_19, %add3A_23 : vector<1000x128xf32>
    %iota3A = tpu.iota {dimensions = array<i32: 1>} : vector<1000x64xi32>
    %get3A_25 = arith.constant 0 : index
    %get3A_26 = arith.constant 0 : index
    %get3A_27 = vector.load %arg5[%get3A_25, %get3A_26] : memref<1000x1xi32, #tpu.memory_space<vmem>>, vector<1000x1xi32>
    %eq3A_28 = vector.broadcast %get3A_27 : vector<1000x1xi32> to vector<1000x64xi32>
    %eq3A_29 = arith.cmpi eq, %eq3A_28, %iota3A : vector<1000x64xi32>
    %convert_element_type3A_30 = arith.extui %eq3A_29 : vector<1000x64xi1> to vector<1000x64xi32>
    %convert_element_type3A_31 = arith.sitofp %convert_element_type3A_30 : vector<1000x64xi32> to vector<1000x64xf32>
    %get3A_32 = arith.constant 0 : index
    %get3A_33 = arith.constant 0 : index
    %get3A_34 = vector.load %arg7[%get3A_32, %get3A_33] : memref<64x128xf32, #tpu.memory_space<vmem>>, vector<64x128xf32>
    %dot_general3A = arith.constant dense<0.000000e+00> : vector<64x128xf32>
    %dot_general3A_35 = tpu.matmul %convert_element_type3A_31, %add3A_24, %dot_general3A {dimension_numbers = #tpu.dot_dimension_numbers<[0], [0], [1], [1], [0, 1, 1, 1], [], []>, transpose_lhs_hint = false} : vector<1000x64xf32>, vector<1000x128xf32>, vector<64x128xf32> -> vector<64x128xf32>
    %add3A_36 = arith.addf %get3A_34, %dot_general3A_35 : vector<64x128xf32>
    %swap3A = arith.constant 0 : index
    %swap3A_37 = arith.constant 0 : index
    %swap3A_38 = vector.load %arg7[%swap3A, %swap3A_37] : memref<64x128xf32, #tpu.memory_space<vmem>>, vector<64x128xf32>
    tpu.vector_store %arg7[%swap3A, %swap3A_37], %add3A_36 {strides = array<i32>} : memref<64x128xf32, #tpu.memory_space<vmem>>, vector<64x128xf32>,
    %get3A_39 = arith.constant 0 : index
    %get3A_40 = arith.constant 0 : index
    %get3A_41 = vector.load %arg8[%get3A_39, %get3A_40] : memref<64x128xf32, #tpu.memory_space<vmem>>, vector<64x128xf32>
    %broadcast_in_dim3A_42 = arith.constant 1.000000e+00 : f32
    %broadcast_in_dim3A_43 = vector.broadcast %broadcast_in_dim3A_42 : f32 to vector<1000x128xf32>
    %dot_general3A_44 = arith.constant dense<0.000000e+00> : vector<64x128xf32>
    %dot_general3A_45 = tpu.matmul %convert_element_type3A_31, %broadcast_in_dim3A_43, %dot_general3A_44 {dimension_numbers = #tpu.dot_dimension_numbers<[0], [0], [1], [1], [0, 1, 1, 1], [], []>, transpose_lhs_hint = false} : vector<1000x64xf32>, vector<1000x128xf32>, vector<64x128xf32> -> vector<64x128xf32>
    %add3A_46 = arith.addf %get3A_41, %dot_general3A_45 : vector<64x128xf32>
    %swap3A_47 = arith.constant 0 : index
    %swap3A_48 = arith.constant 0 : index
    %swap3A_49 = vector.load %arg8[%swap3A_47, %swap3A_48] : memref<64x128xf32, #tpu.memory_space<vmem>>, vector<64x128xf32>
    tpu.vector_store %arg8[%swap3A_47, %swap3A_48], %add3A_46 {strides = array<i32>} : memref<64x128xf32, #tpu.memory_space<vmem>>, vector<64x128xf32>,
    %eq3A_50 = arith.constant 49 : i32
    %eq3A_51 = arith.cmpi eq, %arg0, %eq3A_50 : i32
    %convert_element_type3A_52 = arith.extui %eq3A_51 : i1 to i32
    %cond3A_53 = arith.constant 0 : i32
    %cond3A_54 = arith.cmpi ne, %convert_element_type3A_52, %cond3A_53 : i32
    scf.if %cond3A_54 {
      %get3A_55 = arith.constant 0 : index
      %get3A_56 = arith.constant 0 : index
      %get3A_57 = vector.load %arg7[%get3A_55, %get3A_56] : memref<64x128xf32, #tpu.memory_space<vmem>>, vector<64x128xf32>
      %get3A_58 = arith.constant 0 : index
      %get3A_59 = arith.constant 0 : index
      %get3A_60 = vector.load %arg8[%get3A_58, %get3A_59] : memref<64x128xf32, #tpu.memory_space<vmem>>, vector<64x128xf32>
      %max3A = arith.constant 1.000000e+00 : f32
      %max3A_61 = vector.broadcast %max3A : f32 to vector<64x128xf32>
      %max3A_62 = arith.maximumf %get3A_60, %max3A_61 : vector<64x128xf32>
      %div3A = arith.divf %get3A_57, %max3A_62 : vector<64x128xf32>
      %swap3A_63 = arith.constant 0 : index
      %swap3A_64 = arith.constant 0 : index
      %swap3A_65 = vector.load %arg6[%swap3A_63, %swap3A_64] : memref<64x128xf32, #tpu.memory_space<vmem>>, vector<64x128xf32>
      tpu.vector_store %arg6[%swap3A_63, %swap3A_64], %div3A {strides = array<i32>} : memref<64x128xf32, #tpu.memory_space<vmem>>, vector<64x128xf32>,
    } else {
    }
    return
  }
  func.func @transform_0(%arg0: i32) -> (i32, i32) {
    %c0_i32 = arith.constant 0 : i32
    %c0_i32_0 = arith.constant 0 : i32
    return %arg0, %c0_i32 : i32, i32
  }
  func.func @transform_1(%arg0: i32) -> (i32, i32) {
    %c0_i32 = arith.constant 0 : i32
    %c0_i32_0 = arith.constant 0 : i32
    return %arg0, %c0_i32 : i32, i32
  }
  func.func @transform_2(%arg0: i32) -> (i32, i32) {
    %c0_i32 = arith.constant 0 : i32
    %c0_i32_0 = arith.constant 0 : i32
    return %arg0, %c0_i32 : i32, i32
  }
  func.func @transform_3(%arg0: i32) -> (i32, i32) {
    %c0_i32 = arith.constant 0 : i32
    %c0_i32_0 = arith.constant 0 : i32
    %c0_i32_1 = arith.constant 0 : i32
    return %c0_i32, %c0_i32_0 : i32, i32
  }
  func.func @transform_4(%arg0: i32) -> (i32, i32) {
    %c0_i32 = arith.constant 0 : i32
    %c0_i32_0 = arith.constant 0 : i32
    return %arg0, %c0_i32 : i32, i32
  }
  func.func @transform_5(%arg0: i32) -> (i32, i32) {
    %c0_i32 = arith.constant 0 : i32
    %c0_i32_0 = arith.constant 0 : i32
    %c0_i32_1 = arith.constant 0 : i32
    return %c0_i32, %c0_i32_0 : i32, i32
  }
}

</mosaic_0001>

<sc_bundles>
// kernel: kernel.11.cloned.1.call-start
scs
__scs_entry_jumppad:
0x0: {  	(pc) =	sbr.rel $0x88, $3  }
0x1: {  	(tag) =	ssettag $0x0;
	lr =	simm.s32 $0x1  }
0x2: {  	[smem:$0x3F9A] =	sst lr;
	_ =	strace $0xD0000000  }
0x3: {  	_ = 	snop  }
0x4: {  	_ = 	snop  }
0x5: {  	_ = 	snop  }
0x6: {  	_ = 	snop  }
0x7: {  	_ = 	snop  }
__scs_overlays_trampoline_lowered:
0x8: {  	[smem:$0x3FA9] =	sst s0  }
0x9: {  	[smem:$0x3FAA] =	sst s1  }
0xa: {  	[smem:$0x3FAB] =	sst s2  }
0xb: {  	[smem:$0x3FAC] =	sst s3  }
0xc: {  	[smem:$0x3FAD] =	sst s4  }
0xd: {  	[smem:$0x3FAE] =	sst s5  }
0xe: {  	[smem:$0x3FAF] =	sst s6  }
0xf: {  	[smem:$0x3FB0] =	sst s7  }
0x10: {  	[smem:$0x3FB1] =	sst s8  }
0x11: {  	[smem:$0x3FB2] =	sst s9;
	s0 =	simm.s32 @!p0 $0x0  }
0x12: {  	s1 =	sld [smem:$0x3F98];
	s0 =	simm.s32 @p0 $0x1  }
0x13: {  	[smem:$0x3FB3] =	sst s0;
	s0 =	simm.s32 @!p1 $0x0  }
0x14: {  	s2 =	sld [smem:$0x3F97];
	s0 =	simm.s32 @p1 $0x1  }
0x15: {  	[smem:$0x3FB4] =	sst s0;
	s0 =	simm.s32 @!p2 $0x0  }
0x16: {  	s3 =	sld [smem:$0x3FDB];
	s0 =	simm.s32 @p2 $0x1  }
0x17: {  	s4 =	simm.s32 $0x1BF5;
	[smem:$0x3FB6] =	sst s0  }
0x18: {  	s0 =	sld [smem:$0x3F99];
	_ =	swait.ge [sflag:s4], $0x0  }
0x19: {  	s7 =	sld [smem:$0x3F9A]  }
0x1a: {  	s8 =	sadd.s32 $0xFFFFE003, lr  }
0x1b: {  	s9 =	sadd.s32 $0xFFFFFEF7, lr;
	s5 =	simm.s32 $0xFFFFFFFF;
	p2 =	slt.u32 s8, $0xFFFFF086  }
0x1c: {  	p1 =	slt.u32 s9, $0xF7A;
	s5 =	simm.s32 @!p2 $0x0  }
0x1d: {  	s5 =	simm.s32 @p1 $0x1;
	p0 =	seq.s32 s7, s2  }
0x1e: {  	s7 =	smul.u32 @!p0 $0xF7A, s2;
	p2 =	seq.s32 @!p0 s5, $0x0  }
0x1f: {  	s9 =	smul.u32 $0xF7A, s1;
	s8 =	simm.s32 @!p0 $0x1BF5;
	p2 =	por !p2, p0  }
0x20: {  	[sflag:s8] =	ssyncset.s32 @!p0 $0xFFFFF086;
	s6 =	sadd.s32 @!p0 s3, s7;
	s7 =	simm.s32 @!p0 $0x108  }
0x21: {  	s3 =	sadd.s32 s3, s9;
	s6 =	sadd.s32 @!p0 $0x88, s6;
	s7 =	simm.s32 @p2 $0x1082  }
0x22: {  	[simem:s7], [sflag:s8] =	dma.local @!p0 [hbm:s6], $0xF7A  }
0x23: {  	s9 =	sor.u32 $0xD0000000, s2;
	s6 =	simm.s32 $0x108;
	_ =	swait.ge @!p0 [sflag:s8], $0x0  }
0x24: {  	s3 =	sadd.s32 $0x88, s3;
	s6 =	simm.s32 @!p1 $0x1082;
	[sflag:s4] =	ssyncset.s32 $0xFFFFF086  }
0x25: {  	[simem:s6], [sflag:s4] =	dma.local [hbm:s3], $0xF7A  }
0x26: {  	[smem:$0x3F9A] =	sst s1;
	(tag) =	ssettag s2;
	_ =	strace s9  }
0x27: {  	s1 =	sld [smem:$0x3FAA]  }
0x28: {  	s2 =	sld [smem:$0x3FAB]  }
0x29: {  	s4 =	sld [smem:$0x3FAD]  }
0x2a: {  	p0 =	seq.s32 s5, $0x0;
	s5 =	sld [smem:$0x3FAE]  }
0x2b: {  	s6 =	sld [smem:$0x3FAF]  }
0x2c: {  	s7 =	sld [smem:$0x3FB0]  }
0x2d: {  	s3 =	simm.s32 $0x108;
	s8 =	sld [smem:$0x3FB1]  }
0x2e: {  	s3 =	simm.s32 @!p0 $0x1082;
	s9 =	sld [smem:$0x3FB2]  }
0x2f: {  	lr =	sadd.s32 s0, s3;
	s0 =	sld [smem:$0x3FA9]  }
0x30: {  	s3 =	sld [smem:$0x3FAC]  }
0x31: {  	[smem:$0x3FB5] =	sst s10  }
0x32: {  	s10 =	sld [smem:$0x3FB3];
	_ =	sdelay $0x3  }
0x33: {  	p0 =	seq.s32 s10, $0x1;
	s10 =	sld [smem:$0x3FB5];
	_ =	sdelay $0x3  }
0x34: {  	[smem:$0x3FB5] =	sst s10  }
0x35: {  	s10 =	sld [smem:$0x3FB4];
	_ =	sdelay $0x3  }
0x36: {  	p1 =	seq.s32 s10, $0x1;
	s10 =	sld [smem:$0x3FB5];
	_ =	sdelay $0x3  }
0x37: {  	[smem:$0x3FB5] =	sst s10  }
0x38: {  	s10 =	sld [smem:$0x3FB6]  }
0x39: {  	_ = 	snop;
	(pc) =	sbr.ind lr, $3  }
0x3a: {  	_ = 	snop  }
0x3b: {  	_ = 	snop  }
0x3c: {  	p2 =	seq.s32 s10, $0x1;
	s10 =	sld [smem:$0x3FB5]  }
0x3d: {  	_ =	shalt  }
0x3e: {  	_ =	shalt  }
0x3f: {  	_ =	shalt  }
0x40: {  	_ =	shalt  }
0x41: {  	_ =	shalt  }
0x42: {  	_ =	shalt  }
0x43: {  	_ =	shalt  }
0x44: {  	_ =	shalt  }
0x45: {  	_ =	shalt  }
0x46: {  	_ =	shalt  }
0x47: {  	_ =	shalt  }
0x48: {  	_ =	shalt  }
0x49: {  	_ =	shalt  }
0x4a: {  	_ =	shalt  }
0x4b: {  	_ =	shalt  }
0x4c: {  	_ =	shalt  }
0x4d: {  	_ =	shalt  }
0x4e: {  	_ =	shalt  }
0x4f: {  	_ =	shalt  }
0x50: {  	_ =	shalt  }
0x51: {  	_ =	shalt  }
0x52: {  	_ =	shalt  }
0x53: {  	_ =	shalt  }
0x54: {  	_ =	shalt  }
0x55: {  	_ =	shalt  }
0x56: {  	_ =	shalt  }
0x57: {  	_ =	shalt  }
0x58: {  	_ =	shalt  }
0x59: {  	_ =	shalt  }
0x5a: {  	_ =	shalt  }
0x5b: {  	_ =	shalt  }
0x5c: {  	_ =	shalt  }
0x5d: {  	_ =	shalt  }
0x5e: {  	_ =	shalt  }
0x5f: {  	_ =	shalt  }
0x60: {  	_ =	shalt  }
0x61: {  	_ =	shalt  }
0x62: {  	_ =	shalt  }
0x63: {  	_ =	shalt  }
0x64: {  	_ =	shalt  }
0x65: {  	_ =	shalt  }
0x66: {  	_ =	shalt  }
0x67: {  	_ =	shalt  }
0x68: {  	_ =	shalt  }
0x69: {  	_ =	shalt  }
0x6a: {  	_ =	shalt  }
0x6b: {  	_ =	shalt  }
0x6c: {  	_ =	shalt  }
0x6d: {  	_ =	shalt  }
0x6e: {  	_ =	shalt  }
0x6f: {  	_ =	shalt  }
0x70: {  	_ =	shalt  }
0x71: {  	_ =	shalt  }
0x72: {  	_ =	shalt  }
0x73: {  	_ =	shalt  }
0x74: {  	_ =	shalt  }
0x75: {  	_ =	shalt  }
0x76: {  	_ =	shalt  }
0x77: {  	_ =	shalt  }
0x78: {  	_ =	shalt  }
0x79: {  	_ =	shalt  }
0x7a: {  	_ =	shalt  }
0x7b: {  	_ =	shalt  }
0x7c: {  	_ =	shalt  }
0x7d: {  	_ =	shalt  }
0x7e: {  	_ =	shalt  }
0x7f: {  	_ =	shalt  }
0x80: {  	_ =	shalt  }
0x81: {  	_ =	shalt  }
0x82: {  	_ =	shalt  }
0x83: {  	_ =	shalt  }
0x84: {  	_ =	shalt  }
0x85: {  	_ =	shalt  }
0x86: {  	_ =	shalt  }
0x87: {  	_ =	shalt  }
.Lfunc_end0:
.L_simem_size_0:
called_computation.1_lowered:
.L_overlay_start_0:
0x88: {  	s2 =	sld [smem:$0x3FD9]  }
0x89: {  	s3 =	sld [smem:$0x3FFE];
	_ =	sdelay $0x1  }
0x8a: {  	s1 =	srdreg.scid  }
0x8b: {  	s0 =	sand.u32 $0x1, s1  }
0x8c: {  	s16 =	sshll.u32 s0, $0xA;
	s2 =	sadd.s32 s3, s2  }
0x8d: {  	s2 =	sadd.s32 s2, s16  }
0x8e: {  	[smem:$0x3FC1] =	sst s2  }
0x8f: {  	_ = 	snop  }
0x90: {  	(tm) =	ssettm $0x1  }
0x91: {  	s17 =	sld [smem:$0x3FFB];
	_ =	sdelay $0x3  }
0x92: {  	_ =	strace s17  }
0x93: {  	s2 =	sld [smem:$0x3FFC];
	_ =	sdelay $0x3  }
0x94: {  	_ =	strace s2  }
0x95: {  	s2 =	sld [smem:$0x3FFD];
	_ =	sdelay $0x3  }
0x96: {  	_ =	strace s2  }
0x97: {  	_ =	strace $0x8FFFFFFF  }
0x98: {  	s18 =	sld [smem:$0x3FDB];
	_ =	sdelay $0x1  }
0x99: {  	s19 =	simm.s32 $_scs_section_size  }
0x9a: {  	s4 =	simm.s32 $_size__tile_overlayer_lowered;
	s5 =	simm.s32 $_tile_overlayer_lowered  }
0x9b: {  	s22 =	simm.s32 $0x1BFF;
	s21 =	sshll.u32 s5, $0x1;
	s2 =	sadd.s32 s19, s18  }
0x9c: {  	s6 =	simm.s32 $0x0;
	s20 =	sshll.u32 s4, $0x1;
	s4 =	sadd.s32 s21, s2  }
0x9d: {  	[timem:s6], [sflag:s22] =	dma.local [hbm:s4], s20  }
0x9e: {  	_ =	swait.ge [sflag:s22], s20  }
0x9f: {  	s3 =	ssub.s32 $0x0, s20;
	[sflag:s22] =	ssyncset.done $0x0  }
0xa0: {  	[sflag:s22] =	ssyncadd.s32 s3;
	_ =	sdelay $0x1  }
0xa1: {  	s23 =	simm.s32 $0x1B8B  }
0xa2: {  	_ =	swait.ge [sflag:s23], $0x1  }
0xa3: {  	[sflag:s23] =	ssyncset.done $0x0  }
0xa4: {  	s25 =	simm.s32 $0x1B8E;
	s24 =	sld [smem:$0x3FFE];
	[sflag:s23] =	ssyncadd.s32 $0xFFFFFFFF  }
0xa5: {  	s26 =	simm.s32 $execute0_lowered;
	[smem:$0x3FD2] =	sst s25  }
0xa6: {  	s4 =	sshll.u32 s26, $0x1;
	_ =	strace $0x80000049;
	[dreg:$0x1] =	wrdreg $0xFFFFFFFF  }
0xa7: {  	s28 =	simm.s32 $_size_execute0_lowered;
	s2 =	sadd.s32 s2, s4;
	[dreg:$0x0] =	wrdreg $0x0  }
0xa8: {  	s4 =	sshll.u32 s28, $0x1;
	[dreg:$0x2] =	wrdreg s2  }
0xa9: {  	[dreg:$0x3] =	wrdreg s4  }
0xaa: {  	[dreg:$0x4] =	wrdreg $0xC0  }
0xab: {  	_ =	task [dreg:s6], $0x5FFFF  }
0xac: {  	[dreg:$0x1] =	wrdreg $0xFFFFFFFF  }
0xad: {  	[dreg:$0x0] =	wrdreg $0x60  }
0xae: {  	[dreg:$0x2] =	wrdreg s24  }
0xaf: {  	[dreg:$0x3] =	wrdreg $0x0  }
0xb0: {  	[dreg:$0x4] =	wrdreg $0x9  }
0xb1: {  	_ =	task.clear_ibuf [dreg:s6], $0x5FFFF;
	_ =	strace $0x90000049  }
0xb2: {  	s29 =	simm.s32 $0x9;
	_ =	strace $0x8000004B  }
0xb3: {  	_ =	swait.ge [sflag:s29], $0x1  }
0xb4: {  	[sflag:s29] =	ssyncadd.s32 $0xFFFFFFFF  }
0xb5: {  	_ =	strace $0x9000004B  }
0xb6: {  	_ =	sfence  }
0xb7: {  	s30 =	sld [smem:$0x0];
	_ =	sdelay $0x2  }
0xb8: {  	s31 =	sshll.u32 s1, $0xD;
	s1 =	sshrl.u32 s1, $0x2  }
0xb9: {  	s3 =	sand.u32 $0x4000, s31;
	s1 =	sadd.s32 s1, s30  }
0xba: {  	s0 =	sor.u32 s3, s0;
	s1 =	sshll.u32 s1, $0x11  }
0xbb: {  	s0 =	sor.u32 s1, s0  }
0xbc: {  	s0 =	sadd.s32 $0x8F2B, s0  }
0xbd: {  	[sflag:s0] =	ssyncadd.remote.s32 $0x1  }
0xbe: {  	_ =	sfence.sel $0xFFFF  }
0xbf: {  	[dreg:$0x0] =	wrdreg $0xFFFFFFFF;
	(pc) =	sbr.abs _section_cstart, $3  }
0xc0: {  	[dreg:$0x1] =	wrdreg $0xFFFFFFFF  }
0xc1: {  	_ =	task.clear_ibuf [dreg:s6], $0x2FFFF;
	_ =	strace $0x9FFFFFFF  }
0xc2: {  	(tm) =	ssettm $0x7FFFFFFF  }
0xc3: {  	_ =	shalt  }
tec
execute0_lowered:
.L_overlay_start_1:
0x0: {  	(tag) =	ssettag $0x1  }
0x1: {  	s0 =	rddreg [dreg:$0x0]  }
0x2: {  	s1 =	rddreg [dreg:$0x1];
	s2 =	simm.s32 $0x0;
	s3 =	srdreg.scid  }
0x3: {  	s7 =	stileid.u32;
	s30 =	simm.s32 $0x1;
	s31 =	simm.s32 $0x80  }
0x4: {  	[smem:$0x7FF] =	sst s2;
	s4 =	sadd.s32 $0x149200, s0;
	s5 =	sadd.s32 $0x1D200, s0  }
0x5: {  	s3 =	sand.u32 $0x1, s3;
	s15 =	sadd.s32 $0x1000, s0;
	s11 =	smul.u32 $0x64000, s7  }
0x6: {  	s6 =	sadd.s32 $0x1A000, s0;
	s8 =	sadd.s32 $0x20C800, s0;
	s12 =	smul.u32 $0x1900, s7  }
0x7: {  	s20 =	sadd.s32 $0x177000, s1;
	p0 =	seq.s32 s7, $0xF;
	_ =	strace $0x8000004A  }
0x8: {  	s9 =	ssub.s32 $0x2, s3;
	[dreg:$0x3] =	wrdreg s8;
	s20 =	sshrl.u32 @p0 s20, $0x3  }
0x9: {  	s10 =	sshrl.u32 s9, $0x1;
	s8 =	smov.u32 s11;
	s11 =	sshrl.u32 s11, $0x2  }
0xa: {  	s12 =	sadd.s32 s15, s12;
	s17 =	ssub.s32 s9, s10;
	s9 =	smul.u32 $0xC800, s7  }
0xb: {  	s10 =	sshll.u32 s3, $0x1;
	s18 =	sadd.s32 s11, s1;
	s3 =	smul.u32 $0x190000, s3  }
0xc: {  	s25 =	sadd.s32 $0x30, s12;
	s28 =	smax.u32 s17, $0x1;
	s22 =	sshrl.u32 @!p0 s18, $0x3  }
0xd: {  	s17 =	simm.s32 $0x0;
	s11 =	sor.u32 $0x80, s9;
	s13 =	sor.u32 $0x100, s9  }
0xe: {  	[dreg:$0x4] =	wrdreg s28;
	s29 =	sadd.s32 s9, s3;
	s14 =	sshrl.u32 s11, $0x3  }
0xf: {  	s3 =	simm.s32 $0x3;
	s16 =	sshrl.u32 s13, $0x3;
	s14 =	sadd.s32 s15, s14  }
0x10: {  	s15 =	sadd.s32 s15, s16;
	s16 =	sadd.s32 $0x2C8000, s0;
	s0 =	sshll.u32 @!p0 s7, $0x6  }
0x11: {  	s19 =	sor.u32 $0x180, s29;
	s21 =	sor.u32 @!p0 $0x1C04, s0;
	s0 =	simm.s32 $0x2  }
.LBB2_1:
0x12: {  	[dreg:$0x5] =	wrdreg s17;
	p2 =	por $0x1, $0x1;
	s18 =	simm.s32 $0x0  }
.LBB2_2:
0x13: {  	s17 =	simm.s32 @p0 $0x1FC4;
	s23 =	simm.s32 @p0 $0x4  }
0x14: {  	[spmem:s20], [sflag:s17] =	dma.local @p0 [hbm:s6], $0x1F80  }
0x15: {  	_ =	swait.ge @p0 [sflag:s23], $0x1F80  }
0x16: {  	s17 =	sor.u32 s10, s18;
	[sflag:s23] =	ssyncset.done @p0 $0x0  }
0x17: {  	s24 =	smul.u32 $0xC8000, s17;
	[sflag:s23] =	ssyncadd.s32 @p0 $0xFFFFE080;
	s23 =	simm.s32 @!p0 $0x4  }
0x18: {  	[spmem:s22], [sflag:s21] =	dma.local @!p0 [hbm:s6], $0x3200  }
0x19: {  	_ =	swait.ge @!p0 [sflag:s23], $0x3200  }
0x1a: {  	s26 =	sadd.s32 s9, s24;
	[sflag:s23] =	ssyncset.done @!p0 $0x0  }
0x1b: {  	s7 =	simm.s32 $0x186C0;
	s28 =	sshrl.u32 s26, $0x3;
	[sflag:s23] =	ssyncadd.s32 @!p0 $0xFFFFCE00  }
0x1c: {  	s26 =	sadd.s32 s5, s28;
	s23 =	simm.s32 $0x0;
	[bflag:$0x0] =	sbarrier.arrive $0xFFFF  }
0x1d: {  	[tilespmem:s7], [sflag:$0x1] =	stream.linear.gather [hbm4b:s26+s23], $0x80, $0x38;
	[tilespmem:$0x1F0C0] =	vst v63  }
0x1e: {  	s7 =	sadd.s32 s11, s24  }
0x1f: {  	s29 =	simm.s32 $0x18BC0;
	s26 =	sshrl.u32 s7, $0x3  }
0x20: {  	[tilespmem:s29], [sflag:$0x1] =	stream.linear.gather [hbm4b:s12+s23], $0x80, $0x38;
	[tilespmem:$0x1F0C0] =	vst v63  }
0x21: {  	s28 =	simm.s32 $0x18740;
	s26 =	sadd.s32 s5, s26  }
0x22: {  	[tilespmem:s28], [sflag:$0x1] =	stream.linear.gather [hbm4b:s26+s23], $0x80, $0x38;
	[tilespmem:$0x1F0C0] =	vst v63  }
0x23: {  	s24 =	sadd.s32 s13, s24;
	s29 =	simm.s32 $0x18C40;
	s28 =	smul.u32 $0xC8000, s18  }
0x24: {  	[tilespmem:s29], [sflag:$0x1] =	stream.linear.gather [hbm4b:s14+s23], $0x80, $0x38;
	[tilespmem:$0x1F0C0] =	vst v63  }
0x25: {  	p1 =	por p2, p2;
	s24 =	sshrl.u32 s24, $0x3;
	s18 =	sadd.s32 s28, s19  }
0x26: {  	s24 =	sadd.s32 s5, s24;
	s26 =	simm.s32 $0x187C0;
	s18 =	sshrl.u32 s18, $0x3  }
0x27: {  	[tilespmem:s26], [sflag:$0x1] =	stream.linear.gather [hbm4b:s24+s23], $0x80, $0x38;
	[tilespmem:$0x1F0C0] =	vst v63  }
0x28: {  	s29 =	simm.s32 $0x18CC0;
	s24 =	sadd.s32 s18, s5;
	s18 =	smov.u32 s25  }
0x29: {  	[tilespmem:s29], [sflag:$0x1] =	stream.linear.gather [hbm4b:s15+s23], $0x80, $0x38;
	[tilespmem:$0x1F0C0] =	vst v63  }
.LBB2_3:
0x2a: {  	p2 =	slt.u32 s23, $0x5  }
0x2b: {  	s26 =	simm.s32 @!p2 $0x3  }
0x2c: {  	p3 =	sgt.u32 @!p2 s23, $0x18C;
	_ =	swait.ge @!p2 [sflag:s26], $0x1000  }
0x2d: {  	p3 =	por p2, !p3;
	[sflag:s26] =	ssyncset.done @!p2 $0x0  }
0x2e: {  	[sflag:s26] =	ssyncadd.s32 @!p2 $0xFFFFF000;
	s26 =	sadd.s32 @p3 $0x3, s23  }
0x2f: {  	s28 =	smul.u32 @p3 $0xCCCD, s26;
	_ =	sdelay $0x1  }
0x30: {  	s28 =	sshrl.u32 @p3 s28, $0x13  }
0x31: {  	s28 =	smul.u32 @p3 $0xA, s28;
	_ =	sdelay $0x1  }
0x32: {  	s26 =	ssub.s32 @p3 s26, s28  }
0x33: {  	s26 =	sshll.u32 @p3 s26, $0x7  }
0x34: {  	s26 =	sand.u32 @p3 $0xFF80, s26  }
0x35: {  	s7 =	sand.u32 $0xFFFF, s23;
	s28 =	sadd.s32 @p3 $0x186C0, s26  }
0x36: {  	[tilespmem:s28], [sflag:$0x1] =	stream.linear.gather @p3 [hbm4b:s24+s2], $0x80, $0x38;
	[tilespmem:$0x1F0C0] =	vst v63  }
0x37: {  	s29 =	smul.u32 $0xCCCD, s7;
	s26 =	sadd.s32 @p3 $0x18BC0, s26  }
0x38: {  	[tilespmem:s26], [sflag:$0x1] =	stream.linear.gather @p3 [hbm4b:s18+s2], $0x80, $0x38;
	[tilespmem:$0x1F0C0] =	vst v63  }
0x39: {  	s26 =	smul.u32 $0xAAAB, s7  }
0x3a: {  	s28 =	sshrl.u32 s29, $0x13  }
0x3b: {  	s28 =	smul.u32 $0xA, s28;
	s26 =	sshrl.u32 s26, $0x12  }
0x3c: {  	_ =	swait.ge [sflag:s30], $0x80;
	s26 =	smul.u32 $0x6, s26  }
0x3d: {  	p2 =	slt.u32 s23, $0x4;
	[sflag:s30] =	ssyncset.done $0x0  }
0x3e: {  	s28 =	ssub.s32 s23, s28;
	[sflag:s30] =	ssyncadd.s32 $0xFFFFFF80;
	s26 =	ssub.s32 s23, s26  }
0x3f: {  	s28 =	sshll.u32 s28, $0x7;
	_ =	swait.ge [sflag:s30], $0x80;
	s26 =	sand.u32 $0xFFFF, s26  }
0x40: {  	s28 =	sand.u32 $0x3F80, s28;
	[sflag:s30] =	ssyncset.done $0x0;
	s26 =	sshll.u32 s26, $0xC  }
0x41: {  	s28 =	sadd.s32 $0x186C0, s28;
	[sflag:s30] =	ssyncadd.s32 $0xFFFFFF80;
	s26 =	sadd.s32 $0x190C0, s26  }
0x42: {  	[tilespmem:s26], [sflag:$0x2] =	stream.indirect.gather [hbm4b:s4+s31], $0x20, s28, s31, $0xb8;
	[tilespmem:$0x1F0C0] =	vst v63  }
0x43: {  	s26 =	sadd.s32 @!p2 $0xFFFFFFFC, s23  }
0x44: {  	s28 =	sand.u32 @!p2 $0xFFFF, s26  }
0x45: {  	s29 =	smul.u32 @!p2 $0xCCCD, s28  }
0x46: {  	s28 =	smul.u32 @!p2 $0xAAAB, s28  }
0x47: {  	s29 =	sshrl.u32 @!p2 s29, $0x13  }
0x48: {  	s28 =	sshrl.u32 @!p2 s28, $0x12;
	s29 =	smul.u32 @!p2 $0xA, s29  }
0x49: {  	s28 =	smul.u32 @!p2 $0x6, s28  }
0x4a: {  	s7 =	simm.s32 @!p2 $0x2;
	s23 =	sadd.s32 $0x1, s23  }
0x4b: {  	_ =	swait.ge @!p2 [sflag:s7], $0x1000;
	s29 =	ssub.s32 @!p2 s26, s29;
	s26 =	ssub.s32 @!p2 s26, s28  }
0x4c: {  	[sflag:s7] =	ssyncset.done @!p2 $0x0;
	s26 =	sand.u32 @!p2 $0xFFFF, s26;
	s28 =	sshll.u32 @!p2 s29, $0x7  }
0x4d: {  	[sflag:s7] =	ssyncadd.s32 @!p2 $0xFFFFF000;
	s7 =	sshll.u32 @!p2 s26, $0xC;
	s26 =	sand.u32 @!p2 $0x3F80, s28  }
0x4e: {  	s28 =	simm.s32 @!p2 $0x80;
	s7 =	sadd.s32 @!p2 $0x190C0, s7;
	s26 =	sadd.s32 @!p2 $0x18BC0, s26  }
0x4f: {  	[spmem:s1] =	stream.indirect.scatter.add.f32 @!p2 [tilespmem:s7], [sflag:$0x3], $0x20, s26, s28, $0xb8;
	[tilespmem:$0x1F0C0] =	vst v63  }
0x50: {  	p2 =	sne.s32 s23, $0x190  }
.Ltmp0:
0x51: {  	_ = 	snop;
	(pc) =	sbr.rel @p2 .LBB2_3-.Ltmp0, $2  }
0x52: {  	_ =	sdelay $0x2  }
0x53: {  	s24 =	sadd.s32 $0x10, s24;
	s18 =	sadd.s32 $0x10, s18  }
0x54: {  	_ =	swait.ge [sflag:s0], $0x1000  }
0x55: {  	[sflag:s0] =	ssyncset.done $0x0  }
0x56: {  	s7 =	simm.s32 $0x18EC0;
	s18 =	simm.s32 $0x190C0;
	[sflag:s0] =	ssyncadd.s32 $0xFFFFF000  }
0x57: {  	[spmem:s1] =	stream.indirect.scatter.add.f32 [tilespmem:s18], [sflag:$0x3], $0x20, s7, s31, $0xb8;
	[tilespmem:$0x1F0C0] =	vst v63  }
0x58: {  	_ =	swait.ge [sflag:s0], $0x1000  }
0x59: {  	[sflag:s0] =	ssyncset.done $0x0  }
0x5a: {  	s23 =	simm.s32 $0x1A0C0;
	s18 =	simm.s32 $0x18F40;
	[sflag:s0] =	ssyncadd.s32 $0xFFFFF000  }
0x5b: {  	[spmem:s1] =	stream.indirect.scatter.add.f32 [tilespmem:s23], [sflag:$0x3], $0x20, s18, s31, $0xb8;
	[tilespmem:$0x1F0C0] =	vst v63  }
0x5c: {  	_ =	swait.ge [sflag:s0], $0x1000  }
0x5d: {  	[sflag:s0] =	ssyncset.done $0x0  }
0x5e: {  	s24 =	simm.s32 $0x18FC0;
	s26 =	simm.s32 $0x1B0C0;
	[sflag:s0] =	ssyncadd.s32 $0xFFFFF000  }
0x5f: {  	[spmem:s1] =	stream.indirect.scatter.add.f32 [tilespmem:s26], [sflag:$0x3], $0x20, s24, s31, $0xb8;
	[tilespmem:$0x1F0C0] =	vst v63  }
0x60: {  	_ =	swait.ge [sflag:s0], $0x1000  }
0x61: {  	[sflag:s0] =	ssyncset.done $0x0  }
0x62: {  	s28 =	simm.s32 $0x19040;
	s29 =	simm.s32 $0x1C0C0;
	[sflag:s0] =	ssyncadd.s32 $0xFFFFF000  }
0x63: {  	[spmem:s1] =	stream.indirect.scatter.add.f32 [tilespmem:s29], [sflag:$0x3], $0x20, s28, s31, $0xb8;
	[tilespmem:$0x1F0C0] =	vst v63  }
0x64: {  	_ =	swait.ge [sflag:s3], $0x1000  }
0x65: {  	[sflag:s3] =	ssyncset.done $0x0  }
0x66: {  	[sflag:s3] =	ssyncadd.s32 $0xFFFFF000  }
0x67: {  	_ =	swait.ge [sflag:s3], $0x1000  }
0x68: {  	[sflag:s3] =	ssyncset.done $0x0  }
0x69: {  	[sflag:s3] =	ssyncadd.s32 $0xFFFFF000  }
0x6a: {  	_ =	swait.ge [sflag:s3], $0x1000  }
0x6b: {  	[sflag:s3] =	ssyncset.done $0x0  }
0x6c: {  	[sflag:s3] =	ssyncadd.s32 $0xFFFFF000  }
0x6d: {  	_ =	swait.ge [sflag:s3], $0x1000  }
0x6e: {  	[sflag:s3] =	ssyncset.done $0x0  }
0x6f: {  	[sflag:s3] =	ssyncadd.s32 $0xFFFFF000  }
0x70: {  	s7 =	sshll.u32 @p0 s17, $0x2;
	_ =	swait.ge [sflag:s3], $0x1000  }
0x71: {  	s7 =	sadd.s32 @p0 s7, s16;
	[sflag:s3] =	ssyncset.done $0x0  }
0x72: {  	s18 =	simm.s32 @p0 $0x1;
	s23 =	simm.s32 @p0 $0x10;
	[sflag:s3] =	ssyncadd.s32 $0xFFFFF000  }
0x73: {  	s24 =	simm.s32 @p0 $0x4;
	s26 =	simm.s32 @p0 $0x1FC4;
	[bflag:$0x0] =	sbarrier.arrive $0xFFFF  }
0x74: {  	[hbm:s7@s23], [sflag:s26] =	dma.strided @p0 [spmem:s20@s24], $0x1F40, s18, $0x4   }
0x75: {  	s7 =	sshll.u32 @!p0 s17, $0x5;
	s18 =	simm.s32 @!p0 $0x10  }
0x76: {  	s23 =	simm.s32 @!p0 $0x4;
	_ =	swait.ge @p0 [sflag:s24], $0x1F40;
	s7 =	sor.u32 @!p0 s8, s7  }
0x77: {  	[sflag:s24] =	ssyncset.done @p0 $0x0;
	s7 =	sshrl.u32 @!p0 s7, $0x3;
	s17 =	rddreg [dreg:$0x3]  }
0x78: {  	[sflag:s24] =	ssyncadd.s32 @p0 $0xFFFFE0C0;
	s7 =	sadd.s32 @!p0 s17, s7;
	s17 =	simm.s32 @!p0 $0x1  }
0x79: {  	[hbm:s7@s18], [sflag:s21] =	dma.strided @!p0 [spmem:s22@s23], $0x3200, s17, $0x4   }
.Ltmp1:
0x7a: {  	_ =	swait.ge @!p0 [sflag:s23], $0x3200;
	(pc) =	sbr.rel @p1 .LBB2_2-.Ltmp1, $4  }
0x7b: {  	[sflag:s23] =	ssyncset.done @!p0 $0x0  }
0x7c: {  	[sflag:s23] =	ssyncadd.s32 @!p0 $0xFFFFCE00  }
0x7d: {  	[bflag:$0x0] =	sbarrier.arrive $0xFFFF  }
0x7e: {  	p2 =	por $0x0, $0x0;
	s18 =	simm.s32 $0x1  }
0x7f: {  	s17 =	rddreg [dreg:$0x5]  }
0x80: {  	s7 =	rddreg [dreg:$0x4];
	s17 =	sadd.s32 $0x1, s17  }
0x81: {  	p1 =	sne.s32 s17, s7  }
.Ltmp2:
0x82: {  	_ = 	snop;
	(pc) =	sbr.rel @p1 .LBB2_1-.Ltmp2, $1  }
0x83: {  	_ =	sdelay $0x3  }
0x84: {  	_ =	sfence.sel $0x180000  }
0x85: {  	[bflag:$0x0] =	sbarrier.arrive $0xFFFF  }
0x86: {  	_ =	strace $0x9000004A  }
0x87: {  	s0 =	stileid.u32;
	[bflag:$0x2] =	sbarrier.arrive $0xFFFF  }
0x88: {  	p0 =	sne.s32 s0, $0x0;
	s0 =	rddreg [dreg:$0x2]  }
0x89: {  	s0 =	sadd.s32 @!p0 $0x100000, s0  }
0x8a: {  	[sflag:s0] =	ssyncadd.tile.s32 @!p0 $0x1;
	_ =	shalt  }
.Lfunc_end2:
_tile_overlayer_lowered:
.L_overlay_start_2:
0x8b: {  	(tag) =	ssettag $0x2  }
0x8c: {  	s0 =	rddreg [dreg:$0x0];
	s2 =	stileid.u32  }
0x8d: {  	s1 =	rddreg [dreg:$0x1];
	p0 =	sne.s32 s2, $0x0  }
0x8e: {  	s3 =	rddreg [dreg:$0x2];
	[bflag:$0x3] =	sbarrier.arrive $0xFFFF;
	s2 =	simm.s32 @!p0 $0x1C04  }
0x8f: {  	[timem:s3], [sflag:s2] =	dma.local @!p0 [hbm:s0], s1  }
0x90: {  	s0 =	simm.s32 @!p0 $0x4  }
0x91: {  	_ =	swait.ge @!p0 [sflag:s0], s1  }
0x92: {  	s1 =	ssub.s32 @!p0 $0x0, s1;
	[sflag:s0] =	ssyncset.done @!p0 $0x0  }
0x93: {  	[sflag:s0] =	ssyncadd.s32 @!p0 s1  }
0x94: {  	[bflag:$0x3] =	sbarrier.arrive $0xFFFF  }
0x95: {  	_ =	shalt  }

// kernel: kernel.14.cloned.1.call-start
scs
__scs_entry_jumppad:
0x0: {  	(pc) =	sbr.rel $0x88, $3  }
0x1: {  	(tag) =	ssettag $0x0;
	lr =	simm.s32 $0x1  }
0x2: {  	[smem:$0x3F9A] =	sst lr;
	_ =	strace $0xD0000000  }
0x3: {  	_ = 	snop  }
0x4: {  	_ = 	snop  }
0x5: {  	_ = 	snop  }
0x6: {  	_ = 	snop  }
0x7: {  	_ = 	snop  }
__scs_overlays_trampoline_lowered:
0x8: {  	[smem:$0x3FA9] =	sst s0  }
0x9: {  	[smem:$0x3FAA] =	sst s1  }
0xa: {  	[smem:$0x3FAB] =	sst s2  }
0xb: {  	[smem:$0x3FAC] =	sst s3  }
0xc: {  	[smem:$0x3FAD] =	sst s4  }
0xd: {  	[smem:$0x3FAE] =	sst s5  }
0xe: {  	[smem:$0x3FAF] =	sst s6  }
0xf: {  	[smem:$0x3FB0] =	sst s7  }
0x10: {  	[smem:$0x3FB1] =	sst s8  }
0x11: {  	[smem:$0x3FB2] =	sst s9;
	s0 =	simm.s32 @!p0 $0x0  }
0x12: {  	s1 =	sld [smem:$0x3F98];
	s0 =	simm.s32 @p0 $0x1  }
0x13: {  	[smem:$0x3FB3] =	sst s0;
	s0 =	simm.s32 @!p1 $0x0  }
0x14: {  	s2 =	sld [smem:$0x3F97];
	s0 =	simm.s32 @p1 $0x1  }
0x15: {  	[smem:$0x3FB4] =	sst s0;
	s0 =	simm.s32 @!p2 $0x0  }
0x16: {  	s3 =	sld [smem:$0x3FDB];
	s0 =	simm.s32 @p2 $0x1  }
0x17: {  	s4 =	simm.s32 $0x1BF5;
	[smem:$0x3FB6] =	sst s0  }
0x18: {  	s0 =	sld [smem:$0x3F99];
	_ =	swait.ge [sflag:s4], $0x0  }
0x19: {  	s7 =	sld [smem:$0x3F9A]  }
0x1a: {  	s8 =	sadd.s32 $0xFFFFE003, lr  }
0x1b: {  	s9 =	sadd.s32 $0xFFFFFEF7, lr;
	s5 =	simm.s32 $0xFFFFFFFF;
	p2 =	slt.u32 s8, $0xFFFFF086  }
0x1c: {  	p1 =	slt.u32 s9, $0xF7A;
	s5 =	simm.s32 @!p2 $0x0  }
0x1d: {  	s5 =	simm.s32 @p1 $0x1;
	p0 =	seq.s32 s7, s2  }
0x1e: {  	s7 =	smul.u32 @!p0 $0xF7A, s2;
	p2 =	seq.s32 @!p0 s5, $0x0  }
0x1f: {  	s9 =	smul.u32 $0xF7A, s1;
	s8 =	simm.s32 @!p0 $0x1BF5;
	p2 =	por !p2, p0  }
0x20: {  	[sflag:s8] =	ssyncset.s32 @!p0 $0xFFFFF086;
	s6 =	sadd.s32 @!p0 s3, s7;
	s7 =	simm.s32 @!p0 $0x108  }
0x21: {  	s3 =	sadd.s32 s3, s9;
	s6 =	sadd.s32 @!p0 $0x88, s6;
	s7 =	simm.s32 @p2 $0x1082  }
0x22: {  	[simem:s7], [sflag:s8] =	dma.local @!p0 [hbm:s6], $0xF7A  }
0x23: {  	s9 =	sor.u32 $0xD0000000, s2;
	s6 =	simm.s32 $0x108;
	_ =	swait.ge @!p0 [sflag:s8], $0x0  }
0x24: {  	s3 =	sadd.s32 $0x88, s3;
	s6 =	simm.s32 @!p1 $0x1082;
	[sflag:s4] =	ssyncset.s32 $0xFFFFF086  }
0x25: {  	[simem:s6], [sflag:s4] =	dma.local [hbm:s3], $0xF7A  }
0x26: {  	[smem:$0x3F9A] =	sst s1;
	(tag) =	ssettag s2;
	_ =	strace s9  }
0x27: {  	s1 =	sld [smem:$0x3FAA]  }
0x28: {  	s2 =	sld [smem:$0x3FAB]  }
0x29: {  	s4 =	sld [smem:$0x3FAD]  }
0x2a: {  	p0 =	seq.s32 s5, $0x0;
	s5 =	sld [smem:$0x3FAE]  }
0x2b: {  	s6 =	sld [smem:$0x3FAF]  }
0x2c: {  	s7 =	sld [smem:$0x3FB0]  }
0x2d: {  	s3 =	simm.s32 $0x108;
	s8 =	sld [smem:$0x3FB1]  }
0x2e: {  	s3 =	simm.s32 @!p0 $0x1082;
	s9 =	sld [smem:$0x3FB2]  }
0x2f: {  	lr =	sadd.s32 s0, s3;
	s0 =	sld [smem:$0x3FA9]  }
0x30: {  	s3 =	sld [smem:$0x3FAC]  }
0x31: {  	[smem:$0x3FB5] =	sst s10  }
0x32: {  	s10 =	sld [smem:$0x3FB3];
	_ =	sdelay $0x3  }
0x33: {  	p0 =	seq.s32 s10, $0x1;
	s10 =	sld [smem:$0x3FB5];
	_ =	sdelay $0x3  }
0x34: {  	[smem:$0x3FB5] =	sst s10  }
0x35: {  	s10 =	sld [smem:$0x3FB4];
	_ =	sdelay $0x3  }
0x36: {  	p1 =	seq.s32 s10, $0x1;
	s10 =	sld [smem:$0x3FB5];
	_ =	sdelay $0x3  }
0x37: {  	[smem:$0x3FB5] =	sst s10  }
0x38: {  	s10 =	sld [smem:$0x3FB6]  }
0x39: {  	_ = 	snop;
	(pc) =	sbr.ind lr, $3  }
0x3a: {  	_ = 	snop  }
0x3b: {  	_ = 	snop  }
0x3c: {  	p2 =	seq.s32 s10, $0x1;
	s10 =	sld [smem:$0x3FB5]  }
0x3d: {  	_ =	shalt  }
0x3e: {  	_ =	shalt  }
0x3f: {  	_ =	shalt  }
0x40: {  	_ =	shalt  }
0x41: {  	_ =	shalt  }
0x42: {  	_ =	shalt  }
0x43: {  	_ =	shalt  }
0x44: {  	_ =	shalt  }
0x45: {  	_ =	shalt  }
0x46: {  	_ =	shalt  }
0x47: {  	_ =	shalt  }
0x48: {  	_ =	shalt  }
0x49: {  	_ =	shalt  }
0x4a: {  	_ =	shalt  }
0x4b: {  	_ =	shalt  }
0x4c: {  	_ =	shalt  }
0x4d: {  	_ =	shalt  }
0x4e: {  	_ =	shalt  }
0x4f: {  	_ =	shalt  }
0x50: {  	_ =	shalt  }
0x51: {  	_ =	shalt  }
0x52: {  	_ =	shalt  }
0x53: {  	_ =	shalt  }
0x54: {  	_ =	shalt  }
0x55: {  	_ =	shalt  }
0x56: {  	_ =	shalt  }
0x57: {  	_ =	shalt  }
0x58: {  	_ =	shalt  }
0x59: {  	_ =	shalt  }
0x5a: {  	_ =	shalt  }
0x5b: {  	_ =	shalt  }
0x5c: {  	_ =	shalt  }
0x5d: {  	_ =	shalt  }
0x5e: {  	_ =	shalt  }
0x5f: {  	_ =	shalt  }
0x60: {  	_ =	shalt  }
0x61: {  	_ =	shalt  }
0x62: {  	_ =	shalt  }
0x63: {  	_ =	shalt  }
0x64: {  	_ =	shalt  }
0x65: {  	_ =	shalt  }
0x66: {  	_ =	shalt  }
0x67: {  	_ =	shalt  }
0x68: {  	_ =	shalt  }
0x69: {  	_ =	shalt  }
0x6a: {  	_ =	shalt  }
0x6b: {  	_ =	shalt  }
0x6c: {  	_ =	shalt  }
0x6d: {  	_ =	shalt  }
0x6e: {  	_ =	shalt  }
0x6f: {  	_ =	shalt  }
0x70: {  	_ =	shalt  }
0x71: {  	_ =	shalt  }
0x72: {  	_ =	shalt  }
0x73: {  	_ =	shalt  }
0x74: {  	_ =	shalt  }
0x75: {  	_ =	shalt  }
0x76: {  	_ =	shalt  }
0x77: {  	_ =	shalt  }
0x78: {  	_ =	shalt  }
0x79: {  	_ =	shalt  }
0x7a: {  	_ =	shalt  }
0x7b: {  	_ =	shalt  }
0x7c: {  	_ =	shalt  }
0x7d: {  	_ =	shalt  }
0x7e: {  	_ =	shalt  }
0x7f: {  	_ =	shalt  }
0x80: {  	_ =	shalt  }
0x81: {  	_ =	shalt  }
0x82: {  	_ =	shalt  }
0x83: {  	_ =	shalt  }
0x84: {  	_ =	shalt  }
0x85: {  	_ =	shalt  }
0x86: {  	_ =	shalt  }
0x87: {  	_ =	shalt  }
.Lfunc_end0:
.L_simem_size_0:
called_computation.2_lowered:
.L_overlay_start_0:
0x88: {  	s2 =	sld [smem:$0x3FD9]  }
0x89: {  	s3 =	sld [smem:$0x3FFE];
	_ =	sdelay $0x1  }
0x8a: {  	s1 =	srdreg.scid  }
0x8b: {  	s0 =	sand.u32 $0x1, s1  }
0x8c: {  	s16 =	sshll.u32 s0, $0xA;
	s2 =	sadd.s32 s3, s2  }
0x8d: {  	s2 =	sadd.s32 s2, s16  }
0x8e: {  	[smem:$0x3FC1] =	sst s2  }
0x8f: {  	_ = 	snop  }
0x90: {  	(tm) =	ssettm $0x1  }
0x91: {  	s17 =	sld [smem:$0x3FFB];
	_ =	sdelay $0x3  }
0x92: {  	_ =	strace s17  }
0x93: {  	s2 =	sld [smem:$0x3FFC];
	_ =	sdelay $0x3  }
0x94: {  	_ =	strace s2  }
0x95: {  	s2 =	sld [smem:$0x3FFD];
	_ =	sdelay $0x3  }
0x96: {  	_ =	strace s2  }
0x97: {  	_ =	strace $0x8FFFFFFF  }
0x98: {  	s18 =	sld [smem:$0x3FDB];
	_ =	sdelay $0x1  }
0x99: {  	s19 =	simm.s32 $_scs_section_size  }
0x9a: {  	s4 =	simm.s32 $_size__tile_overlayer_lowered;
	s5 =	simm.s32 $_tile_overlayer_lowered  }
0x9b: {  	s22 =	simm.s32 $0x1BFF;
	s21 =	sshll.u32 s5, $0x1;
	s2 =	sadd.s32 s19, s18  }
0x9c: {  	s6 =	simm.s32 $0x0;
	s20 =	sshll.u32 s4, $0x1;
	s4 =	sadd.s32 s21, s2  }
0x9d: {  	[timem:s6], [sflag:s22] =	dma.local [hbm:s4], s20  }
0x9e: {  	_ =	swait.ge [sflag:s22], s20  }
0x9f: {  	s3 =	ssub.s32 $0x0, s20;
	[sflag:s22] =	ssyncset.done $0x0  }
0xa0: {  	[sflag:s22] =	ssyncadd.s32 s3;
	_ =	sdelay $0x1  }
0xa1: {  	s23 =	simm.s32 $0x1B8B  }
0xa2: {  	_ =	swait.ge [sflag:s23], $0x1  }
0xa3: {  	[sflag:s23] =	ssyncset.done $0x0  }
0xa4: {  	s25 =	simm.s32 $0x1B8E;
	s24 =	sld [smem:$0x3FFE];
	[sflag:s23] =	ssyncadd.s32 $0xFFFFFFFF  }
0xa5: {  	s26 =	simm.s32 $execute0_lowered;
	[smem:$0x3FD2] =	sst s25  }
0xa6: {  	s4 =	sshll.u32 s26, $0x1;
	_ =	strace $0x8000004C;
	[dreg:$0x1] =	wrdreg $0xFFFFFFFF  }
0xa7: {  	s28 =	simm.s32 $_size_execute0_lowered;
	s2 =	sadd.s32 s2, s4;
	[dreg:$0x0] =	wrdreg $0x0  }
0xa8: {  	s4 =	sshll.u32 s28, $0x1;
	[dreg:$0x2] =	wrdreg s2  }
0xa9: {  	[dreg:$0x3] =	wrdreg s4  }
0xaa: {  	[dreg:$0x4] =	wrdreg $0xC0  }
0xab: {  	_ =	task [dreg:s6], $0x5FFFF  }
0xac: {  	[dreg:$0x1] =	wrdreg $0xFFFFFFFF  }
0xad: {  	[dreg:$0x0] =	wrdreg $0x60  }
0xae: {  	[dreg:$0x2] =	wrdreg s24  }
0xaf: {  	[dreg:$0x3] =	wrdreg $0x0  }
0xb0: {  	[dreg:$0x4] =	wrdreg $0x9  }
0xb1: {  	_ =	task.clear_ibuf [dreg:s6], $0x5FFFF;
	_ =	strace $0x9000004C  }
0xb2: {  	s29 =	simm.s32 $0x9;
	_ =	strace $0x8000004E  }
0xb3: {  	_ =	swait.ge [sflag:s29], $0x1  }
0xb4: {  	[sflag:s29] =	ssyncadd.s32 $0xFFFFFFFF  }
0xb5: {  	_ =	strace $0x9000004E  }
0xb6: {  	_ =	sfence  }
0xb7: {  	s30 =	sld [smem:$0x0];
	_ =	sdelay $0x2  }
0xb8: {  	s31 =	sshll.u32 s1, $0xD;
	s1 =	sshrl.u32 s1, $0x2  }
0xb9: {  	s3 =	sand.u32 $0x4000, s31;
	s1 =	sadd.s32 s1, s30  }
0xba: {  	s0 =	sor.u32 s3, s0;
	s1 =	sshll.u32 s1, $0x11  }
0xbb: {  	s0 =	sor.u32 s1, s0  }
0xbc: {  	s0 =	sadd.s32 $0x8F2B, s0  }
0xbd: {  	[sflag:s0] =	ssyncadd.remote.s32 $0x1  }
0xbe: {  	_ =	sfence.sel $0xFFFF  }
0xbf: {  	[dreg:$0x0] =	wrdreg $0xFFFFFFFF;
	(pc) =	sbr.abs _section_cstart, $3  }
0xc0: {  	[dreg:$0x1] =	wrdreg $0xFFFFFFFF  }
0xc1: {  	_ =	task.clear_ibuf [dreg:s6], $0x2FFFF;
	_ =	strace $0x9FFFFFFF  }
0xc2: {  	(tm) =	ssettm $0x7FFFFFFF  }
0xc3: {  	_ =	shalt  }
tec
execute0_lowered:
.L_overlay_start_1:
0x0: {  	(tag) =	ssettag $0x1  }
0x1: {  	s0 =	rddreg [dreg:$0x0]  }
0x2: {  	s1 =	rddreg [dreg:$0x1];
	s2 =	simm.s32 $0x0;
	s3 =	srdreg.scid  }
0x3: {  	s7 =	stileid.u32;
	s30 =	simm.s32 $0x1;
	s31 =	simm.s32 $0x80  }
0x4: {  	[smem:$0x7FF] =	sst s2;
	s4 =	sadd.s32 $0x2CFE00, s0;
	s5 =	sadd.s32 $0x1D200, s0  }
0x5: {  	s3 =	sand.u32 $0x1, s3;
	s15 =	sadd.s32 $0x1000, s0;
	s11 =	smul.u32 $0x64000, s7  }
0x6: {  	s6 =	sadd.s32 $0x1A000, s0;
	s8 =	sadd.s32 $0x149200, s0;
	s12 =	smul.u32 $0x1900, s7  }
0x7: {  	s20 =	sadd.s32 $0x177000, s1;
	p0 =	seq.s32 s7, $0xF;
	_ =	strace $0x8000004D  }
0x8: {  	s9 =	ssub.s32 $0x2, s3;
	[dreg:$0x3] =	wrdreg s8;
	s20 =	sshrl.u32 @p0 s20, $0x3  }
0x9: {  	s10 =	sshrl.u32 s9, $0x1;
	s8 =	smov.u32 s11;
	s11 =	sshrl.u32 s11, $0x2  }
0xa: {  	s12 =	sadd.s32 s15, s12;
	s17 =	ssub.s32 s9, s10;
	s9 =	smul.u32 $0xC800, s7  }
0xb: {  	s10 =	sshll.u32 s3, $0x1;
	s18 =	sadd.s32 s11, s1;
	s3 =	smul.u32 $0x190000, s3  }
0xc: {  	s25 =	sadd.s32 $0x30, s12;
	s28 =	smax.u32 s17, $0x1;
	s22 =	sshrl.u32 @!p0 s18, $0x3  }
0xd: {  	s17 =	simm.s32 $0x0;
	s11 =	sor.u32 $0x80, s9;
	s13 =	sor.u32 $0x100, s9  }
0xe: {  	[dreg:$0x4] =	wrdreg s28;
	s29 =	sadd.s32 s9, s3;
	s14 =	sshrl.u32 s11, $0x3  }
0xf: {  	s3 =	simm.s32 $0x3;
	s16 =	sshrl.u32 s13, $0x3;
	s14 =	sadd.s32 s15, s14  }
0x10: {  	s15 =	sadd.s32 s15, s16;
	s16 =	sadd.s32 $0x204A00, s0;
	s0 =	sshll.u32 @!p0 s7, $0x6  }
0x11: {  	s19 =	sor.u32 $0x180, s29;
	s21 =	sor.u32 @!p0 $0x1C04, s0;
	s0 =	simm.s32 $0x2  }
.LBB2_1:
0x12: {  	[dreg:$0x5] =	wrdreg s17;
	p2 =	por $0x1, $0x1;
	s18 =	simm.s32 $0x0  }
.LBB2_2:
0x13: {  	s17 =	simm.s32 @p0 $0x1FC4;
	s23 =	simm.s32 @p0 $0x4  }
0x14: {  	[spmem:s20], [sflag:s17] =	dma.local @p0 [hbm:s6], $0x1F80  }
0x15: {  	_ =	swait.ge @p0 [sflag:s23], $0x1F80  }
0x16: {  	s17 =	sor.u32 s10, s18;
	[sflag:s23] =	ssyncset.done @p0 $0x0  }
0x17: {  	s24 =	smul.u32 $0xC8000, s17;
	[sflag:s23] =	ssyncadd.s32 @p0 $0xFFFFE080;
	s23 =	simm.s32 @!p0 $0x4  }
0x18: {  	[spmem:s22], [sflag:s21] =	dma.local @!p0 [hbm:s6], $0x3200  }
0x19: {  	_ =	swait.ge @!p0 [sflag:s23], $0x3200  }
0x1a: {  	s26 =	sadd.s32 s9, s24;
	[sflag:s23] =	ssyncset.done @!p0 $0x0  }
0x1b: {  	s7 =	simm.s32 $0x186C0;
	s28 =	sshrl.u32 s26, $0x3;
	[sflag:s23] =	ssyncadd.s32 @!p0 $0xFFFFCE00  }
0x1c: {  	s26 =	sadd.s32 s5, s28;
	s23 =	simm.s32 $0x0;
	[bflag:$0x0] =	sbarrier.arrive $0xFFFF  }
0x1d: {  	[tilespmem:s7], [sflag:$0x1] =	stream.linear.gather [hbm4b:s26+s23], $0x80, $0x38;
	[tilespmem:$0x1F0C0] =	vst v63  }
0x1e: {  	s7 =	sadd.s32 s11, s24  }
0x1f: {  	s29 =	simm.s32 $0x18BC0;
	s26 =	sshrl.u32 s7, $0x3  }
0x20: {  	[tilespmem:s29], [sflag:$0x1] =	stream.linear.gather [hbm4b:s12+s23], $0x80, $0x38;
	[tilespmem:$0x1F0C0] =	vst v63  }
0x21: {  	s28 =	simm.s32 $0x18740;
	s26 =	sadd.s32 s5, s26  }
0x22: {  	[tilespmem:s28], [sflag:$0x1] =	stream.linear.gather [hbm4b:s26+s23], $0x80, $0x38;
	[tilespmem:$0x1F0C0] =	vst v63  }
0x23: {  	s24 =	sadd.s32 s13, s24;
	s29 =	simm.s32 $0x18C40;
	s28 =	smul.u32 $0xC8000, s18  }
0x24: {  	[tilespmem:s29], [sflag:$0x1] =	stream.linear.gather [hbm4b:s14+s23], $0x80, $0x38;
	[tilespmem:$0x1F0C0] =	vst v63  }
0x25: {  	p1 =	por p2, p2;
	s24 =	sshrl.u32 s24, $0x3;
	s18 =	sadd.s32 s28, s19  }
0x26: {  	s24 =	sadd.s32 s5, s24;
	s26 =	simm.s32 $0x187C0;
	s18 =	sshrl.u32 s18, $0x3  }
0x27: {  	[tilespmem:s26], [sflag:$0x1] =	stream.linear.gather [hbm4b:s24+s23], $0x80, $0x38;
	[tilespmem:$0x1F0C0] =	vst v63  }
0x28: {  	s29 =	simm.s32 $0x18CC0;
	s24 =	sadd.s32 s18, s5;
	s18 =	smov.u32 s25  }
0x29: {  	[tilespmem:s29], [sflag:$0x1] =	stream.linear.gather [hbm4b:s15+s23], $0x80, $0x38;
	[tilespmem:$0x1F0C0] =	vst v63  }
.LBB2_3:
0x2a: {  	p2 =	slt.u32 s23, $0x5  }
0x2b: {  	s26 =	simm.s32 @!p2 $0x3  }
0x2c: {  	p3 =	sgt.u32 @!p2 s23, $0x18C;
	_ =	swait.ge @!p2 [sflag:s26], $0x1000  }
0x2d: {  	p3 =	por p2, !p3;
	[sflag:s26] =	ssyncset.done @!p2 $0x0  }
0x2e: {  	[sflag:s26] =	ssyncadd.s32 @!p2 $0xFFFFF000;
	s26 =	sadd.s32 @p3 $0x3, s23  }
0x2f: {  	s28 =	smul.u32 @p3 $0xCCCD, s26;
	_ =	sdelay $0x1  }
0x30: {  	s28 =	sshrl.u32 @p3 s28, $0x13  }
0x31: {  	s28 =	smul.u32 @p3 $0xA, s28;
	_ =	sdelay $0x1  }
0x32: {  	s26 =	ssub.s32 @p3 s26, s28  }
0x33: {  	s26 =	sshll.u32 @p3 s26, $0x7  }
0x34: {  	s26 =	sand.u32 @p3 $0xFF80, s26  }
0x35: {  	s7 =	sand.u32 $0xFFFF, s23;
	s28 =	sadd.s32 @p3 $0x186C0, s26  }
0x36: {  	[tilespmem:s28], [sflag:$0x1] =	stream.linear.gather @p3 [hbm4b:s24+s2], $0x80, $0x38;
	[tilespmem:$0x1F0C0] =	vst v63  }
0x37: {  	s29 =	smul.u32 $0xCCCD, s7;
	s26 =	sadd.s32 @p3 $0x18BC0, s26  }
0x38: {  	[tilespmem:s26], [sflag:$0x1] =	stream.linear.gather @p3 [hbm4b:s18+s2], $0x80, $0x38;
	[tilespmem:$0x1F0C0] =	vst v63  }
0x39: {  	s26 =	smul.u32 $0xAAAB, s7  }
0x3a: {  	s28 =	sshrl.u32 s29, $0x13  }
0x3b: {  	s28 =	smul.u32 $0xA, s28;
	s26 =	sshrl.u32 s26, $0x12  }
0x3c: {  	_ =	swait.ge [sflag:s30], $0x80;
	s26 =	smul.u32 $0x6, s26  }
0x3d: {  	p2 =	slt.u32 s23, $0x4;
	[sflag:s30] =	ssyncset.done $0x0  }
0x3e: {  	s28 =	ssub.s32 s23, s28;
	[sflag:s30] =	ssyncadd.s32 $0xFFFFFF80;
	s26 =	ssub.s32 s23, s26  }
0x3f: {  	s28 =	sshll.u32 s28, $0x7;
	_ =	swait.ge [sflag:s30], $0x80;
	s26 =	sand.u32 $0xFFFF, s26  }
0x40: {  	s28 =	sand.u32 $0x3F80, s28;
	[sflag:s30] =	ssyncset.done $0x0;
	s26 =	sshll.u32 s26, $0xC  }
0x41: {  	s28 =	sadd.s32 $0x186C0, s28;
	[sflag:s30] =	ssyncadd.s32 $0xFFFFFF80;
	s26 =	sadd.s32 $0x190C0, s26  }
0x42: {  	[tilespmem:s26], [sflag:$0x2] =	stream.indirect.gather [hbm4b:s4+s31], $0x20, s28, s31, $0xb8;
	[tilespmem:$0x1F0C0] =	vst v63  }
0x43: {  	s26 =	sadd.s32 @!p2 $0xFFFFFFFC, s23  }
0x44: {  	s28 =	sand.u32 @!p2 $0xFFFF, s26  }
0x45: {  	s29 =	smul.u32 @!p2 $0xCCCD, s28  }
0x46: {  	s28 =	smul.u32 @!p2 $0xAAAB, s28  }
0x47: {  	s29 =	sshrl.u32 @!p2 s29, $0x13  }
0x48: {  	s28 =	sshrl.u32 @!p2 s28, $0x12;
	s29 =	smul.u32 @!p2 $0xA, s29  }
0x49: {  	s28 =	smul.u32 @!p2 $0x6, s28  }
0x4a: {  	s7 =	simm.s32 @!p2 $0x2;
	s23 =	sadd.s32 $0x1, s23  }
0x4b: {  	_ =	swait.ge @!p2 [sflag:s7], $0x1000;
	s29 =	ssub.s32 @!p2 s26, s29;
	s26 =	ssub.s32 @!p2 s26, s28  }
0x4c: {  	[sflag:s7] =	ssyncset.done @!p2 $0x0;
	s26 =	sand.u32 @!p2 $0xFFFF, s26;
	s28 =	sshll.u32 @!p2 s29, $0x7  }
0x4d: {  	[sflag:s7] =	ssyncadd.s32 @!p2 $0xFFFFF000;
	s7 =	sshll.u32 @!p2 s26, $0xC;
	s26 =	sand.u32 @!p2 $0x3F80, s28  }
0x4e: {  	s28 =	simm.s32 @!p2 $0x80;
	s7 =	sadd.s32 @!p2 $0x190C0, s7;
	s26 =	sadd.s32 @!p2 $0x18BC0, s26  }
0x4f: {  	[spmem:s1] =	stream.indirect.scatter.add.f32 @!p2 [tilespmem:s7], [sflag:$0x3], $0x20, s26, s28, $0xb8;
	[tilespmem:$0x1F0C0] =	vst v63  }
0x50: {  	p2 =	sne.s32 s23, $0x190  }
.Ltmp0:
0x51: {  	_ = 	snop;
	(pc) =	sbr.rel @p2 .LBB2_3-.Ltmp0, $2  }
0x52: {  	_ =	sdelay $0x2  }
0x53: {  	s24 =	sadd.s32 $0x10, s24;
	s18 =	sadd.s32 $0x10, s18  }
0x54: {  	_ =	swait.ge [sflag:s0], $0x1000  }
0x55: {  	[sflag:s0] =	ssyncset.done $0x0  }
0x56: {  	s7 =	simm.s32 $0x18EC0;
	s18 =	simm.s32 $0x190C0;
	[sflag:s0] =	ssyncadd.s32 $0xFFFFF000  }
0x57: {  	[spmem:s1] =	stream.indirect.scatter.add.f32 [tilespmem:s18], [sflag:$0x3], $0x20, s7, s31, $0xb8;
	[tilespmem:$0x1F0C0] =	vst v63  }
0x58: {  	_ =	swait.ge [sflag:s0], $0x1000  }
0x59: {  	[sflag:s0] =	ssyncset.done $0x0  }
0x5a: {  	s23 =	simm.s32 $0x1A0C0;
	s18 =	simm.s32 $0x18F40;
	[sflag:s0] =	ssyncadd.s32 $0xFFFFF000  }
0x5b: {  	[spmem:s1] =	stream.indirect.scatter.add.f32 [tilespmem:s23], [sflag:$0x3], $0x20, s18, s31, $0xb8;
	[tilespmem:$0x1F0C0] =	vst v63  }
0x5c: {  	_ =	swait.ge [sflag:s0], $0x1000  }
0x5d: {  	[sflag:s0] =	ssyncset.done $0x0  }
0x5e: {  	s24 =	simm.s32 $0x18FC0;
	s26 =	simm.s32 $0x1B0C0;
	[sflag:s0] =	ssyncadd.s32 $0xFFFFF000  }
0x5f: {  	[spmem:s1] =	stream.indirect.scatter.add.f32 [tilespmem:s26], [sflag:$0x3], $0x20, s24, s31, $0xb8;
	[tilespmem:$0x1F0C0] =	vst v63  }
0x60: {  	_ =	swait.ge [sflag:s0], $0x1000  }
0x61: {  	[sflag:s0] =	ssyncset.done $0x0  }
0x62: {  	s28 =	simm.s32 $0x19040;
	s29 =	simm.s32 $0x1C0C0;
	[sflag:s0] =	ssyncadd.s32 $0xFFFFF000  }
0x63: {  	[spmem:s1] =	stream.indirect.scatter.add.f32 [tilespmem:s29], [sflag:$0x3], $0x20, s28, s31, $0xb8;
	[tilespmem:$0x1F0C0] =	vst v63  }
0x64: {  	_ =	swait.ge [sflag:s3], $0x1000  }
0x65: {  	[sflag:s3] =	ssyncset.done $0x0  }
0x66: {  	[sflag:s3] =	ssyncadd.s32 $0xFFFFF000  }
0x67: {  	_ =	swait.ge [sflag:s3], $0x1000  }
0x68: {  	[sflag:s3] =	ssyncset.done $0x0  }
0x69: {  	[sflag:s3] =	ssyncadd.s32 $0xFFFFF000  }
0x6a: {  	_ =	swait.ge [sflag:s3], $0x1000  }
0x6b: {  	[sflag:s3] =	ssyncset.done $0x0  }
0x6c: {  	[sflag:s3] =	ssyncadd.s32 $0xFFFFF000  }
0x6d: {  	_ =	swait.ge [sflag:s3], $0x1000  }
0x6e: {  	[sflag:s3] =	ssyncset.done $0x0  }
0x6f: {  	[sflag:s3] =	ssyncadd.s32 $0xFFFFF000  }
0x70: {  	s7 =	sshll.u32 @p0 s17, $0x2;
	_ =	swait.ge [sflag:s3], $0x1000  }
0x71: {  	s7 =	sadd.s32 @p0 s7, s16;
	[sflag:s3] =	ssyncset.done $0x0  }
0x72: {  	s18 =	simm.s32 @p0 $0x1;
	s23 =	simm.s32 @p0 $0x10;
	[sflag:s3] =	ssyncadd.s32 $0xFFFFF000  }
0x73: {  	s24 =	simm.s32 @p0 $0x4;
	s26 =	simm.s32 @p0 $0x1FC4;
	[bflag:$0x0] =	sbarrier.arrive $0xFFFF  }
0x74: {  	[hbm:s7@s23], [sflag:s26] =	dma.strided @p0 [spmem:s20@s24], $0x1F40, s18, $0x4   }
0x75: {  	s7 =	sshll.u32 @!p0 s17, $0x5;
	s18 =	simm.s32 @!p0 $0x10  }
0x76: {  	s23 =	simm.s32 @!p0 $0x4;
	_ =	swait.ge @p0 [sflag:s24], $0x1F40;
	s7 =	sor.u32 @!p0 s8, s7  }
0x77: {  	[sflag:s24] =	ssyncset.done @p0 $0x0;
	s7 =	sshrl.u32 @!p0 s7, $0x3;
	s17 =	rddreg [dreg:$0x3]  }
0x78: {  	[sflag:s24] =	ssyncadd.s32 @p0 $0xFFFFE0C0;
	s7 =	sadd.s32 @!p0 s17, s7;
	s17 =	simm.s32 @!p0 $0x1  }
0x79: {  	[hbm:s7@s18], [sflag:s21] =	dma.strided @!p0 [spmem:s22@s23], $0x3200, s17, $0x4   }
.Ltmp1:
0x7a: {  	_ =	swait.ge @!p0 [sflag:s23], $0x3200;
	(pc) =	sbr.rel @p1 .LBB2_2-.Ltmp1, $4  }
0x7b: {  	[sflag:s23] =	ssyncset.done @!p0 $0x0  }
0x7c: {  	[sflag:s23] =	ssyncadd.s32 @!p0 $0xFFFFCE00  }
0x7d: {  	[bflag:$0x0] =	sbarrier.arrive $0xFFFF  }
0x7e: {  	p2 =	por $0x0, $0x0;
	s18 =	simm.s32 $0x1  }
0x7f: {  	s17 =	rddreg [dreg:$0x5]  }
0x80: {  	s7 =	rddreg [dreg:$0x4];
	s17 =	sadd.s32 $0x1, s17  }
0x81: {  	p1 =	sne.s32 s17, s7  }
.Ltmp2:
0x82: {  	_ = 	snop;
	(pc) =	sbr.rel @p1 .LBB2_1-.Ltmp2, $1  }
0x83: {  	_ =	sdelay $0x3  }
0x84: {  	_ =	sfence.sel $0x180000  }
0x85: {  	[bflag:$0x0] =	sbarrier.arrive $0xFFFF  }
0x86: {  	_ =	strace $0x9000004D  }
0x87: {  	s0 =	stileid.u32;
	[bflag:$0x2] =	sbarrier.arrive $0xFFFF  }
0x88: {  	p0 =	sne.s32 s0, $0x0;
	s0 =	rddreg [dreg:$0x2]  }
0x89: {  	s0 =	sadd.s32 @!p0 $0x100000, s0  }
0x8a: {  	[sflag:s0] =	ssyncadd.tile.s32 @!p0 $0x1;
	_ =	shalt  }
.Lfunc_end2:
_tile_overlayer_lowered:
.L_overlay_start_2:
0x8b: {  	(tag) =	ssettag $0x2  }
0x8c: {  	s0 =	rddreg [dreg:$0x0];
	s2 =	stileid.u32  }
0x8d: {  	s1 =	rddreg [dreg:$0x1];
	p0 =	sne.s32 s2, $0x0  }
0x8e: {  	s3 =	rddreg [dreg:$0x2];
	[bflag:$0x3] =	sbarrier.arrive $0xFFFF;
	s2 =	simm.s32 @!p0 $0x1C04  }
0x8f: {  	[timem:s3], [sflag:s2] =	dma.local @!p0 [hbm:s0], s1  }
0x90: {  	s0 =	simm.s32 @!p0 $0x4  }
0x91: {  	_ =	swait.ge @!p0 [sflag:s0], s1  }
0x92: {  	s1 =	ssub.s32 @!p0 $0x0, s1;
	[sflag:s0] =	ssyncset.done @!p0 $0x0  }
0x93: {  	[sflag:s0] =	ssyncadd.s32 @!p0 s1  }
0x94: {  	[bflag:$0x3] =	sbarrier.arrive $0xFFFF  }
0x95: {  	_ =	shalt  }

// kernel: kernel.8.cloned.1.call-start
scs
__scs_entry_jumppad:
0x0: {  	(pc) =	sbr.rel $0x88, $3  }
0x1: {  	(tag) =	ssettag $0x0;
	lr =	simm.s32 $0x1  }
0x2: {  	[smem:$0x3F9A] =	sst lr;
	_ =	strace $0xD0000000  }
0x3: {  	_ = 	snop  }
0x4: {  	_ = 	snop  }
0x5: {  	_ = 	snop  }
0x6: {  	_ = 	snop  }
0x7: {  	_ = 	snop  }
__scs_overlays_trampoline_lowered:
0x8: {  	[smem:$0x3FA9] =	sst s0  }
0x9: {  	[smem:$0x3FAA] =	sst s1  }
0xa: {  	[smem:$0x3FAB] =	sst s2  }
0xb: {  	[smem:$0x3FAC] =	sst s3  }
0xc: {  	[smem:$0x3FAD] =	sst s4  }
0xd: {  	[smem:$0x3FAE] =	sst s5  }
0xe: {  	[smem:$0x3FAF] =	sst s6  }
0xf: {  	[smem:$0x3FB0] =	sst s7  }
0x10: {  	[smem:$0x3FB1] =	sst s8  }
0x11: {  	[smem:$0x3FB2] =	sst s9;
	s0 =	simm.s32 @!p0 $0x0  }
0x12: {  	s1 =	sld [smem:$0x3F98];
	s0 =	simm.s32 @p0 $0x1  }
0x13: {  	[smem:$0x3FB3] =	sst s0;
	s0 =	simm.s32 @!p1 $0x0  }
0x14: {  	s2 =	sld [smem:$0x3F97];
	s0 =	simm.s32 @p1 $0x1  }
0x15: {  	[smem:$0x3FB4] =	sst s0;
	s0 =	simm.s32 @!p2 $0x0  }
0x16: {  	s3 =	sld [smem:$0x3FDB];
	s0 =	simm.s32 @p2 $0x1  }
0x17: {  	s4 =	simm.s32 $0x1BF5;
	[smem:$0x3FB6] =	sst s0  }
0x18: {  	s0 =	sld [smem:$0x3F99];
	_ =	swait.ge [sflag:s4], $0x0  }
0x19: {  	s7 =	sld [smem:$0x3F9A]  }
0x1a: {  	s8 =	sadd.s32 $0xFFFFE003, lr  }
0x1b: {  	s9 =	sadd.s32 $0xFFFFFEF7, lr;
	s5 =	simm.s32 $0xFFFFFFFF;
	p2 =	slt.u32 s8, $0xFFFFF086  }
0x1c: {  	p1 =	slt.u32 s9, $0xF7A;
	s5 =	simm.s32 @!p2 $0x0  }
0x1d: {  	s5 =	simm.s32 @p1 $0x1;
	p0 =	seq.s32 s7, s2  }
0x1e: {  	s7 =	smul.u32 @!p0 $0xF7A, s2;
	p2 =	seq.s32 @!p0 s5, $0x0  }
0x1f: {  	s9 =	smul.u32 $0xF7A, s1;
	s8 =	simm.s32 @!p0 $0x1BF5;
	p2 =	por !p2, p0  }
0x20: {  	[sflag:s8] =	ssyncset.s32 @!p0 $0xFFFFF086;
	s6 =	sadd.s32 @!p0 s3, s7;
	s7 =	simm.s32 @!p0 $0x108  }
0x21: {  	s3 =	sadd.s32 s3, s9;
	s6 =	sadd.s32 @!p0 $0x88, s6;
	s7 =	simm.s32 @p2 $0x1082  }
0x22: {  	[simem:s7], [sflag:s8] =	dma.local @!p0 [hbm:s6], $0xF7A  }
0x23: {  	s9 =	sor.u32 $0xD0000000, s2;
	s6 =	simm.s32 $0x108;
	_ =	swait.ge @!p0 [sflag:s8], $0x0  }
0x24: {  	s3 =	sadd.s32 $0x88, s3;
	s6 =	simm.s32 @!p1 $0x1082;
	[sflag:s4] =	ssyncset.s32 $0xFFFFF086  }
0x25: {  	[simem:s6], [sflag:s4] =	dma.local [hbm:s3], $0xF7A  }
0x26: {  	[smem:$0x3F9A] =	sst s1;
	(tag) =	ssettag s2;
	_ =	strace s9  }
0x27: {  	s1 =	sld [smem:$0x3FAA]  }
0x28: {  	s2 =	sld [smem:$0x3FAB]  }
0x29: {  	s4 =	sld [smem:$0x3FAD]  }
0x2a: {  	p0 =	seq.s32 s5, $0x0;
	s5 =	sld [smem:$0x3FAE]  }
0x2b: {  	s6 =	sld [smem:$0x3FAF]  }
0x2c: {  	s7 =	sld [smem:$0x3FB0]  }
0x2d: {  	s3 =	simm.s32 $0x108;
	s8 =	sld [smem:$0x3FB1]  }
0x2e: {  	s3 =	simm.s32 @!p0 $0x1082;
	s9 =	sld [smem:$0x3FB2]  }
0x2f: {  	lr =	sadd.s32 s0, s3;
	s0 =	sld [smem:$0x3FA9]  }
0x30: {  	s3 =	sld [smem:$0x3FAC]  }
0x31: {  	[smem:$0x3FB5] =	sst s10  }
0x32: {  	s10 =	sld [smem:$0x3FB3];
	_ =	sdelay $0x3  }
0x33: {  	p0 =	seq.s32 s10, $0x1;
	s10 =	sld [smem:$0x3FB5];
	_ =	sdelay $0x3  }
0x34: {  	[smem:$0x3FB5] =	sst s10  }
0x35: {  	s10 =	sld [smem:$0x3FB4];
	_ =	sdelay $0x3  }
0x36: {  	p1 =	seq.s32 s10, $0x1;
	s10 =	sld [smem:$0x3FB5];
	_ =	sdelay $0x3  }
0x37: {  	[smem:$0x3FB5] =	sst s10  }
0x38: {  	s10 =	sld [smem:$0x3FB6]  }
0x39: {  	_ = 	snop;
	(pc) =	sbr.ind lr, $3  }
0x3a: {  	_ = 	snop  }
0x3b: {  	_ = 	snop  }
0x3c: {  	p2 =	seq.s32 s10, $0x1;
	s10 =	sld [smem:$0x3FB5]  }
0x3d: {  	_ =	shalt  }
0x3e: {  	_ =	shalt  }
0x3f: {  	_ =	shalt  }
0x40: {  	_ =	shalt  }
0x41: {  	_ =	shalt  }
0x42: {  	_ =	shalt  }
0x43: {  	_ =	shalt  }
0x44: {  	_ =	shalt  }
0x45: {  	_ =	shalt  }
0x46: {  	_ =	shalt  }
0x47: {  	_ =	shalt  }
0x48: {  	_ =	shalt  }
0x49: {  	_ =	shalt  }
0x4a: {  	_ =	shalt  }
0x4b: {  	_ =	shalt  }
0x4c: {  	_ =	shalt  }
0x4d: {  	_ =	shalt  }
0x4e: {  	_ =	shalt  }
0x4f: {  	_ =	shalt  }
0x50: {  	_ =	shalt  }
0x51: {  	_ =	shalt  }
0x52: {  	_ =	shalt  }
0x53: {  	_ =	shalt  }
0x54: {  	_ =	shalt  }
0x55: {  	_ =	shalt  }
0x56: {  	_ =	shalt  }
0x57: {  	_ =	shalt  }
0x58: {  	_ =	shalt  }
0x59: {  	_ =	shalt  }
0x5a: {  	_ =	shalt  }
0x5b: {  	_ =	shalt  }
0x5c: {  	_ =	shalt  }
0x5d: {  	_ =	shalt  }
0x5e: {  	_ =	shalt  }
0x5f: {  	_ =	shalt  }
0x60: {  	_ =	shalt  }
0x61: {  	_ =	shalt  }
0x62: {  	_ =	shalt  }
0x63: {  	_ =	shalt  }
0x64: {  	_ =	shalt  }
0x65: {  	_ =	shalt  }
0x66: {  	_ =	shalt  }
0x67: {  	_ =	shalt  }
0x68: {  	_ =	shalt  }
0x69: {  	_ =	shalt  }
0x6a: {  	_ =	shalt  }
0x6b: {  	_ =	shalt  }
0x6c: {  	_ =	shalt  }
0x6d: {  	_ =	shalt  }
0x6e: {  	_ =	shalt  }
0x6f: {  	_ =	shalt  }
0x70: {  	_ =	shalt  }
0x71: {  	_ =	shalt  }
0x72: {  	_ =	shalt  }
0x73: {  	_ =	shalt  }
0x74: {  	_ =	shalt  }
0x75: {  	_ =	shalt  }
0x76: {  	_ =	shalt  }
0x77: {  	_ =	shalt  }
0x78: {  	_ =	shalt  }
0x79: {  	_ =	shalt  }
0x7a: {  	_ =	shalt  }
0x7b: {  	_ =	shalt  }
0x7c: {  	_ =	shalt  }
0x7d: {  	_ =	shalt  }
0x7e: {  	_ =	shalt  }
0x7f: {  	_ =	shalt  }
0x80: {  	_ =	shalt  }
0x81: {  	_ =	shalt  }
0x82: {  	_ =	shalt  }
0x83: {  	_ =	shalt  }
0x84: {  	_ =	shalt  }
0x85: {  	_ =	shalt  }
0x86: {  	_ =	shalt  }
0x87: {  	_ =	shalt  }
.Lfunc_end0:
.L_simem_size_0:
called_computation_lowered:
.L_overlay_start_0:
0x88: {  	s2 =	sld [smem:$0x3FD9]  }
0x89: {  	s3 =	sld [smem:$0x3FFE];
	_ =	sdelay $0x1  }
0x8a: {  	s1 =	srdreg.scid  }
0x8b: {  	s0 =	sand.u32 $0x1, s1  }
0x8c: {  	s16 =	sshll.u32 s0, $0xA;
	s2 =	sadd.s32 s3, s2  }
0x8d: {  	s2 =	sadd.s32 s2, s16  }
0x8e: {  	[smem:$0x3FC1] =	sst s2  }
0x8f: {  	_ = 	snop  }
0x90: {  	(tm) =	ssettm $0x1  }
0x91: {  	s17 =	sld [smem:$0x3FFB];
	_ =	sdelay $0x3  }
0x92: {  	_ =	strace s17  }
0x93: {  	s2 =	sld [smem:$0x3FFC];
	_ =	sdelay $0x3  }
0x94: {  	_ =	strace s2  }
0x95: {  	s2 =	sld [smem:$0x3FFD];
	_ =	sdelay $0x3  }
0x96: {  	_ =	strace s2  }
0x97: {  	_ =	strace $0x8FFFFFFF  }
0x98: {  	s18 =	sld [smem:$0x3FDB];
	_ =	sdelay $0x1  }
0x99: {  	s19 =	simm.s32 $_scs_section_size  }
0x9a: {  	s4 =	simm.s32 $_size__tile_overlayer_lowered;
	s5 =	simm.s32 $_tile_overlayer_lowered  }
0x9b: {  	s22 =	simm.s32 $0x1BFF;
	s21 =	sshll.u32 s5, $0x1;
	s2 =	sadd.s32 s19, s18  }
0x9c: {  	s6 =	simm.s32 $0x0;
	s20 =	sshll.u32 s4, $0x1;
	s4 =	sadd.s32 s21, s2  }
0x9d: {  	[timem:s6], [sflag:s22] =	dma.local [hbm:s4], s20  }
0x9e: {  	_ =	swait.ge [sflag:s22], s20  }
0x9f: {  	s3 =	ssub.s32 $0x0, s20;
	[sflag:s22] =	ssyncset.done $0x0  }
0xa0: {  	[sflag:s22] =	ssyncadd.s32 s3;
	_ =	sdelay $0x1  }
0xa1: {  	s23 =	simm.s32 $0x1B8B  }
0xa2: {  	_ =	swait.ge [sflag:s23], $0x1  }
0xa3: {  	[sflag:s23] =	ssyncset.done $0x0  }
0xa4: {  	s25 =	simm.s32 $0x1B8E;
	s24 =	sld [smem:$0x3FFE];
	[sflag:s23] =	ssyncadd.s32 $0xFFFFFFFF  }
0xa5: {  	s26 =	simm.s32 $execute0_lowered;
	[smem:$0x3FD2] =	sst s25  }
0xa6: {  	s4 =	sshll.u32 s26, $0x1;
	_ =	strace $0x80000046;
	[dreg:$0x1] =	wrdreg $0xFFFFFFFF  }
0xa7: {  	s28 =	simm.s32 $_size_execute0_lowered;
	s2 =	sadd.s32 s2, s4;
	[dreg:$0x0] =	wrdreg $0x0  }
0xa8: {  	s4 =	sshll.u32 s28, $0x1;
	[dreg:$0x2] =	wrdreg s2  }
0xa9: {  	[dreg:$0x3] =	wrdreg s4  }
0xaa: {  	[dreg:$0x4] =	wrdreg $0xC0  }
0xab: {  	_ =	task [dreg:s6], $0x5FFFF  }
0xac: {  	[dreg:$0x1] =	wrdreg $0xFFFFFFFF  }
0xad: {  	[dreg:$0x0] =	wrdreg $0x60  }
0xae: {  	[dreg:$0x2] =	wrdreg s24  }
0xaf: {  	[dreg:$0x3] =	wrdreg $0x0  }
0xb0: {  	[dreg:$0x4] =	wrdreg $0x9  }
0xb1: {  	_ =	task.clear_ibuf [dreg:s6], $0x5FFFF;
	_ =	strace $0x90000046  }
0xb2: {  	s29 =	simm.s32 $0x9;
	_ =	strace $0x80000048  }
0xb3: {  	_ =	swait.ge [sflag:s29], $0x1  }
0xb4: {  	[sflag:s29] =	ssyncadd.s32 $0xFFFFFFFF  }
0xb5: {  	_ =	strace $0x90000048  }
0xb6: {  	_ =	sfence  }
0xb7: {  	s30 =	sld [smem:$0x0];
	_ =	sdelay $0x2  }
0xb8: {  	s31 =	sshll.u32 s1, $0xD;
	s1 =	sshrl.u32 s1, $0x2  }
0xb9: {  	s3 =	sand.u32 $0x4000, s31;
	s1 =	sadd.s32 s1, s30  }
0xba: {  	s0 =	sor.u32 s3, s0;
	s1 =	sshll.u32 s1, $0x11  }
0xbb: {  	s0 =	sor.u32 s1, s0  }
0xbc: {  	s0 =	sadd.s32 $0x8F2B, s0  }
0xbd: {  	[sflag:s0] =	ssyncadd.remote.s32 $0x1  }
0xbe: {  	_ =	sfence.sel $0xFFFF  }
0xbf: {  	[dreg:$0x0] =	wrdreg $0xFFFFFFFF;
	(pc) =	sbr.abs _section_cstart, $3  }
0xc0: {  	[dreg:$0x1] =	wrdreg $0xFFFFFFFF  }
0xc1: {  	_ =	task.clear_ibuf [dreg:s6], $0x2FFFF;
	_ =	strace $0x9FFFFFFF  }
0xc2: {  	(tm) =	ssettm $0x7FFFFFFF  }
0xc3: {  	_ =	shalt  }
tec
execute0_lowered:
.L_overlay_start_1:
0x0: {  	(tag) =	ssettag $0x1  }
0x1: {  	s1 =	srdreg.scid;
	s4 =	rddreg [dreg:$0x0]  }
0x2: {  	s0 =	stileid.u32;
	s2 =	rddreg [dreg:$0x1];
	s3 =	simm.s32 $0x0  }
0x3: {  	s10 =	simm.s32 $0x1980;
	s11 =	simm.s32 $0x80;
	s12 =	simm.s32 $0x1900  }
0x4: {  	s13 =	simm.s32 $0x1A00;
	s14 =	simm.s32 $0x1A80;
	s15 =	simm.s32 $0x1B00  }
0x5: {  	s16 =	simm.s32 $0x1B80;
	s17 =	simm.s32 $0x1C00;
	s18 =	simm.s32 $0x1C80  }
0x6: {  	s19 =	simm.s32 $0x1D00;
	s5 =	sand.u32 $0x1, s1;
	s6 =	smul.u32 $0xC80, s0  }
0x7: {  	s22 =	simm.s32 $0x0;
	s1 =	rddreg [dreg:$0x2];
	s7 =	smul.u32 $0xC800, s5  }
0x8: {  	[smem:$0x7FF] =	sst s3;
	s20 =	sshll.u32 s0, $0x6;
	s5 =	ssub.s32 $0x2, s5  }
0x9: {  	_ =	strace $0x80000047;
	s31 =	sshrl.u32 s5, $0x1;
	s7 =	sadd.s32 s6, s7  }
0xa: {  	s20 =	sor.u32 $0x1C01, s20;
	s9 =	ssub.s32 s5, s31;
	s8 =	sshrl.u32 s7, $0x3  }
0xb: {  	s7 =	sadd.s32 s7, s4;
	s8 =	sadd.s32 s8, s4;
	s4 =	sadd.s32 s6, s2  }
0xc: {  	s6 =	smax.u32 s9, $0x1;
	s7 =	sadd.s32 $0x1000, s7;
	s9 =	simm.s32 $0x1  }
0xd: {  	v0 =	vimm.f32 $0.0e+00;
	v1 =	vimm.f32 $1.000000000e+00;
	s5 =	sadd.s32 $0x1A000, s8;
	s8 =	simm.s32 $0xC80;
	s21 =	sshrl.u32 s4, $0x3  }
.LBB2_1:
0xe: {  	s23 =	simm.s32 $0x40;
	s24 =	simm.s32 $0x0  }
.LBB2_2:
0xf: {  	p0 =	sne.s32 s23, $0x31C0;
	[tilespmem:s24+$0xC80] =	vst v0;
	s24 =	smov.u32 s23;
	s23 =	sadd.s32 $0x40, s23  }
.Ltmp0:
0x10: {  	(pc) =	sbr.rel @p0 .LBB2_2-.Ltmp0, $2  }
0x11: {  	_ =	sdelay $0x2  }
0x12: {  	s24 =	sshra.s32 s24, $0x2  }
0x13: {  	[tilespmem:s24+$0xC80] =	vst v0  }
0x14: {  	[tilespmem:$0x1900] =	vst v1  }
0x15: {  	[tilespmem:$0x1910] =	vst v1  }
0x16: {  	[tilespmem:$0x1920] =	vst v1  }
0x17: {  	[tilespmem:$0x1930] =	vst v1  }
0x18: {  	[tilespmem:$0x1940] =	vst v1  }
0x19: {  	[tilespmem:$0x1950] =	vst v1  }
0x1a: {  	[tilespmem:$0x1960] =	vst v1  }
0x1b: {  	[tilespmem:$0x1970] =	vst v1  }
0x1c: {  	[spmem:s4] =	stream.linear.scatter [tilespmem:s8], [sflag:$0x1], $0xC80, $0x38;
	[tilespmem:$0x1D80] =	vst v63  }
0x1d: {  	_ =	swait.ge [sflag:s9], $0xC80  }
0x1e: {  	[sflag:s9] =	ssyncset.done $0x0  }
0x1f: {  	[sflag:s9] =	ssyncadd.s32 $0xFFFFF380  }
0x20: {  	s23 =	sadd.s32 $0x0, s7;
	[bflag:$0x0] =	sbarrier.arrive $0xFFFF  }
0x21: {  	[tilespmem:s10], [sflag:$0x1] =	stream.linear.gather [hbm4b:s23+s3], $0x400, $0x38;
	[tilespmem:$0x1D80] =	vst v63  }
0x22: {  	_ =	swait.ge [sflag:s9], $0x400  }
0x23: {  	[sflag:s9] =	ssyncset.done $0x0  }
0x24: {  	[sflag:s9] =	ssyncadd.s32 $0xFFFFFC00  }
0x25: {  	[spmem:s2] =	stream.indirect.scatter.add.f32 [tilespmem:s12], [sflag:$0x1], $0x1, s10, s11, $0xb8;
	[tilespmem:$0x1D80] =	vst v63  }
0x26: {  	_ =	swait.ge [sflag:s9], $0x80  }
0x27: {  	[sflag:s9] =	ssyncset.done $0x0  }
0x28: {  	[sflag:s9] =	ssyncadd.s32 $0xFFFFFF80  }
0x29: {  	[spmem:s2] =	stream.indirect.scatter.add.f32 [tilespmem:s12], [sflag:$0x1], $0x1, s13, s11, $0xb8;
	[tilespmem:$0x1D80] =	vst v63  }
0x2a: {  	_ =	swait.ge [sflag:s9], $0x80  }
0x2b: {  	[sflag:s9] =	ssyncset.done $0x0  }
0x2c: {  	[sflag:s9] =	ssyncadd.s32 $0xFFFFFF80  }
0x2d: {  	[spmem:s2] =	stream.indirect.scatter.add.f32 [tilespmem:s12], [sflag:$0x1], $0x1, s14, s11, $0xb8;
	[tilespmem:$0x1D80] =	vst v63  }
0x2e: {  	_ =	swait.ge [sflag:s9], $0x80  }
0x2f: {  	[sflag:s9] =	ssyncset.done $0x0  }
0x30: {  	[sflag:s9] =	ssyncadd.s32 $0xFFFFFF80  }
0x31: {  	[spmem:s2] =	stream.indirect.scatter.add.f32 [tilespmem:s12], [sflag:$0x1], $0x1, s15, s11, $0xb8;
	[tilespmem:$0x1D80] =	vst v63  }
0x32: {  	_ =	swait.ge [sflag:s9], $0x80  }
0x33: {  	[sflag:s9] =	ssyncset.done $0x0  }
0x34: {  	[sflag:s9] =	ssyncadd.s32 $0xFFFFFF80  }
0x35: {  	[spmem:s2] =	stream.indirect.scatter.add.f32 [tilespmem:s12], [sflag:$0x1], $0x1, s16, s11, $0xb8;
	[tilespmem:$0x1D80] =	vst v63  }
0x36: {  	_ =	swait.ge [sflag:s9], $0x80  }
0x37: {  	[sflag:s9] =	ssyncset.done $0x0  }
0x38: {  	[sflag:s9] =	ssyncadd.s32 $0xFFFFFF80  }
0x39: {  	[spmem:s2] =	stream.indirect.scatter.add.f32 [tilespmem:s12], [sflag:$0x1], $0x1, s17, s11, $0xb8;
	[tilespmem:$0x1D80] =	vst v63  }
0x3a: {  	_ =	swait.ge [sflag:s9], $0x80  }
0x3b: {  	[sflag:s9] =	ssyncset.done $0x0  }
0x3c: {  	[sflag:s9] =	ssyncadd.s32 $0xFFFFFF80  }
0x3d: {  	[spmem:s2] =	stream.indirect.scatter.add.f32 [tilespmem:s12], [sflag:$0x1], $0x1, s18, s11, $0xb8;
	[tilespmem:$0x1D80] =	vst v63  }
0x3e: {  	_ =	swait.ge [sflag:s9], $0x80  }
0x3f: {  	[sflag:s9] =	ssyncset.done $0x0  }
0x40: {  	[sflag:s9] =	ssyncadd.s32 $0xFFFFFF80  }
0x41: {  	[spmem:s2] =	stream.indirect.scatter.add.f32 [tilespmem:s12], [sflag:$0x1], $0x1, s19, s11, $0xb8;
	[tilespmem:$0x1D80] =	vst v63  }
0x42: {  	_ =	swait.ge [sflag:s9], $0x80  }
0x43: {  	s25 =	simm.s32 $0x100;
	s23 =	simm.s32 $0x80;
	[sflag:s9] =	ssyncset.done $0x0  }
.LBB2_4:
0x44: {  	s26 =	sadd.s32 s23, s7  }
0x45: {  	[sflag:s9] =	ssyncadd.s32 $0xFFFFFF80;
	s23 =	smov.u32 s25;
	s24 =	sadd.s32 $0x80, s25  }
0x46: {  	[tilespmem:s10], [sflag:$0x1] =	stream.linear.gather [hbm4b:s26+s3], $0x400, $0x38;
	[tilespmem:$0x1D80] =	vst v63  }
0x47: {  	p0 =	sne.s32 s25, $0xC00;
	_ =	swait.ge [sflag:s9], $0x400  }
0x48: {  	[sflag:s9] =	ssyncset.done $0x0  }
0x49: {  	[sflag:s9] =	ssyncadd.s32 $0xFFFFFC00  }
0x4a: {  	[spmem:s2] =	stream.indirect.scatter.add.f32 [tilespmem:s12], [sflag:$0x1], $0x1, s10, s11, $0xb8;
	[tilespmem:$0x1D80] =	vst v63  }
0x4b: {  	_ =	swait.ge [sflag:s9], $0x80  }
0x4c: {  	[sflag:s9] =	ssyncset.done $0x0  }
0x4d: {  	[sflag:s9] =	ssyncadd.s32 $0xFFFFFF80  }
0x4e: {  	[spmem:s2] =	stream.indirect.scatter.add.f32 [tilespmem:s12], [sflag:$0x1], $0x1, s13, s11, $0xb8;
	[tilespmem:$0x1D80] =	vst v63  }
0x4f: {  	_ =	swait.ge [sflag:s9], $0x80  }
0x50: {  	[sflag:s9] =	ssyncset.done $0x0  }
0x51: {  	[sflag:s9] =	ssyncadd.s32 $0xFFFFFF80  }
0x52: {  	[spmem:s2] =	stream.indirect.scatter.add.f32 [tilespmem:s12], [sflag:$0x1], $0x1, s14, s11, $0xb8;
	[tilespmem:$0x1D80] =	vst v63  }
0x53: {  	_ =	swait.ge [sflag:s9], $0x80  }
0x54: {  	[sflag:s9] =	ssyncset.done $0x0  }
0x55: {  	[sflag:s9] =	ssyncadd.s32 $0xFFFFFF80  }
0x56: {  	[spmem:s2] =	stream.indirect.scatter.add.f32 [tilespmem:s12], [sflag:$0x1], $0x1, s15, s11, $0xb8;
	[tilespmem:$0x1D80] =	vst v63  }
0x57: {  	_ =	swait.ge [sflag:s9], $0x80  }
0x58: {  	[sflag:s9] =	ssyncset.done $0x0  }
0x59: {  	[sflag:s9] =	ssyncadd.s32 $0xFFFFFF80  }
0x5a: {  	[spmem:s2] =	stream.indirect.scatter.add.f32 [tilespmem:s12], [sflag:$0x1], $0x1, s16, s11, $0xb8;
	[tilespmem:$0x1D80] =	vst v63  }
0x5b: {  	_ =	swait.ge [sflag:s9], $0x80  }
0x5c: {  	[sflag:s9] =	ssyncset.done $0x0  }
0x5d: {  	[sflag:s9] =	ssyncadd.s32 $0xFFFFFF80  }
0x5e: {  	[spmem:s2] =	stream.indirect.scatter.add.f32 [tilespmem:s12], [sflag:$0x1], $0x1, s17, s11, $0xb8;
	[tilespmem:$0x1D80] =	vst v63  }
0x5f: {  	_ =	swait.ge [sflag:s9], $0x80  }
0x60: {  	[sflag:s9] =	ssyncset.done $0x0  }
0x61: {  	[sflag:s9] =	ssyncadd.s32 $0xFFFFFF80  }
0x62: {  	[spmem:s2] =	stream.indirect.scatter.add.f32 [tilespmem:s12], [sflag:$0x1], $0x1, s18, s11, $0xb8;
	[tilespmem:$0x1D80] =	vst v63  }
0x63: {  	_ =	swait.ge [sflag:s9], $0x80  }
.Ltmp1:
0x64: {  	[sflag:s9] =	ssyncset.done $0x0;
	(pc) =	sbr.rel @p0 .LBB2_4-.Ltmp1, $4  }
0x65: {  	[sflag:s9] =	ssyncadd.s32 $0xFFFFFF80  }
0x66: {  	[spmem:s2] =	stream.indirect.scatter.add.f32 [tilespmem:s12], [sflag:$0x1], $0x1, s19, s11, $0xb8;
	[tilespmem:$0x1D80] =	vst v63  }
0x67: {  	_ =	swait.ge [sflag:s9], $0x80  }
0x68: {  	s25 =	smov.u32 s24;
	[sflag:s9] =	ssyncset.done $0x0  }
0x69: {  	s23 =	sadd.s32 s23, s7;
	[sflag:s9] =	ssyncadd.s32 $0xFFFFFF80  }
0x6a: {  	[tilespmem:s10], [sflag:$0x1] =	stream.linear.gather [hbm4b:s23+s3], $0x400, $0x38;
	[tilespmem:$0x1D80] =	vst v63  }
0x6b: {  	_ =	swait.ge [sflag:s9], $0x400  }
0x6c: {  	[sflag:s9] =	ssyncset.done $0x0  }
0x6d: {  	[sflag:s9] =	ssyncadd.s32 $0xFFFFFC00  }
0x6e: {  	[spmem:s2] =	stream.indirect.scatter.add.f32 [tilespmem:s12], [sflag:$0x1], $0x1, s10, s11, $0xb8;
	[tilespmem:$0x1D80] =	vst v63  }
0x6f: {  	_ =	swait.ge [sflag:s9], $0x80  }
0x70: {  	[sflag:s9] =	ssyncset.done $0x0  }
0x71: {  	[sflag:s9] =	ssyncadd.s32 $0xFFFFFF80  }
0x72: {  	[spmem:s2] =	stream.indirect.scatter.add.f32 [tilespmem:s12], [sflag:$0x1], $0x1, s13, s11, $0xb8;
	[tilespmem:$0x1D80] =	vst v63  }
0x73: {  	_ =	swait.ge [sflag:s9], $0x80  }
0x74: {  	[sflag:s9] =	ssyncset.done $0x0  }
0x75: {  	[sflag:s9] =	ssyncadd.s32 $0xFFFFFF80  }
0x76: {  	[spmem:s2] =	stream.indirect.scatter.add.f32 [tilespmem:s12], [sflag:$0x1], $0x1, s14, s11, $0xb8;
	[tilespmem:$0x1D80] =	vst v63  }
0x77: {  	_ =	swait.ge [sflag:s9], $0x80  }
0x78: {  	[sflag:s9] =	ssyncset.done $0x0  }
0x79: {  	[sflag:s9] =	ssyncadd.s32 $0xFFFFFF80  }
0x7a: {  	[spmem:s2] =	stream.indirect.scatter.add.f32 [tilespmem:s12], [sflag:$0x1], $0x1, s15, s11, $0xb8;
	[tilespmem:$0x1D80] =	vst v63  }
0x7b: {  	_ =	swait.ge [sflag:s9], $0x80  }
0x7c: {  	[sflag:s9] =	ssyncset.done $0x0  }
0x7d: {  	[sflag:s9] =	ssyncadd.s32 $0xFFFFFF80  }
0x7e: {  	[spmem:s2] =	stream.indirect.scatter.add.f32 [tilespmem:s12], [sflag:$0x1], $0x1, s16, s11, $0xb8;
	[tilespmem:$0x1D80] =	vst v63  }
0x7f: {  	_ =	swait.ge [sflag:s9], $0x80  }
0x80: {  	[sflag:s9] =	ssyncset.done $0x0  }
0x81: {  	[sflag:s9] =	ssyncadd.s32 $0xFFFFFF80  }
0x82: {  	[spmem:s2] =	stream.indirect.scatter.add.f32 [tilespmem:s12], [sflag:$0x1], $0x1, s17, s11, $0xb8;
	[tilespmem:$0x1D80] =	vst v63  }
0x83: {  	_ =	swait.ge [sflag:s9], $0x80  }
0x84: {  	[sflag:s9] =	ssyncset.done $0x0  }
0x85: {  	[sflag:s9] =	ssyncadd.s32 $0xFFFFFF80  }
0x86: {  	[spmem:s2] =	stream.indirect.scatter.add.f32 [tilespmem:s12], [sflag:$0x1], $0x1, s18, s11, $0xb8;
	[tilespmem:$0x1D80] =	vst v63  }
0x87: {  	_ =	swait.ge [sflag:s9], $0x80  }
0x88: {  	[sflag:s9] =	ssyncset.done $0x0  }
0x89: {  	[sflag:s9] =	ssyncadd.s32 $0xFFFFFF80  }
0x8a: {  	[spmem:s2] =	stream.indirect.scatter.add.f32 [tilespmem:s12], [sflag:$0x1], $0x1, s19, s11, $0xb8;
	[tilespmem:$0x1D80] =	vst v63  }
0x8b: {  	_ =	swait.ge [sflag:s9], $0x80  }
0x8c: {  	s22 =	sadd.s32 $0x1, s22;
	[sflag:s9] =	ssyncset.done $0x0  }
0x8d: {  	p0 =	sne.s32 s22, s6;
	[sflag:s9] =	ssyncadd.s32 $0xFFFFFF80  }
.Ltmp2:
0x8e: {  	[bflag:$0x0] =	sbarrier.arrive $0xFFFF;
	(pc) =	sbr.rel @p0 .LBB2_1-.Ltmp2, $4  }
0x8f: {  	[hbm:s5], [sflag:s20] =	dma.local [spmem:s21], $0x190  }
0x90: {  	_ =	swait.ge [sflag:s9], $0x190  }
0x91: {  	[sflag:s9] =	ssyncset.done $0x0  }
0x92: {  	[sflag:s9] =	ssyncadd.s32 $0xFFFFFE70  }
0x93: {  	_ =	sfence.sel $0x180000  }
0x94: {  	[bflag:$0x0] =	sbarrier.arrive $0xFFFF  }
0x95: {  	p0 =	sne.s32 s0, $0x0;
	_ =	strace $0x90000047  }
0x96: {  	s0 =	sadd.s32 @!p0 $0x100000, s1;
	[bflag:$0x2] =	sbarrier.arrive $0xFFFF  }
0x97: {  	[sflag:s0] =	ssyncadd.tile.s32 @!p0 $0x1;
	_ =	shalt  }
.Lfunc_end2:
_tile_overlayer_lowered:
.L_overlay_start_2:
0x98: {  	(tag) =	ssettag $0x2  }
0x99: {  	s0 =	rddreg [dreg:$0x0];
	s2 =	stileid.u32  }
0x9a: {  	s1 =	rddreg [dreg:$0x1];
	p0 =	sne.s32 s2, $0x0  }
0x9b: {  	s3 =	rddreg [dreg:$0x2];
	[bflag:$0x3] =	sbarrier.arrive $0xFFFF;
	s2 =	simm.s32 @!p0 $0x1C01  }
0x9c: {  	[timem:s3], [sflag:s2] =	dma.local @!p0 [hbm:s0], s1  }
0x9d: {  	s0 =	simm.s32 @!p0 $0x1  }
0x9e: {  	_ =	swait.ge @!p0 [sflag:s0], s1  }
0x9f: {  	s1 =	ssub.s32 @!p0 $0x0, s1;
	[sflag:s0] =	ssyncset.done @!p0 $0x0  }
0xa0: {  	[sflag:s0] =	ssyncadd.s32 @!p0 s1  }
0xa1: {  	[bflag:$0x3] =	sbarrier.arrive $0xFFFF  }
0xa2: {  	_ =	shalt  }

</sc_bundles>
